<compile_context>
chip_gen: v7x
topology: tpu7x:2x2x1
jax: 0.10.2.dev20260603
libtpu: 0.0.44.dev20260713+nightly
codegen_flags: <defaults>
</compile_context>

<pallas_src>
import functools

import jax
import jax.numpy as jnp
from jax import lax
from jax.experimental import pallas as pl
from jax.experimental.pallas import tpu as pltpu
from jax.experimental.pallas import tpu_sc as plsc

B, H, W, C = 8, 224, 224, 96
N = H * W * C
ND2 = N // 2
SLAB_OUT = W * C // 2
NC, NS = 2, 16
HPW = H // 4
NBUF = 2

_mesh = plsc.VectorSubcoreMesh(core_axis_name="c", subcore_axis_name="s")


@functools.partial(
    pl.kernel,
    mesh=_mesh,
    out_type=jax.ShapeDtypeStruct((B, 2, ND2), jnp.float32),
    scratch_types=[
        pltpu.VMEM((NBUF, C, W), jnp.float32),
        pltpu.VMEM((NBUF, 2, SLAB_OUT), jnp.float32),
        pltpu.SemaphoreType.DMA,
        pltpu.SemaphoreType.DMA,
        pltpu.SemaphoreType.DMA,
        pltpu.SemaphoreType.DMA,
    ],
    compiler_params=pltpu.CompilerParams(
        needs_layout_passes=False,
        use_tc_tiling_on_sc=True,
        disable_bounds_checks=True,
    ),
)
def _deinterleave(in_hbm, out_hbm, ibuf, obuf, sin0, sin1, sout0, sout1):
    wid = lax.axis_index("s") * NC + lax.axis_index("c")
    ex = wid // 4
    q = wid % 4
    h0 = q * HPW
    sins = (sin0, sin1)
    souts = (sout0, sout1)
    lane = lax.iota(jnp.int32, 16)

    lane48 = lane * 48
    colvs = [lane + 16 * wb for wb in range(W // 16)]
    ridxs = [lane * 0, lane * 0 + 1]

    def in_copy(h, slot):
        return pltpu.make_async_copy(
            in_hbm.at[ex, h0 + h], ibuf.at[slot], sins[slot]
        )

    def out_copy(h, slot):
        dst = pl.multiple_of((h0 + h) * SLAB_OUT, 128)
        return pltpu.make_async_copy(
            obuf.at[slot], out_hbm.at[ex, :, pl.ds(dst, SLAB_OUT)], souts[slot]
        )

    in_copy(0, 0).start()
    in_copy(1, 1).start()

    def outer(k0, _):
        for slot in range(NBUF):
            h = k0 * NBUF + slot
            in_copy(h, slot).wait()

            @pl.when(k0 > 0)
            def _():
                out_copy(h, slot).wait()

            src = ibuf.at[slot]

            dst = obuf.at[slot]

            for r in range(2):
                @plsc.parallel_loop(0, 48)
                def _loop(d, r=r):
                    t = d + lane
                    c2 = jnp.where(t >= 48, t - 48, t)
                    jbase = lane48 + c2
                    rowv = c2 * 2 + r if r else c2 * 2
                    for wb in range(W // 16):
                        val = plsc.load_gather(src, [rowv, colvs[wb]])
                        jv = jbase + 768 * wb
                        plsc.store_scatter(dst, [ridxs[r], jv], val)
            out_copy(h, slot).start()

            @pl.when(h + NBUF < HPW)
            def _():
                in_copy(h + NBUF, slot).start()

        return 0

    lax.fori_loop(0, HPW // NBUF, outer, 0)
    for slot in range(NBUF):
        out_copy(HPW - NBUF + slot, slot).wait()


def kernel(input_tensor):
    xt = jnp.transpose(input_tensor, (0, 1, 3, 2))
    return _deinterleave(xt)

# --- scband reference (transcript-rebuilt; emitter-appended) ---
"""Pipeline reference for scband-split-layer-25494925869559 (READ-ONLY COPY).

The authoritative reference and input builder live on the scoring server;
editing this copy changes nothing except your own understanding.
"""

import jax, jax.numpy as jnp
import numpy as np

B, H, W, C = 8, 224, 224, 96
N = H * W * C
_mask = np.zeros(N, dtype=np.int32)
_mask[::2] = 1
IDX1 = jnp.asarray(np.nonzero(_mask)[0].astype(np.int32))
IDX2 = jnp.asarray(np.nonzero(1 - _mask)[0].astype(np.int32))


def setup_inputs(seed: int = 0) -> dict:
    key = jax.random.key(seed)
    x = jax.random.normal(key, (B, H, W, C), dtype=jnp.float32)
    return {"input_tensor": x}


def reference(input_tensor):
    # Flatten (keep batch dim), then split via boolean-mask-equivalent gathers
    flat = input_tensor.reshape(input_tensor.shape[0], -1)
    t1 = jnp.take(flat, IDX1, axis=1)  # elements where split_mask == 1
    t2 = jnp.take(flat, IDX2, axis=1)  # elements where split_mask == 0
    out = jnp.stack([t1, t2], axis=1)  # [B, 2, N/2]
    return out

if __name__ == "__main__":
    import jax
    _d = setup_inputs()
    print(jax.jit(kernel)(*tuple(_d.values())))

</pallas_src>

<mosaic_0001>
#map = affine_map<(d0, d1) -> (0, 0, 0, 0)>
#map1 = affine_map<(d0, d1) -> (0, 0, 0)>
module attributes {stable_mosaic.version = 14 : i64} {
  func.func @_deinterleave(%arg0: i32, %arg1: i32, %arg2: memref<8x224x96x224xf32, #tpu.memory_space<hbm>>, %arg3: memref<8x2x2408448xf32, #tpu.memory_space<hbm>>, %arg4: memref<2x96x224xf32, #tpu.memory_space<vmem>>, %arg5: memref<2x2x10752xf32, #tpu.memory_space<vmem>>, %arg6: memref<!tpu.dma_semaphore, #tpu.memory_space<semaphore_mem>>, %arg7: memref<!tpu.dma_semaphore, #tpu.memory_space<semaphore_mem>>, %arg8: memref<!tpu.dma_semaphore, #tpu.memory_space<semaphore_mem>>, %arg9: memref<!tpu.dma_semaphore, #tpu.memory_space<semaphore_mem>>) attributes {dimension_semantics = [#tpu.dimension_semantics<core_parallel>, #tpu.dimension_semantics<subcore_parallel>], iteration_bounds = array<i64: 2, 16>, scalar_prefetch = 0 : i64, scratch_operands = 6 : i64, tpu.core_type = #tpu.core_type<sc_vector_subcore>, window_params = [{transform_indices = #map}, {transform_indices = #map1}]} {
    %mul3A = arith.constant 2 : i32
    %mul3A_0 = arith.muli %arg1, %mul3A : i32
    %add3A = arith.addi %mul3A_0, %arg0 : i32
    %jit3A = arith.constant 4 : i32
    %div3A = arith.divsi %add3A, %jit3A : i32
    %sign3A = arith.constant 0 : i32
    %sign3A_1 = arith.cmpi sgt, %add3A, %sign3A : i32
    %sign3A_2 = arith.extui %sign3A_1 : i1 to i32
    %sign3A_3 = arith.constant 0 : i32
    %sign3A_4 = arith.cmpi slt, %add3A, %sign3A_3 : i32
    %sign3A_5 = arith.extui %sign3A_4 : i1 to i32
    %sign3A_6 = arith.subi %sign3A_2, %sign3A_5 : i32
    %sign3A_7 = arith.constant 0 : i32
    %sign3A_8 = arith.cmpi sgt, %jit3A, %sign3A_7 : i32
    %sign3A_9 = arith.extui %sign3A_8 : i1 to i32
    %sign3A_10 = arith.constant 0 : i32
    %sign3A_11 = arith.cmpi slt, %jit3A, %sign3A_10 : i32
    %sign3A_12 = arith.extui %sign3A_11 : i1 to i32
    %sign3A_13 = arith.subi %sign3A_9, %sign3A_12 : i32
    %ne3A = arith.cmpi ne, %sign3A_6, %sign3A_13 : i32
    %rem3A = arith.remsi %add3A, %jit3A : i32
    %ne3A_14 = arith.constant 0 : i32
    %ne3A_15 = arith.cmpi ne, %rem3A, %ne3A_14 : i32
    %and3A = arith.andi %ne3A, %ne3A_15 : i1
    %sub3A = arith.constant 1 : i32
    %sub3A_16 = arith.subi %div3A, %sub3A : i32
    %select_n3A = arith.select %and3A, %sub3A_16, %div3A : i32
    %jit3A_17 = arith.constant 4 : i32
    %eq3A = arith.constant 0 : i32
    %eq3A_18 = arith.cmpi eq, %jit3A_17, %eq3A : i32
    %jit3A_19 = arith.constant 1 : i32
    %select_n3A_20 = arith.select %eq3A_18, %jit3A_19, %jit3A_17 : i32
    %rem3A_21 = arith.remsi %add3A, %select_n3A_20 : i32
    %ne3A_22 = arith.constant 0 : i32
    %ne3A_23 = arith.cmpi ne, %rem3A_21, %ne3A_22 : i32
    %lt3A = arith.constant 0 : i32
    %lt3A_24 = arith.cmpi slt, %rem3A_21, %lt3A : i32
    %lt3A_25 = arith.constant 0 : i32
    %lt3A_26 = arith.cmpi slt, %select_n3A_20, %lt3A_25 : i32
    %ne3A_27 = arith.xori %lt3A_24, %lt3A_26 : i1
    %and3A_28 = arith.andi %ne3A_27, %ne3A_23 : i1
    %add3A_29 = arith.addi %rem3A_21, %select_n3A_20 : i32
    %select_n3A_30 = arith.select %and3A_28, %add3A_29, %rem3A_21 : i32
    %mul3A_31 = arith.constant 56 : i32
    %mul3A_32 = arith.muli %select_n3A_30, %mul3A_31 : i32
    %iota3A = tpu.iota {dimensions = array<i32: 0>} : vector<16xi32>
    %mul3A_33 = arith.constant 48 : i32
    %mul3A_34 = vector.broadcast %mul3A_33 : i32 to vector<16xi32>
    %mul3A_35 = arith.muli %iota3A, %mul3A_34 : vector<16xi32>
    %add3A_36 = arith.constant 0 : i32
    %add3A_37 = vector.broadcast %add3A_36 : i32 to vector<16xi32>
    %add3A_38 = arith.addi %iota3A, %add3A_37 : vector<16xi32>
    %add3A_39 = arith.constant 16 : i32
    %add3A_40 = vector.broadcast %add3A_39 : i32 to vector<16xi32>
    %add3A_41 = arith.addi %iota3A, %add3A_40 : vector<16xi32>
    %add3A_42 = arith.constant 32 : i32
    %add3A_43 = vector.broadcast %add3A_42 : i32 to vector<16xi32>
    %add3A_44 = arith.addi %iota3A, %add3A_43 : vector<16xi32>
    %add3A_45 = arith.constant 48 : i32
    %add3A_46 = vector.broadcast %add3A_45 : i32 to vector<16xi32>
    %add3A_47 = arith.addi %iota3A, %add3A_46 : vector<16xi32>
    %add3A_48 = arith.constant 64 : i32
    %add3A_49 = vector.broadcast %add3A_48 : i32 to vector<16xi32>
    %add3A_50 = arith.addi %iota3A, %add3A_49 : vector<16xi32>
    %add3A_51 = arith.constant 80 : i32
    %add3A_52 = vector.broadcast %add3A_51 : i32 to vector<16xi32>
    %add3A_53 = arith.addi %iota3A, %add3A_52 : vector<16xi32>
    %add3A_54 = arith.constant 96 : i32
    %add3A_55 = vector.broadcast %add3A_54 : i32 to vector<16xi32>
    %add3A_56 = arith.addi %iota3A, %add3A_55 : vector<16xi32>
    %add3A_57 = arith.constant 112 : i32
    %add3A_58 = vector.broadcast %add3A_57 : i32 to vector<16xi32>
    %add3A_59 = arith.addi %iota3A, %add3A_58 : vector<16xi32>
    %add3A_60 = arith.constant 128 : i32
    %add3A_61 = vector.broadcast %add3A_60 : i32 to vector<16xi32>
    %add3A_62 = arith.addi %iota3A, %add3A_61 : vector<16xi32>
    %add3A_63 = arith.constant 144 : i32
    %add3A_64 = vector.broadcast %add3A_63 : i32 to vector<16xi32>
    %add3A_65 = arith.addi %iota3A, %add3A_64 : vector<16xi32>
    %add3A_66 = arith.constant 160 : i32
    %add3A_67 = vector.broadcast %add3A_66 : i32 to vector<16xi32>
    %add3A_68 = arith.addi %iota3A, %add3A_67 : vector<16xi32>
    %add3A_69 = arith.constant 176 : i32
    %add3A_70 = vector.broadcast %add3A_69 : i32 to vector<16xi32>
    %add3A_71 = arith.addi %iota3A, %add3A_70 : vector<16xi32>
    %add3A_72 = arith.constant 192 : i32
    %add3A_73 = vector.broadcast %add3A_72 : i32 to vector<16xi32>
    %add3A_74 = arith.addi %iota3A, %add3A_73 : vector<16xi32>
    %add3A_75 = arith.constant 208 : i32
    %add3A_76 = vector.broadcast %add3A_75 : i32 to vector<16xi32>
    %add3A_77 = arith.addi %iota3A, %add3A_76 : vector<16xi32>
    %mul3A_78 = arith.constant 0 : i32
    %mul3A_79 = vector.broadcast %mul3A_78 : i32 to vector<16xi32>
    %mul3A_80 = arith.muli %iota3A, %mul3A_79 : vector<16xi32>
    %mul3A_81 = arith.constant 0 : i32
    %mul3A_82 = vector.broadcast %mul3A_81 : i32 to vector<16xi32>
    %mul3A_83 = arith.muli %iota3A, %mul3A_82 : vector<16xi32>
    %add3A_84 = arith.constant 1 : i32
    %add3A_85 = vector.broadcast %add3A_84 : i32 to vector<16xi32>
    %add3A_86 = arith.addi %mul3A_83, %add3A_85 : vector<16xi32>
    %add3A_87 = arith.constant 0 : i32
    %add3A_88 = arith.addi %mul3A_32, %add3A_87 : i32
    %dma_start3A = arith.constant 0 : i32
    %dma_start3A_89 = arith.constant 0 : i32
    %dma_start3A_90 = arith.constant 0 : i32
    %dma_start3A_91 = tpu.memref_slice %arg4[%dma_start3A, %dma_start3A_89, %dma_start3A_90] : memref<2x96x224xf32, #tpu.memory_space<vmem>> -> memref<1x96x224xf32, #tpu.memory_space<vmem>>
    %dma_start3A_92 = tpu.memref_squeeze %dma_start3A_91 : memref<1x96x224xf32, #tpu.memory_space<vmem>> -> memref<96x224xf32, #tpu.memory_space<vmem>>
    %dma_start3A_93 = arith.constant 0 : i32
    %dma_start3A_94 = arith.constant 0 : i32
    %dma_start3A_95 = tpu.memref_slice %arg2[%select_n3A, %add3A_88, %dma_start3A_93, %dma_start3A_94] : memref<8x224x96x224xf32, #tpu.memory_space<hbm>> -> memref<1x1x96x224xf32, #tpu.memory_space<hbm>>
    %dma_start3A_96 = tpu.memref_squeeze %dma_start3A_95 : memref<1x1x96x224xf32, #tpu.memory_space<hbm>> -> memref<96x224xf32, #tpu.memory_space<hbm>>
    %dma_start3A_97 = arith.constant 0 : i32
    %dma_start3A_98 = arith.constant 0 : i32
    %dma_start3A_99 = tpu.memref_slice %arg4[%dma_start3A, %dma_start3A_97, %dma_start3A_98] : memref<2x96x224xf32, #tpu.memory_space<vmem>> -> memref<1x96x224xf32, #tpu.memory_space<vmem>>
    %dma_start3A_100 = tpu.memref_squeeze %dma_start3A_99 : memref<1x96x224xf32, #tpu.memory_space<vmem>> -> memref<96x224xf32, #tpu.memory_space<vmem>>
    %dma_start3A_101 = arith.constant 0 : i32
    %dma_start3A_102 = arith.constant 0 : i32
    %dma_start3A_103 = tpu.memref_slice %arg2[%select_n3A, %add3A_88, %dma_start3A_101, %dma_start3A_102] : memref<8x224x96x224xf32, #tpu.memory_space<hbm>> -> memref<1x1x96x224xf32, #tpu.memory_space<hbm>>
    %dma_start3A_104 = tpu.memref_squeeze %dma_start3A_103 : memref<1x1x96x224xf32, #tpu.memory_space<hbm>> -> memref<96x224xf32, #tpu.memory_space<hbm>>
    tpu.enqueue_dma source(%dma_start3A_104 : memref<96x224xf32, #tpu.memory_space<hbm>>) target(%dma_start3A_100 : memref<96x224xf32, #tpu.memory_space<vmem>>) target_semaphore(%arg6 : memref<!tpu.dma_semaphore, #tpu.memory_space<semaphore_mem>>)
    %add3A_105 = arith.constant 1 : i32
    %add3A_106 = arith.addi %mul3A_32, %add3A_105 : i32
    %dma_start3A_107 = arith.constant 1 : i32
    %dma_start3A_108 = arith.constant 0 : i32
    %dma_start3A_109 = arith.constant 0 : i32
    %dma_start3A_110 = tpu.memref_slice %arg4[%dma_start3A_107, %dma_start3A_108, %dma_start3A_109] : memref<2x96x224xf32, #tpu.memory_space<vmem>> -> memref<1x96x224xf32, #tpu.memory_space<vmem>>
    %dma_start3A_111 = tpu.memref_squeeze %dma_start3A_110 : memref<1x96x224xf32, #tpu.memory_space<vmem>> -> memref<96x224xf32, #tpu.memory_space<vmem>>
    %dma_start3A_112 = arith.constant 0 : i32
    %dma_start3A_113 = arith.constant 0 : i32
    %dma_start3A_114 = tpu.memref_slice %arg2[%select_n3A, %add3A_106, %dma_start3A_112, %dma_start3A_113] : memref<8x224x96x224xf32, #tpu.memory_space<hbm>> -> memref<1x1x96x224xf32, #tpu.memory_space<hbm>>
    %dma_start3A_115 = tpu.memref_squeeze %dma_start3A_114 : memref<1x1x96x224xf32, #tpu.memory_space<hbm>> -> memref<96x224xf32, #tpu.memory_space<hbm>>
    %dma_start3A_116 = arith.constant 0 : i32
    %dma_start3A_117 = arith.constant 0 : i32
    %dma_start3A_118 = tpu.memref_slice %arg4[%dma_start3A_107, %dma_start3A_116, %dma_start3A_117] : memref<2x96x224xf32, #tpu.memory_space<vmem>> -> memref<1x96x224xf32, #tpu.memory_space<vmem>>
    %dma_start3A_119 = tpu.memref_squeeze %dma_start3A_118 : memref<1x96x224xf32, #tpu.memory_space<vmem>> -> memref<96x224xf32, #tpu.memory_space<vmem>>
    %dma_start3A_120 = arith.constant 0 : i32
    %dma_start3A_121 = arith.constant 0 : i32
    %dma_start3A_122 = tpu.memref_slice %arg2[%select_n3A, %add3A_106, %dma_start3A_120, %dma_start3A_121] : memref<8x224x96x224xf32, #tpu.memory_space<hbm>> -> memref<1x1x96x224xf32, #tpu.memory_space<hbm>>
    %dma_start3A_123 = tpu.memref_squeeze %dma_start3A_122 : memref<1x1x96x224xf32, #tpu.memory_space<hbm>> -> memref<96x224xf32, #tpu.memory_space<hbm>>
    tpu.enqueue_dma source(%dma_start3A_123 : memref<96x224xf32, #tpu.memory_space<hbm>>) target(%dma_start3A_119 : memref<96x224xf32, #tpu.memory_space<vmem>>) target_semaphore(%arg7 : memref<!tpu.dma_semaphore, #tpu.memory_space<semaphore_mem>>)
    %scan3A = arith.constant 0 : i32
    %scan3A_124 = arith.constant 0 : i32
    %scan3A_125 = arith.constant 28 : i32
    %scan3A_126 = arith.addi %scan3A_124, %scan3A_125 : i32
    %scan3A_127 = arith.constant 1 : i32
    %scan3A_128 = scf.for %scan3A_168 = %scan3A_124 to %scan3A_126 step %scan3A_127 iter_args(%scan3A_169 = %scan3A) -> (i32)  : i32 {
      %mul3A_170 = arith.constant 2 : i32
      %mul3A_171 = arith.muli %scan3A_168, %mul3A_170 : i32
      %add3A_172 = arith.constant 0 : i32
      %add3A_173 = arith.addi %mul3A_171, %add3A_172 : i32
      %add3A_174 = arith.addi %mul3A_32, %add3A_173 : i32
      %dma_wait3A_175 = arith.constant 0 : i32
      %dma_wait3A_176 = arith.constant 0 : i32
      %dma_wait3A_177 = arith.constant 0 : i32
      %dma_wait3A_178 = tpu.memref_slice %arg4[%dma_wait3A_175, %dma_wait3A_176, %dma_wait3A_177] : memref<2x96x224xf32, #tpu.memory_space<vmem>> -> memref<1x96x224xf32, #tpu.memory_space<vmem>>
      %dma_wait3A_179 = tpu.memref_squeeze %dma_wait3A_178 : memref<1x96x224xf32, #tpu.memory_space<vmem>> -> memref<96x224xf32, #tpu.memory_space<vmem>>
      %dma_wait3A_180 = arith.constant 0 : i32
      %dma_wait3A_181 = arith.constant 0 : i32
      %dma_wait3A_182 = tpu.memref_slice %arg2[%select_n3A, %add3A_174, %dma_wait3A_180, %dma_wait3A_181] : memref<8x224x96x224xf32, #tpu.memory_space<hbm>> -> memref<1x1x96x224xf32, #tpu.memory_space<hbm>>
      %dma_wait3A_183 = tpu.memref_squeeze %dma_wait3A_182 : memref<1x1x96x224xf32, #tpu.memory_space<hbm>> -> memref<96x224xf32, #tpu.memory_space<hbm>>
      %dma_wait3A_184 = arith.constant 0 : i32
      %dma_wait3A_185 = arith.constant 0 : i32
      %dma_wait3A_186 = tpu.memref_slice %arg4[%dma_wait3A_175, %dma_wait3A_184, %dma_wait3A_185] : memref<2x96x224xf32, #tpu.memory_space<vmem>> -> memref<1x96x224xf32, #tpu.memory_space<vmem>>
      %dma_wait3A_187 = tpu.memref_squeeze %dma_wait3A_186 : memref<1x96x224xf32, #tpu.memory_space<vmem>> -> memref<96x224xf32, #tpu.memory_space<vmem>>
      %dma_wait3A_188 = arith.constant 0 : i32
      %dma_wait3A_189 = arith.constant 0 : i32
      %dma_wait3A_190 = tpu.memref_slice %arg2[%select_n3A, %add3A_174, %dma_wait3A_188, %dma_wait3A_189] : memref<8x224x96x224xf32, #tpu.memory_space<hbm>> -> memref<1x1x96x224xf32, #tpu.memory_space<hbm>>
      %dma_wait3A_191 = tpu.memref_squeeze %dma_wait3A_190 : memref<1x1x96x224xf32, #tpu.memory_space<hbm>> -> memref<96x224xf32, #tpu.memory_space<hbm>>
      tpu.wait_dma2 semaphore(%arg6 : memref<!tpu.dma_semaphore, #tpu.memory_space<semaphore_mem>>) src(%dma_wait3A_191 : memref<96x224xf32, #tpu.memory_space<hbm>>) dst(%dma_wait3A_187 : memref<96x224xf32, #tpu.memory_space<vmem>>)
      %gt3A = arith.constant 0 : i32
      %gt3A_192 = arith.cmpi sgt, %scan3A_168, %gt3A : i32
      %convert_element_type3A = arith.extui %gt3A_192 : i1 to i32
      %cond3A = arith.constant 0 : i32
      %cond3A_193 = arith.cmpi ne, %convert_element_type3A, %cond3A : i32
      scf.if %cond3A_193 {
        %add3A_293 = arith.addi %mul3A_32, %add3A_173 : i32
        %mul3A_294 = arith.constant 10752 : i32
        %mul3A_295 = arith.muli %add3A_293, %mul3A_294 : i32
        %multiple_of3A_296 = tpu.assume_multiple %mul3A_295, 128 : i32
        %dma_wait3A_297 = arith.constant 0 : i32
        %dma_wait3A_298 = arith.constant 0 : i32
        %dma_wait3A_299 = arith.constant 0 : i32
        %dma_wait3A_300 = tpu.memref_slice %arg5[%dma_wait3A_297, %dma_wait3A_298, %dma_wait3A_299] : memref<2x2x10752xf32, #tpu.memory_space<vmem>> -> memref<1x2x10752xf32, #tpu.memory_space<vmem>>
        %dma_wait3A_301 = tpu.memref_squeeze %dma_wait3A_300 : memref<1x2x10752xf32, #tpu.memory_space<vmem>> -> memref<2x10752xf32, #tpu.memory_space<vmem>>
        %dma_wait3A_302 = arith.constant 0 : i32
        %dma_wait3A_303 = tpu.memref_slice %arg3[%select_n3A, %dma_wait3A_302, %multiple_of3A_296] : memref<8x2x2408448xf32, #tpu.memory_space<hbm>> -> memref<1x2x10752xf32, #tpu.memory_space<hbm>>
        %dma_wait3A_304 = tpu.memref_squeeze %dma_wait3A_303 : memref<1x2x10752xf32, #tpu.memory_space<hbm>> -> memref<2x10752xf32, #tpu.memory_space<hbm>>
        %dma_wait3A_305 = arith.constant 0 : i32
        %dma_wait3A_306 = tpu.memref_slice %arg3[%select_n3A, %dma_wait3A_305, %multiple_of3A_296] : memref<8x2x2408448xf32, #tpu.memory_space<hbm>> -> memref<1x2x10752xf32, #tpu.memory_space<hbm>>
        %dma_wait3A_307 = tpu.memref_squeeze %dma_wait3A_306 : memref<1x2x10752xf32, #tpu.memory_space<hbm>> -> memref<2x10752xf32, #tpu.memory_space<hbm>>
        %dma_wait3A_308 = arith.constant 0 : i32
        %dma_wait3A_309 = arith.constant 0 : i32
        %dma_wait3A_310 = tpu.memref_slice %arg5[%dma_wait3A_297, %dma_wait3A_308, %dma_wait3A_309] : memref<2x2x10752xf32, #tpu.memory_space<vmem>> -> memref<1x2x10752xf32, #tpu.memory_space<vmem>>
        %dma_wait3A_311 = tpu.memref_squeeze %dma_wait3A_310 : memref<1x2x10752xf32, #tpu.memory_space<vmem>> -> memref<2x10752xf32, #tpu.memory_space<vmem>>
        tpu.wait_dma2 semaphore(%arg8 : memref<!tpu.dma_semaphore, #tpu.memory_space<semaphore_mem>>) src(%dma_wait3A_311 : memref<2x10752xf32, #tpu.memory_space<vmem>>) dst(%dma_wait3A_307 : memref<2x10752xf32, #tpu.memory_space<hbm>>)
      } else {
      }
      %parallel_loop3A = arith.constant 0 : i32
      %parallel_loop3A_194 = arith.constant 48 : i32
      %parallel_loop3A_195 = arith.constant 1 : i32
      %parallel_loop3A_196 = arith.constant 0 : i32
      %parallel_loop3A_197 = arith.constant 0 : i32
      scf.for %parallel_loop3A_293 = %parallel_loop3A to %parallel_loop3A_194 step %parallel_loop3A_195  : i32 {
        %parallel_loop3A_294 = vector.broadcast %parallel_loop3A_293 : i32 to vector<16xi32>
        %parallel_loop3A_295 = arith.addi %parallel_loop3A_294, %iota3A : vector<16xi32>
        %parallel_loop3A_296 = arith.constant 48 : i32
        %parallel_loop3A_297 = vector.broadcast %parallel_loop3A_296 : i32 to vector<16xi32>
        %parallel_loop3A_298 = arith.cmpi sge, %parallel_loop3A_295, %parallel_loop3A_297 : vector<16xi32>
        %parallel_loop3A_299 = arith.constant 48 : i32
        %parallel_loop3A_300 = vector.broadcast %parallel_loop3A_299 : i32 to vector<16xi32>
        %parallel_loop3A_301 = arith.subi %parallel_loop3A_295, %parallel_loop3A_300 : vector<16xi32>
        %parallel_loop3A_302 = arith.select %parallel_loop3A_298, %parallel_loop3A_301, %parallel_loop3A_295 : vector<16xi1>, vector<16xi32>
        %parallel_loop3A_303 = arith.addi %mul3A_35, %parallel_loop3A_302 : vector<16xi32>
        %parallel_loop3A_304 = arith.constant 2 : i32
        %parallel_loop3A_305 = vector.broadcast %parallel_loop3A_304 : i32 to vector<16xi32>
        %parallel_loop3A_306 = arith.muli %parallel_loop3A_302, %parallel_loop3A_305 : vector<16xi32>
        %parallel_loop3A_307 = arith.constant 0 : i32
        %parallel_loop3A_308 = arith.constant 0 : i32
        %parallel_loop3A_309 = tpu.memref_slice %arg4[%parallel_loop3A_196, %parallel_loop3A_307, %parallel_loop3A_308] : memref<2x96x224xf32, #tpu.memory_space<vmem>> -> memref<1x96x224xf32, #tpu.memory_space<vmem>>
        %parallel_loop3A_310 = tpu.memref_squeeze %parallel_loop3A_309 : memref<1x96x224xf32, #tpu.memory_space<vmem>> -> memref<96x224xf32, #tpu.memory_space<vmem>>
        %parallel_loop3A_311 = tpu.vector_load_idx %parallel_loop3A_310[%parallel_loop3A_306, %add3A_38] : memref<96x224xf32, #tpu.memory_space<vmem>>[vector<16xi32>, vector<16xi32>], vector<16xf32>,
        %parallel_loop3A_312 = arith.constant 0 : i32
        %parallel_loop3A_313 = vector.broadcast %parallel_loop3A_312 : i32 to vector<16xi32>
        %parallel_loop3A_314 = arith.addi %parallel_loop3A_303, %parallel_loop3A_313 : vector<16xi32>
        %parallel_loop3A_315 = arith.constant 0 : i32
        %parallel_loop3A_316 = arith.constant 0 : i32
        %parallel_loop3A_317 = tpu.memref_slice %arg5[%parallel_loop3A_197, %parallel_loop3A_315, %parallel_loop3A_316] : memref<2x2x10752xf32, #tpu.memory_space<vmem>> -> memref<1x2x10752xf32, #tpu.memory_space<vmem>>
        %parallel_loop3A_318 = tpu.memref_squeeze %parallel_loop3A_317 : memref<1x2x10752xf32, #tpu.memory_space<vmem>> -> memref<2x10752xf32, #tpu.memory_space<vmem>>
        tpu.vector_store_idx %parallel_loop3A_318[%mul3A_80, %parallel_loop3A_314], %parallel_loop3A_311 : memref<2x10752xf32, #tpu.memory_space<vmem>>[vector<16xi32>, vector<16xi32>], vector<16xf32>,
        %parallel_loop3A_319 = arith.constant 0 : i32
        %parallel_loop3A_320 = arith.constant 0 : i32
        %parallel_loop3A_321 = tpu.memref_slice %arg4[%parallel_loop3A_196, %parallel_loop3A_319, %parallel_loop3A_320] : memref<2x96x224xf32, #tpu.memory_space<vmem>> -> memref<1x96x224xf32, #tpu.memory_space<vmem>>
        %parallel_loop3A_322 = tpu.memref_squeeze %parallel_loop3A_321 : memref<1x96x224xf32, #tpu.memory_space<vmem>> -> memref<96x224xf32, #tpu.memory_space<vmem>>
        %parallel_loop3A_323 = tpu.vector_load_idx %parallel_loop3A_322[%parallel_loop3A_306, %add3A_41] : memref<96x224xf32, #tpu.memory_space<vmem>>[vector<16xi32>, vector<16xi32>], vector<16xf32>,
        %parallel_loop3A_324 = arith.constant 768 : i32
        %parallel_loop3A_325 = vector.broadcast %parallel_loop3A_324 : i32 to vector<16xi32>
        %parallel_loop3A_326 = arith.addi %parallel_loop3A_303, %parallel_loop3A_325 : vector<16xi32>
        %parallel_loop3A_327 = arith.constant 0 : i32
        %parallel_loop3A_328 = arith.constant 0 : i32
        %parallel_loop3A_329 = tpu.memref_slice %arg5[%parallel_loop3A_197, %parallel_loop3A_327, %parallel_loop3A_328] : memref<2x2x10752xf32, #tpu.memory_space<vmem>> -> memref<1x2x10752xf32, #tpu.memory_space<vmem>>
        %parallel_loop3A_330 = tpu.memref_squeeze %parallel_loop3A_329 : memref<1x2x10752xf32, #tpu.memory_space<vmem>> -> memref<2x10752xf32, #tpu.memory_space<vmem>>
        tpu.vector_store_idx %parallel_loop3A_330[%mul3A_80, %parallel_loop3A_326], %parallel_loop3A_323 : memref<2x10752xf32, #tpu.memory_space<vmem>>[vector<16xi32>, vector<16xi32>], vector<16xf32>,
        %parallel_loop3A_331 = arith.constant 0 : i32
        %parallel_loop3A_332 = arith.constant 0 : i32
        %parallel_loop3A_333 = tpu.memref_slice %arg4[%parallel_loop3A_196, %parallel_loop3A_331, %parallel_loop3A_332] : memref<2x96x224xf32, #tpu.memory_space<vmem>> -> memref<1x96x224xf32, #tpu.memory_space<vmem>>
        %parallel_loop3A_334 = tpu.memref_squeeze %parallel_loop3A_333 : memref<1x96x224xf32, #tpu.memory_space<vmem>> -> memref<96x224xf32, #tpu.memory_space<vmem>>
        %parallel_loop3A_335 = tpu.vector_load_idx %parallel_loop3A_334[%parallel_loop3A_306, %add3A_44] : memref<96x224xf32, #tpu.memory_space<vmem>>[vector<16xi32>, vector<16xi32>], vector<16xf32>,
        %parallel_loop3A_336 = arith.constant 1536 : i32
        %parallel_loop3A_337 = vector.broadcast %parallel_loop3A_336 : i32 to vector<16xi32>
        %parallel_loop3A_338 = arith.addi %parallel_loop3A_303, %parallel_loop3A_337 : vector<16xi32>
        %parallel_loop3A_339 = arith.constant 0 : i32
        %parallel_loop3A_340 = arith.constant 0 : i32
        %parallel_loop3A_341 = tpu.memref_slice %arg5[%parallel_loop3A_197, %parallel_loop3A_339, %parallel_loop3A_340] : memref<2x2x10752xf32, #tpu.memory_space<vmem>> -> memref<1x2x10752xf32, #tpu.memory_space<vmem>>
        %parallel_loop3A_342 = tpu.memref_squeeze %parallel_loop3A_341 : memref<1x2x10752xf32, #tpu.memory_space<vmem>> -> memref<2x10752xf32, #tpu.memory_space<vmem>>
        tpu.vector_store_idx %parallel_loop3A_342[%mul3A_80, %parallel_loop3A_338], %parallel_loop3A_335 : memref<2x10752xf32, #tpu.memory_space<vmem>>[vector<16xi32>, vector<16xi32>], vector<16xf32>,
        %parallel_loop3A_343 = arith.constant 0 : i32
        %parallel_loop3A_344 = arith.constant 0 : i32
        %parallel_loop3A_345 = tpu.memref_slice %arg4[%parallel_loop3A_196, %parallel_loop3A_343, %parallel_loop3A_344] : memref<2x96x224xf32, #tpu.memory_space<vmem>> -> memref<1x96x224xf32, #tpu.memory_space<vmem>>
        %parallel_loop3A_346 = tpu.memref_squeeze %parallel_loop3A_345 : memref<1x96x224xf32, #tpu.memory_space<vmem>> -> memref<96x224xf32, #tpu.memory_space<vmem>>
        %parallel_loop3A_347 = tpu.vector_load_idx %parallel_loop3A_346[%parallel_loop3A_306, %add3A_47] : memref<96x224xf32, #tpu.memory_space<vmem>>[vector<16xi32>, vector<16xi32>], vector<16xf32>,
        %parallel_loop3A_348 = arith.constant 2304 : i32
        %parallel_loop3A_349 = vector.broadcast %parallel_loop3A_348 : i32 to vector<16xi32>
        %parallel_loop3A_350 = arith.addi %parallel_loop3A_303, %parallel_loop3A_349 : vector<16xi32>
        %parallel_loop3A_351 = arith.constant 0 : i32
        %parallel_loop3A_352 = arith.constant 0 : i32
        %parallel_loop3A_353 = tpu.memref_slice %arg5[%parallel_loop3A_197, %parallel_loop3A_351, %parallel_loop3A_352] : memref<2x2x10752xf32, #tpu.memory_space<vmem>> -> memref<1x2x10752xf32, #tpu.memory_space<vmem>>
        %parallel_loop3A_354 = tpu.memref_squeeze %parallel_loop3A_353 : memref<1x2x10752xf32, #tpu.memory_space<vmem>> -> memref<2x10752xf32, #tpu.memory_space<vmem>>
        tpu.vector_store_idx %parallel_loop3A_354[%mul3A_80, %parallel_loop3A_350], %parallel_loop3A_347 : memref<2x10752xf32, #tpu.memory_space<vmem>>[vector<16xi32>, vector<16xi32>], vector<16xf32>,
        %parallel_loop3A_355 = arith.constant 0 : i32
        %parallel_loop3A_356 = arith.constant 0 : i32
        %parallel_loop3A_357 = tpu.memref_slice %arg4[%parallel_loop3A_196, %parallel_loop3A_355, %parallel_loop3A_356] : memref<2x96x224xf32, #tpu.memory_space<vmem>> -> memref<1x96x224xf32, #tpu.memory_space<vmem>>
        %parallel_loop3A_358 = tpu.memref_squeeze %parallel_loop3A_357 : memref<1x96x224xf32, #tpu.memory_space<vmem>> -> memref<96x224xf32, #tpu.memory_space<vmem>>
        %parallel_loop3A_359 = tpu.vector_load_idx %parallel_loop3A_358[%parallel_loop3A_306, %add3A_50] : memref<96x224xf32, #tpu.memory_space<vmem>>[vector<16xi32>, vector<16xi32>], vector<16xf32>,
        %parallel_loop3A_360 = arith.constant 3072 : i32
        %parallel_loop3A_361 = vector.broadcast %parallel_loop3A_360 : i32 to vector<16xi32>
        %parallel_loop3A_362 = arith.addi %parallel_loop3A_303, %parallel_loop3A_361 : vector<16xi32>
        %parallel_loop3A_363 = arith.constant 0 : i32
        %parallel_loop3A_364 = arith.constant 0 : i32
        %parallel_loop3A_365 = tpu.memref_slice %arg5[%parallel_loop3A_197, %parallel_loop3A_363, %parallel_loop3A_364] : memref<2x2x10752xf32, #tpu.memory_space<vmem>> -> memref<1x2x10752xf32, #tpu.memory_space<vmem>>
        %parallel_loop3A_366 = tpu.memref_squeeze %parallel_loop3A_365 : memref<1x2x10752xf32, #tpu.memory_space<vmem>> -> memref<2x10752xf32, #tpu.memory_space<vmem>>
        tpu.vector_store_idx %parallel_loop3A_366[%mul3A_80, %parallel_loop3A_362], %parallel_loop3A_359 : memref<2x10752xf32, #tpu.memory_space<vmem>>[vector<16xi32>, vector<16xi32>], vector<16xf32>,
        %parallel_loop3A_367 = arith.constant 0 : i32
        %parallel_loop3A_368 = arith.constant 0 : i32
        %parallel_loop3A_369 = tpu.memref_slice %arg4[%parallel_loop3A_196, %parallel_loop3A_367, %parallel_loop3A_368] : memref<2x96x224xf32, #tpu.memory_space<vmem>> -> memref<1x96x224xf32, #tpu.memory_space<vmem>>
        %parallel_loop3A_370 = tpu.memref_squeeze %parallel_loop3A_369 : memref<1x96x224xf32, #tpu.memory_space<vmem>> -> memref<96x224xf32, #tpu.memory_space<vmem>>
        %parallel_loop3A_371 = tpu.vector_load_idx %parallel_loop3A_370[%parallel_loop3A_306, %add3A_53] : memref<96x224xf32, #tpu.memory_space<vmem>>[vector<16xi32>, vector<16xi32>], vector<16xf32>,
        %parallel_loop3A_372 = arith.constant 3840 : i32
        %parallel_loop3A_373 = vector.broadcast %parallel_loop3A_372 : i32 to vector<16xi32>
        %parallel_loop3A_374 = arith.addi %parallel_loop3A_303, %parallel_loop3A_373 : vector<16xi32>
        %parallel_loop3A_375 = arith.constant 0 : i32
        %parallel_loop3A_376 = arith.constant 0 : i32
        %parallel_loop3A_377 = tpu.memref_slice %arg5[%parallel_loop3A_197, %parallel_loop3A_375, %parallel_loop3A_376] : memref<2x2x10752xf32, #tpu.memory_space<vmem>> -> memref<1x2x10752xf32, #tpu.memory_space<vmem>>
        %parallel_loop3A_378 = tpu.memref_squeeze %parallel_loop3A_377 : memref<1x2x10752xf32, #tpu.memory_space<vmem>> -> memref<2x10752xf32, #tpu.memory_space<vmem>>
        tpu.vector_store_idx %parallel_loop3A_378[%mul3A_80, %parallel_loop3A_374], %parallel_loop3A_371 : memref<2x10752xf32, #tpu.memory_space<vmem>>[vector<16xi32>, vector<16xi32>], vector<16xf32>,
        %parallel_loop3A_379 = arith.constant 0 : i32
        %parallel_loop3A_380 = arith.constant 0 : i32
        %parallel_loop3A_381 = tpu.memref_slice %arg4[%parallel_loop3A_196, %parallel_loop3A_379, %parallel_loop3A_380] : memref<2x96x224xf32, #tpu.memory_space<vmem>> -> memref<1x96x224xf32, #tpu.memory_space<vmem>>
        %parallel_loop3A_382 = tpu.memref_squeeze %parallel_loop3A_381 : memref<1x96x224xf32, #tpu.memory_space<vmem>> -> memref<96x224xf32, #tpu.memory_space<vmem>>
        %parallel_loop3A_383 = tpu.vector_load_idx %parallel_loop3A_382[%parallel_loop3A_306, %add3A_56] : memref<96x224xf32, #tpu.memory_space<vmem>>[vector<16xi32>, vector<16xi32>], vector<16xf32>,
        %parallel_loop3A_384 = arith.constant 4608 : i32
        %parallel_loop3A_385 = vector.broadcast %parallel_loop3A_384 : i32 to vector<16xi32>
        %parallel_loop3A_386 = arith.addi %parallel_loop3A_303, %parallel_loop3A_385 : vector<16xi32>
        %parallel_loop3A_387 = arith.constant 0 : i32
        %parallel_loop3A_388 = arith.constant 0 : i32
        %parallel_loop3A_389 = tpu.memref_slice %arg5[%parallel_loop3A_197, %parallel_loop3A_387, %parallel_loop3A_388] : memref<2x2x10752xf32, #tpu.memory_space<vmem>> -> memref<1x2x10752xf32, #tpu.memory_space<vmem>>
        %parallel_loop3A_390 = tpu.memref_squeeze %parallel_loop3A_389 : memref<1x2x10752xf32, #tpu.memory_space<vmem>> -> memref<2x10752xf32, #tpu.memory_space<vmem>>
        tpu.vector_store_idx %parallel_loop3A_390[%mul3A_80, %parallel_loop3A_386], %parallel_loop3A_383 : memref<2x10752xf32, #tpu.memory_space<vmem>>[vector<16xi32>, vector<16xi32>], vector<16xf32>,
        %parallel_loop3A_391 = arith.constant 0 : i32
        %parallel_loop3A_392 = arith.constant 0 : i32
        %parallel_loop3A_393 = tpu.memref_slice %arg4[%parallel_loop3A_196, %parallel_loop3A_391, %parallel_loop3A_392] : memref<2x96x224xf32, #tpu.memory_space<vmem>> -> memref<1x96x224xf32, #tpu.memory_space<vmem>>
        %parallel_loop3A_394 = tpu.memref_squeeze %parallel_loop3A_393 : memref<1x96x224xf32, #tpu.memory_space<vmem>> -> memref<96x224xf32, #tpu.memory_space<vmem>>
        %parallel_loop3A_395 = tpu.vector_load_idx %parallel_loop3A_394[%parallel_loop3A_306, %add3A_59] : memref<96x224xf32, #tpu.memory_space<vmem>>[vector<16xi32>, vector<16xi32>], vector<16xf32>,
        %parallel_loop3A_396 = arith.constant 5376 : i32
        %parallel_loop3A_397 = vector.broadcast %parallel_loop3A_396 : i32 to vector<16xi32>
        %parallel_loop3A_398 = arith.addi %parallel_loop3A_303, %parallel_loop3A_397 : vector<16xi32>
        %parallel_loop3A_399 = arith.constant 0 : i32
        %parallel_loop3A_400 = arith.constant 0 : i32
        %parallel_loop3A_401 = tpu.memref_slice %arg5[%parallel_loop3A_197, %parallel_loop3A_399, %parallel_loop3A_400] : memref<2x2x10752xf32, #tpu.memory_space<vmem>> -> memref<1x2x10752xf32, #tpu.memory_space<vmem>>
        %parallel_loop3A_402 = tpu.memref_squeeze %parallel_loop3A_401 : memref<1x2x10752xf32, #tpu.memory_space<vmem>> -> memref<2x10752xf32, #tpu.memory_space<vmem>>
        tpu.vector_store_idx %parallel_loop3A_402[%mul3A_80, %parallel_loop3A_398], %parallel_loop3A_395 : memref<2x10752xf32, #tpu.memory_space<vmem>>[vector<16xi32>, vector<16xi32>], vector<16xf32>,
        %parallel_loop3A_403 = arith.constant 0 : i32
        %parallel_loop3A_404 = arith.constant 0 : i32
        %parallel_loop3A_405 = tpu.memref_slice %arg4[%parallel_loop3A_196, %parallel_loop3A_403, %parallel_loop3A_404] : memref<2x96x224xf32, #tpu.memory_space<vmem>> -> memref<1x96x224xf32, #tpu.memory_space<vmem>>
        %parallel_loop3A_406 = tpu.memref_squeeze %parallel_loop3A_405 : memref<1x96x224xf32, #tpu.memory_space<vmem>> -> memref<96x224xf32, #tpu.memory_space<vmem>>
        %parallel_loop3A_407 = tpu.vector_load_idx %parallel_loop3A_406[%parallel_loop3A_306, %add3A_62] : memref<96x224xf32, #tpu.memory_space<vmem>>[vector<16xi32>, vector<16xi32>], vector<16xf32>,
        %parallel_loop3A_408 = arith.constant 6144 : i32
        %parallel_loop3A_409 = vector.broadcast %parallel_loop3A_408 : i32 to vector<16xi32>
        %parallel_loop3A_410 = arith.addi %parallel_loop3A_303, %parallel_loop3A_409 : vector<16xi32>
        %parallel_loop3A_411 = arith.constant 0 : i32
        %parallel_loop3A_412 = arith.constant 0 : i32
        %parallel_loop3A_413 = tpu.memref_slice %arg5[%parallel_loop3A_197, %parallel_loop3A_411, %parallel_loop3A_412] : memref<2x2x10752xf32, #tpu.memory_space<vmem>> -> memref<1x2x10752xf32, #tpu.memory_space<vmem>>
        %parallel_loop3A_414 = tpu.memref_squeeze %parallel_loop3A_413 : memref<1x2x10752xf32, #tpu.memory_space<vmem>> -> memref<2x10752xf32, #tpu.memory_space<vmem>>
        tpu.vector_store_idx %parallel_loop3A_414[%mul3A_80, %parallel_loop3A_410], %parallel_loop3A_407 : memref<2x10752xf32, #tpu.memory_space<vmem>>[vector<16xi32>, vector<16xi32>], vector<16xf32>,
        %parallel_loop3A_415 = arith.constant 0 : i32
        %parallel_loop3A_416 = arith.constant 0 : i32
        %parallel_loop3A_417 = tpu.memref_slice %arg4[%parallel_loop3A_196, %parallel_loop3A_415, %parallel_loop3A_416] : memref<2x96x224xf32, #tpu.memory_space<vmem>> -> memref<1x96x224xf32, #tpu.memory_space<vmem>>
        %parallel_loop3A_418 = tpu.memref_squeeze %parallel_loop3A_417 : memref<1x96x224xf32, #tpu.memory_space<vmem>> -> memref<96x224xf32, #tpu.memory_space<vmem>>
        %parallel_loop3A_419 = tpu.vector_load_idx %parallel_loop3A_418[%parallel_loop3A_306, %add3A_65] : memref<96x224xf32, #tpu.memory_space<vmem>>[vector<16xi32>, vector<16xi32>], vector<16xf32>,
        %parallel_loop3A_420 = arith.constant 6912 : i32
        %parallel_loop3A_421 = vector.broadcast %parallel_loop3A_420 : i32 to vector<16xi32>
        %parallel_loop3A_422 = arith.addi %parallel_loop3A_303, %parallel_loop3A_421 : vector<16xi32>
        %parallel_loop3A_423 = arith.constant 0 : i32
        %parallel_loop3A_424 = arith.constant 0 : i32
        %parallel_loop3A_425 = tpu.memref_slice %arg5[%parallel_loop3A_197, %parallel_loop3A_423, %parallel_loop3A_424] : memref<2x2x10752xf32, #tpu.memory_space<vmem>> -> memref<1x2x10752xf32, #tpu.memory_space<vmem>>
        %parallel_loop3A_426 = tpu.memref_squeeze %parallel_loop3A_425 : memref<1x2x10752xf32, #tpu.memory_space<vmem>> -> memref<2x10752xf32, #tpu.memory_space<vmem>>
        tpu.vector_store_idx %parallel_loop3A_426[%mul3A_80, %parallel_loop3A_422], %parallel_loop3A_419 : memref<2x10752xf32, #tpu.memory_space<vmem>>[vector<16xi32>, vector<16xi32>], vector<16xf32>,
        %parallel_loop3A_427 = arith.constant 0 : i32
        %parallel_loop3A_428 = arith.constant 0 : i32
        %parallel_loop3A_429 = tpu.memref_slice %arg4[%parallel_loop3A_196, %parallel_loop3A_427, %parallel_loop3A_428] : memref<2x96x224xf32, #tpu.memory_space<vmem>> -> memref<1x96x224xf32, #tpu.memory_space<vmem>>
        %parallel_loop3A_430 = tpu.memref_squeeze %parallel_loop3A_429 : memref<1x96x224xf32, #tpu.memory_space<vmem>> -> memref<96x224xf32, #tpu.memory_space<vmem>>
        %parallel_loop3A_431 = tpu.vector_load_idx %parallel_loop3A_430[%parallel_loop3A_306, %add3A_68] : memref<96x224xf32, #tpu.memory_space<vmem>>[vector<16xi32>, vector<16xi32>], vector<16xf32>,
        %parallel_loop3A_432 = arith.constant 7680 : i32
        %parallel_loop3A_433 = vector.broadcast %parallel_loop3A_432 : i32 to vector<16xi32>
        %parallel_loop3A_434 = arith.addi %parallel_loop3A_303, %parallel_loop3A_433 : vector<16xi32>
        %parallel_loop3A_435 = arith.constant 0 : i32
        %parallel_loop3A_436 = arith.constant 0 : i32
        %parallel_loop3A_437 = tpu.memref_slice %arg5[%parallel_loop3A_197, %parallel_loop3A_435, %parallel_loop3A_436] : memref<2x2x10752xf32, #tpu.memory_space<vmem>> -> memref<1x2x10752xf32, #tpu.memory_space<vmem>>
        %parallel_loop3A_438 = tpu.memref_squeeze %parallel_loop3A_437 : memref<1x2x10752xf32, #tpu.memory_space<vmem>> -> memref<2x10752xf32, #tpu.memory_space<vmem>>
        tpu.vector_store_idx %parallel_loop3A_438[%mul3A_80, %parallel_loop3A_434], %parallel_loop3A_431 : memref<2x10752xf32, #tpu.memory_space<vmem>>[vector<16xi32>, vector<16xi32>], vector<16xf32>,
        %parallel_loop3A_439 = arith.constant 0 : i32
        %parallel_loop3A_440 = arith.constant 0 : i32
        %parallel_loop3A_441 = tpu.memref_slice %arg4[%parallel_loop3A_196, %parallel_loop3A_439, %parallel_loop3A_440] : memref<2x96x224xf32, #tpu.memory_space<vmem>> -> memref<1x96x224xf32, #tpu.memory_space<vmem>>
        %parallel_loop3A_442 = tpu.memref_squeeze %parallel_loop3A_441 : memref<1x96x224xf32, #tpu.memory_space<vmem>> -> memref<96x224xf32, #tpu.memory_space<vmem>>
        %parallel_loop3A_443 = tpu.vector_load_idx %parallel_loop3A_442[%parallel_loop3A_306, %add3A_71] : memref<96x224xf32, #tpu.memory_space<vmem>>[vector<16xi32>, vector<16xi32>], vector<16xf32>,
        %parallel_loop3A_444 = arith.constant 8448 : i32
        %parallel_loop3A_445 = vector.broadcast %parallel_loop3A_444 : i32 to vector<16xi32>
        %parallel_loop3A_446 = arith.addi %parallel_loop3A_303, %parallel_loop3A_445 : vector<16xi32>
        %parallel_loop3A_447 = arith.constant 0 : i32
        %parallel_loop3A_448 = arith.constant 0 : i32
        %parallel_loop3A_449 = tpu.memref_slice %arg5[%parallel_loop3A_197, %parallel_loop3A_447, %parallel_loop3A_448] : memref<2x2x10752xf32, #tpu.memory_space<vmem>> -> memref<1x2x10752xf32, #tpu.memory_space<vmem>>
        %parallel_loop3A_450 = tpu.memref_squeeze %parallel_loop3A_449 : memref<1x2x10752xf32, #tpu.memory_space<vmem>> -> memref<2x10752xf32, #tpu.memory_space<vmem>>
        tpu.vector_store_idx %parallel_loop3A_450[%mul3A_80, %parallel_loop3A_446], %parallel_loop3A_443 : memref<2x10752xf32, #tpu.memory_space<vmem>>[vector<16xi32>, vector<16xi32>], vector<16xf32>,
        %parallel_loop3A_451 = arith.constant 0 : i32
        %parallel_loop3A_452 = arith.constant 0 : i32
        %parallel_loop3A_453 = tpu.memref_slice %arg4[%parallel_loop3A_196, %parallel_loop3A_451, %parallel_loop3A_452] : memref<2x96x224xf32, #tpu.memory_space<vmem>> -> memref<1x96x224xf32, #tpu.memory_space<vmem>>
        %parallel_loop3A_454 = tpu.memref_squeeze %parallel_loop3A_453 : memref<1x96x224xf32, #tpu.memory_space<vmem>> -> memref<96x224xf32, #tpu.memory_space<vmem>>
        %parallel_loop3A_455 = tpu.vector_load_idx %parallel_loop3A_454[%parallel_loop3A_306, %add3A_74] : memref<96x224xf32, #tpu.memory_space<vmem>>[vector<16xi32>, vector<16xi32>], vector<16xf32>,
        %parallel_loop3A_456 = arith.constant 9216 : i32
        %parallel_loop3A_457 = vector.broadcast %parallel_loop3A_456 : i32 to vector<16xi32>
        %parallel_loop3A_458 = arith.addi %parallel_loop3A_303, %parallel_loop3A_457 : vector<16xi32>
        %parallel_loop3A_459 = arith.constant 0 : i32
        %parallel_loop3A_460 = arith.constant 0 : i32
        %parallel_loop3A_461 = tpu.memref_slice %arg5[%parallel_loop3A_197, %parallel_loop3A_459, %parallel_loop3A_460] : memref<2x2x10752xf32, #tpu.memory_space<vmem>> -> memref<1x2x10752xf32, #tpu.memory_space<vmem>>
        %parallel_loop3A_462 = tpu.memref_squeeze %parallel_loop3A_461 : memref<1x2x10752xf32, #tpu.memory_space<vmem>> -> memref<2x10752xf32, #tpu.memory_space<vmem>>
        tpu.vector_store_idx %parallel_loop3A_462[%mul3A_80, %parallel_loop3A_458], %parallel_loop3A_455 : memref<2x10752xf32, #tpu.memory_space<vmem>>[vector<16xi32>, vector<16xi32>], vector<16xf32>,
        %parallel_loop3A_463 = arith.constant 0 : i32
        %parallel_loop3A_464 = arith.constant 0 : i32
        %parallel_loop3A_465 = tpu.memref_slice %arg4[%parallel_loop3A_196, %parallel_loop3A_463, %parallel_loop3A_464] : memref<2x96x224xf32, #tpu.memory_space<vmem>> -> memref<1x96x224xf32, #tpu.memory_space<vmem>>
        %parallel_loop3A_466 = tpu.memref_squeeze %parallel_loop3A_465 : memref<1x96x224xf32, #tpu.memory_space<vmem>> -> memref<96x224xf32, #tpu.memory_space<vmem>>
        %parallel_loop3A_467 = tpu.vector_load_idx %parallel_loop3A_466[%parallel_loop3A_306, %add3A_77] : memref<96x224xf32, #tpu.memory_space<vmem>>[vector<16xi32>, vector<16xi32>], vector<16xf32>,
        %parallel_loop3A_468 = arith.constant 9984 : i32
        %parallel_loop3A_469 = vector.broadcast %parallel_loop3A_468 : i32 to vector<16xi32>
        %parallel_loop3A_470 = arith.addi %parallel_loop3A_303, %parallel_loop3A_469 : vector<16xi32>
        %parallel_loop3A_471 = arith.constant 0 : i32
        %parallel_loop3A_472 = arith.constant 0 : i32
        %parallel_loop3A_473 = tpu.memref_slice %arg5[%parallel_loop3A_197, %parallel_loop3A_471, %parallel_loop3A_472] : memref<2x2x10752xf32, #tpu.memory_space<vmem>> -> memref<1x2x10752xf32, #tpu.memory_space<vmem>>
        %parallel_loop3A_474 = tpu.memref_squeeze %parallel_loop3A_473 : memref<1x2x10752xf32, #tpu.memory_space<vmem>> -> memref<2x10752xf32, #tpu.memory_space<vmem>>
        tpu.vector_store_idx %parallel_loop3A_474[%mul3A_80, %parallel_loop3A_470], %parallel_loop3A_467 : memref<2x10752xf32, #tpu.memory_space<vmem>>[vector<16xi32>, vector<16xi32>], vector<16xf32>,
      } {sc.loop_unroll_factor = 1 : i64, sc.parallel_access}
      %parallel_loop3A_198 = arith.constant 0 : i32
      %parallel_loop3A_199 = arith.constant 48 : i32
      %parallel_loop3A_200 = arith.constant 1 : i32
      %parallel_loop3A_201 = arith.constant 0 : i32
      %parallel_loop3A_202 = arith.constant 0 : i32
      scf.for %parallel_loop3A_293 = %parallel_loop3A_198 to %parallel_loop3A_199 step %parallel_loop3A_200  : i32 {
        %parallel_loop3A_294 = vector.broadcast %parallel_loop3A_293 : i32 to vector<16xi32>
        %parallel_loop3A_295 = arith.addi %parallel_loop3A_294, %iota3A : vector<16xi32>
        %parallel_loop3A_296 = arith.constant 48 : i32
        %parallel_loop3A_297 = vector.broadcast %parallel_loop3A_296 : i32 to vector<16xi32>
        %parallel_loop3A_298 = arith.cmpi sge, %parallel_loop3A_295, %parallel_loop3A_297 : vector<16xi32>
        %parallel_loop3A_299 = arith.constant 48 : i32
        %parallel_loop3A_300 = vector.broadcast %parallel_loop3A_299 : i32 to vector<16xi32>
        %parallel_loop3A_301 = arith.subi %parallel_loop3A_295, %parallel_loop3A_300 : vector<16xi32>
        %parallel_loop3A_302 = arith.select %parallel_loop3A_298, %parallel_loop3A_301, %parallel_loop3A_295 : vector<16xi1>, vector<16xi32>
        %parallel_loop3A_303 = arith.addi %mul3A_35, %parallel_loop3A_302 : vector<16xi32>
        %parallel_loop3A_304 = arith.constant 2 : i32
        %parallel_loop3A_305 = vector.broadcast %parallel_loop3A_304 : i32 to vector<16xi32>
        %parallel_loop3A_306 = arith.muli %parallel_loop3A_302, %parallel_loop3A_305 : vector<16xi32>
        %parallel_loop3A_307 = arith.constant 1 : i32
        %parallel_loop3A_308 = vector.broadcast %parallel_loop3A_307 : i32 to vector<16xi32>
        %parallel_loop3A_309 = arith.addi %parallel_loop3A_306, %parallel_loop3A_308 : vector<16xi32>
        %parallel_loop3A_310 = arith.constant 0 : i32
        %parallel_loop3A_311 = arith.constant 0 : i32
        %parallel_loop3A_312 = tpu.memref_slice %arg4[%parallel_loop3A_201, %parallel_loop3A_310, %parallel_loop3A_311] : memref<2x96x224xf32, #tpu.memory_space<vmem>> -> memref<1x96x224xf32, #tpu.memory_space<vmem>>
        %parallel_loop3A_313 = tpu.memref_squeeze %parallel_loop3A_312 : memref<1x96x224xf32, #tpu.memory_space<vmem>> -> memref<96x224xf32, #tpu.memory_space<vmem>>
        %parallel_loop3A_314 = tpu.vector_load_idx %parallel_loop3A_313[%parallel_loop3A_309, %add3A_38] : memref<96x224xf32, #tpu.memory_space<vmem>>[vector<16xi32>, vector<16xi32>], vector<16xf32>,
        %parallel_loop3A_315 = arith.constant 0 : i32
        %parallel_loop3A_316 = vector.broadcast %parallel_loop3A_315 : i32 to vector<16xi32>
        %parallel_loop3A_317 = arith.addi %parallel_loop3A_303, %parallel_loop3A_316 : vector<16xi32>
        %parallel_loop3A_318 = arith.constant 0 : i32
        %parallel_loop3A_319 = arith.constant 0 : i32
        %parallel_loop3A_320 = tpu.memref_slice %arg5[%parallel_loop3A_202, %parallel_loop3A_318, %parallel_loop3A_319] : memref<2x2x10752xf32, #tpu.memory_space<vmem>> -> memref<1x2x10752xf32, #tpu.memory_space<vmem>>
        %parallel_loop3A_321 = tpu.memref_squeeze %parallel_loop3A_320 : memref<1x2x10752xf32, #tpu.memory_space<vmem>> -> memref<2x10752xf32, #tpu.memory_space<vmem>>
        tpu.vector_store_idx %parallel_loop3A_321[%add3A_86, %parallel_loop3A_317], %parallel_loop3A_314 : memref<2x10752xf32, #tpu.memory_space<vmem>>[vector<16xi32>, vector<16xi32>], vector<16xf32>,
        %parallel_loop3A_322 = arith.constant 0 : i32
        %parallel_loop3A_323 = arith.constant 0 : i32
        %parallel_loop3A_324 = tpu.memref_slice %arg4[%parallel_loop3A_201, %parallel_loop3A_322, %parallel_loop3A_323] : memref<2x96x224xf32, #tpu.memory_space<vmem>> -> memref<1x96x224xf32, #tpu.memory_space<vmem>>
        %parallel_loop3A_325 = tpu.memref_squeeze %parallel_loop3A_324 : memref<1x96x224xf32, #tpu.memory_space<vmem>> -> memref<96x224xf32, #tpu.memory_space<vmem>>
        %parallel_loop3A_326 = tpu.vector_load_idx %parallel_loop3A_325[%parallel_loop3A_309, %add3A_41] : memref<96x224xf32, #tpu.memory_space<vmem>>[vector<16xi32>, vector<16xi32>], vector<16xf32>,
        %parallel_loop3A_327 = arith.constant 768 : i32
        %parallel_loop3A_328 = vector.broadcast %parallel_loop3A_327 : i32 to vector<16xi32>
        %parallel_loop3A_329 = arith.addi %parallel_loop3A_303, %parallel_loop3A_328 : vector<16xi32>
        %parallel_loop3A_330 = arith.constant 0 : i32
        %parallel_loop3A_331 = arith.constant 0 : i32
        %parallel_loop3A_332 = tpu.memref_slice %arg5[%parallel_loop3A_202, %parallel_loop3A_330, %parallel_loop3A_331] : memref<2x2x10752xf32, #tpu.memory_space<vmem>> -> memref<1x2x10752xf32, #tpu.memory_space<vmem>>
        %parallel_loop3A_333 = tpu.memref_squeeze %parallel_loop3A_332 : memref<1x2x10752xf32, #tpu.memory_space<vmem>> -> memref<2x10752xf32, #tpu.memory_space<vmem>>
        tpu.vector_store_idx %parallel_loop3A_333[%add3A_86, %parallel_loop3A_329], %parallel_loop3A_326 : memref<2x10752xf32, #tpu.memory_space<vmem>>[vector<16xi32>, vector<16xi32>], vector<16xf32>,
        %parallel_loop3A_334 = arith.constant 0 : i32
        %parallel_loop3A_335 = arith.constant 0 : i32
        %parallel_loop3A_336 = tpu.memref_slice %arg4[%parallel_loop3A_201, %parallel_loop3A_334, %parallel_loop3A_335] : memref<2x96x224xf32, #tpu.memory_space<vmem>> -> memref<1x96x224xf32, #tpu.memory_space<vmem>>
        %parallel_loop3A_337 = tpu.memref_squeeze %parallel_loop3A_336 : memref<1x96x224xf32, #tpu.memory_space<vmem>> -> memref<96x224xf32, #tpu.memory_space<vmem>>
        %parallel_loop3A_338 = tpu.vector_load_idx %parallel_loop3A_337[%parallel_loop3A_309, %add3A_44] : memref<96x224xf32, #tpu.memory_space<vmem>>[vector<16xi32>, vector<16xi32>], vector<16xf32>,
        %parallel_loop3A_339 = arith.constant 1536 : i32
        %parallel_loop3A_340 = vector.broadcast %parallel_loop3A_339 : i32 to vector<16xi32>
        %parallel_loop3A_341 = arith.addi %parallel_loop3A_303, %parallel_loop3A_340 : vector<16xi32>
        %parallel_loop3A_342 = arith.constant 0 : i32
        %parallel_loop3A_343 = arith.constant 0 : i32
        %parallel_loop3A_344 = tpu.memref_slice %arg5[%parallel_loop3A_202, %parallel_loop3A_342, %parallel_loop3A_343] : memref<2x2x10752xf32, #tpu.memory_space<vmem>> -> memref<1x2x10752xf32, #tpu.memory_space<vmem>>
        %parallel_loop3A_345 = tpu.memref_squeeze %parallel_loop3A_344 : memref<1x2x10752xf32, #tpu.memory_space<vmem>> -> memref<2x10752xf32, #tpu.memory_space<vmem>>
        tpu.vector_store_idx %parallel_loop3A_345[%add3A_86, %parallel_loop3A_341], %parallel_loop3A_338 : memref<2x10752xf32, #tpu.memory_space<vmem>>[vector<16xi32>, vector<16xi32>], vector<16xf32>,
        %parallel_loop3A_346 = arith.constant 0 : i32
        %parallel_loop3A_347 = arith.constant 0 : i32
        %parallel_loop3A_348 = tpu.memref_slice %arg4[%parallel_loop3A_201, %parallel_loop3A_346, %parallel_loop3A_347] : memref<2x96x224xf32, #tpu.memory_space<vmem>> -> memref<1x96x224xf32, #tpu.memory_space<vmem>>
        %parallel_loop3A_349 = tpu.memref_squeeze %parallel_loop3A_348 : memref<1x96x224xf32, #tpu.memory_space<vmem>> -> memref<96x224xf32, #tpu.memory_space<vmem>>
        %parallel_loop3A_350 = tpu.vector_load_idx %parallel_loop3A_349[%parallel_loop3A_309, %add3A_47] : memref<96x224xf32, #tpu.memory_space<vmem>>[vector<16xi32>, vector<16xi32>], vector<16xf32>,
        %parallel_loop3A_351 = arith.constant 2304 : i32
        %parallel_loop3A_352 = vector.broadcast %parallel_loop3A_351 : i32 to vector<16xi32>
        %parallel_loop3A_353 = arith.addi %parallel_loop3A_303, %parallel_loop3A_352 : vector<16xi32>
        %parallel_loop3A_354 = arith.constant 0 : i32
        %parallel_loop3A_355 = arith.constant 0 : i32
        %parallel_loop3A_356 = tpu.memref_slice %arg5[%parallel_loop3A_202, %parallel_loop3A_354, %parallel_loop3A_355] : memref<2x2x10752xf32, #tpu.memory_space<vmem>> -> memref<1x2x10752xf32, #tpu.memory_space<vmem>>
        %parallel_loop3A_357 = tpu.memref_squeeze %parallel_loop3A_356 : memref<1x2x10752xf32, #tpu.memory_space<vmem>> -> memref<2x10752xf32, #tpu.memory_space<vmem>>
        tpu.vector_store_idx %parallel_loop3A_357[%add3A_86, %parallel_loop3A_353], %parallel_loop3A_350 : memref<2x10752xf32, #tpu.memory_space<vmem>>[vector<16xi32>, vector<16xi32>], vector<16xf32>,
        %parallel_loop3A_358 = arith.constant 0 : i32
        %parallel_loop3A_359 = arith.constant 0 : i32
        %parallel_loop3A_360 = tpu.memref_slice %arg4[%parallel_loop3A_201, %parallel_loop3A_358, %parallel_loop3A_359] : memref<2x96x224xf32, #tpu.memory_space<vmem>> -> memref<1x96x224xf32, #tpu.memory_space<vmem>>
        %parallel_loop3A_361 = tpu.memref_squeeze %parallel_loop3A_360 : memref<1x96x224xf32, #tpu.memory_space<vmem>> -> memref<96x224xf32, #tpu.memory_space<vmem>>
        %parallel_loop3A_362 = tpu.vector_load_idx %parallel_loop3A_361[%parallel_loop3A_309, %add3A_50] : memref<96x224xf32, #tpu.memory_space<vmem>>[vector<16xi32>, vector<16xi32>], vector<16xf32>,
        %parallel_loop3A_363 = arith.constant 3072 : i32
        %parallel_loop3A_364 = vector.broadcast %parallel_loop3A_363 : i32 to vector<16xi32>
        %parallel_loop3A_365 = arith.addi %parallel_loop3A_303, %parallel_loop3A_364 : vector<16xi32>
        %parallel_loop3A_366 = arith.constant 0 : i32
        %parallel_loop3A_367 = arith.constant 0 : i32
        %parallel_loop3A_368 = tpu.memref_slice %arg5[%parallel_loop3A_202, %parallel_loop3A_366, %parallel_loop3A_367] : memref<2x2x10752xf32, #tpu.memory_space<vmem>> -> memref<1x2x10752xf32, #tpu.memory_space<vmem>>
        %parallel_loop3A_369 = tpu.memref_squeeze %parallel_loop3A_368 : memref<1x2x10752xf32, #tpu.memory_space<vmem>> -> memref<2x10752xf32, #tpu.memory_space<vmem>>
        tpu.vector_store_idx %parallel_loop3A_369[%add3A_86, %parallel_loop3A_365], %parallel_loop3A_362 : memref<2x10752xf32, #tpu.memory_space<vmem>>[vector<16xi32>, vector<16xi32>], vector<16xf32>,
        %parallel_loop3A_370 = arith.constant 0 : i32
        %parallel_loop3A_371 = arith.constant 0 : i32
        %parallel_loop3A_372 = tpu.memref_slice %arg4[%parallel_loop3A_201, %parallel_loop3A_370, %parallel_loop3A_371] : memref<2x96x224xf32, #tpu.memory_space<vmem>> -> memref<1x96x224xf32, #tpu.memory_space<vmem>>
        %parallel_loop3A_373 = tpu.memref_squeeze %parallel_loop3A_372 : memref<1x96x224xf32, #tpu.memory_space<vmem>> -> memref<96x224xf32, #tpu.memory_space<vmem>>
        %parallel_loop3A_374 = tpu.vector_load_idx %parallel_loop3A_373[%parallel_loop3A_309, %add3A_53] : memref<96x224xf32, #tpu.memory_space<vmem>>[vector<16xi32>, vector<16xi32>], vector<16xf32>,
        %parallel_loop3A_375 = arith.constant 3840 : i32
        %parallel_loop3A_376 = vector.broadcast %parallel_loop3A_375 : i32 to vector<16xi32>
        %parallel_loop3A_377 = arith.addi %parallel_loop3A_303, %parallel_loop3A_376 : vector<16xi32>
        %parallel_loop3A_378 = arith.constant 0 : i32
        %parallel_loop3A_379 = arith.constant 0 : i32
        %parallel_loop3A_380 = tpu.memref_slice %arg5[%parallel_loop3A_202, %parallel_loop3A_378, %parallel_loop3A_379] : memref<2x2x10752xf32, #tpu.memory_space<vmem>> -> memref<1x2x10752xf32, #tpu.memory_space<vmem>>
        %parallel_loop3A_381 = tpu.memref_squeeze %parallel_loop3A_380 : memref<1x2x10752xf32, #tpu.memory_space<vmem>> -> memref<2x10752xf32, #tpu.memory_space<vmem>>
        tpu.vector_store_idx %parallel_loop3A_381[%add3A_86, %parallel_loop3A_377], %parallel_loop3A_374 : memref<2x10752xf32, #tpu.memory_space<vmem>>[vector<16xi32>, vector<16xi32>], vector<16xf32>,
        %parallel_loop3A_382 = arith.constant 0 : i32
        %parallel_loop3A_383 = arith.constant 0 : i32
        %parallel_loop3A_384 = tpu.memref_slice %arg4[%parallel_loop3A_201, %parallel_loop3A_382, %parallel_loop3A_383] : memref<2x96x224xf32, #tpu.memory_space<vmem>> -> memref<1x96x224xf32, #tpu.memory_space<vmem>>
        %parallel_loop3A_385 = tpu.memref_squeeze %parallel_loop3A_384 : memref<1x96x224xf32, #tpu.memory_space<vmem>> -> memref<96x224xf32, #tpu.memory_space<vmem>>
        %parallel_loop3A_386 = tpu.vector_load_idx %parallel_loop3A_385[%parallel_loop3A_309, %add3A_56] : memref<96x224xf32, #tpu.memory_space<vmem>>[vector<16xi32>, vector<16xi32>], vector<16xf32>,
        %parallel_loop3A_387 = arith.constant 4608 : i32
        %parallel_loop3A_388 = vector.broadcast %parallel_loop3A_387 : i32 to vector<16xi32>
        %parallel_loop3A_389 = arith.addi %parallel_loop3A_303, %parallel_loop3A_388 : vector<16xi32>
        %parallel_loop3A_390 = arith.constant 0 : i32
        %parallel_loop3A_391 = arith.constant 0 : i32
        %parallel_loop3A_392 = tpu.memref_slice %arg5[%parallel_loop3A_202, %parallel_loop3A_390, %parallel_loop3A_391] : memref<2x2x10752xf32, #tpu.memory_space<vmem>> -> memref<1x2x10752xf32, #tpu.memory_space<vmem>>
        %parallel_loop3A_393 = tpu.memref_squeeze %parallel_loop3A_392 : memref<1x2x10752xf32, #tpu.memory_space<vmem>> -> memref<2x10752xf32, #tpu.memory_space<vmem>>
        tpu.vector_store_idx %parallel_loop3A_393[%add3A_86, %parallel_loop3A_389], %parallel_loop3A_386 : memref<2x10752xf32, #tpu.memory_space<vmem>>[vector<16xi32>, vector<16xi32>], vector<16xf32>,
        %parallel_loop3A_394 = arith.constant 0 : i32
        %parallel_loop3A_395 = arith.constant 0 : i32
        %parallel_loop3A_396 = tpu.memref_slice %arg4[%parallel_loop3A_201, %parallel_loop3A_394, %parallel_loop3A_395] : memref<2x96x224xf32, #tpu.memory_space<vmem>> -> memref<1x96x224xf32, #tpu.memory_space<vmem>>
        %parallel_loop3A_397 = tpu.memref_squeeze %parallel_loop3A_396 : memref<1x96x224xf32, #tpu.memory_space<vmem>> -> memref<96x224xf32, #tpu.memory_space<vmem>>
        %parallel_loop3A_398 = tpu.vector_load_idx %parallel_loop3A_397[%parallel_loop3A_309, %add3A_59] : memref<96x224xf32, #tpu.memory_space<vmem>>[vector<16xi32>, vector<16xi32>], vector<16xf32>,
        %parallel_loop3A_399 = arith.constant 5376 : i32
        %parallel_loop3A_400 = vector.broadcast %parallel_loop3A_399 : i32 to vector<16xi32>
        %parallel_loop3A_401 = arith.addi %parallel_loop3A_303, %parallel_loop3A_400 : vector<16xi32>
        %parallel_loop3A_402 = arith.constant 0 : i32
        %parallel_loop3A_403 = arith.constant 0 : i32
        %parallel_loop3A_404 = tpu.memref_slice %arg5[%parallel_loop3A_202, %parallel_loop3A_402, %parallel_loop3A_403] : memref<2x2x10752xf32, #tpu.memory_space<vmem>> -> memref<1x2x10752xf32, #tpu.memory_space<vmem>>
        %parallel_loop3A_405 = tpu.memref_squeeze %parallel_loop3A_404 : memref<1x2x10752xf32, #tpu.memory_space<vmem>> -> memref<2x10752xf32, #tpu.memory_space<vmem>>
        tpu.vector_store_idx %parallel_loop3A_405[%add3A_86, %parallel_loop3A_401], %parallel_loop3A_398 : memref<2x10752xf32, #tpu.memory_space<vmem>>[vector<16xi32>, vector<16xi32>], vector<16xf32>,
        %parallel_loop3A_406 = arith.constant 0 : i32
        %parallel_loop3A_407 = arith.constant 0 : i32
        %parallel_loop3A_408 = tpu.memref_slice %arg4[%parallel_loop3A_201, %parallel_loop3A_406, %parallel_loop3A_407] : memref<2x96x224xf32, #tpu.memory_space<vmem>> -> memref<1x96x224xf32, #tpu.memory_space<vmem>>
        %parallel_loop3A_409 = tpu.memref_squeeze %parallel_loop3A_408 : memref<1x96x224xf32, #tpu.memory_space<vmem>> -> memref<96x224xf32, #tpu.memory_space<vmem>>
        %parallel_loop3A_410 = tpu.vector_load_idx %parallel_loop3A_409[%parallel_loop3A_309, %add3A_62] : memref<96x224xf32, #tpu.memory_space<vmem>>[vector<16xi32>, vector<16xi32>], vector<16xf32>,
        %parallel_loop3A_411 = arith.constant 6144 : i32
        %parallel_loop3A_412 = vector.broadcast %parallel_loop3A_411 : i32 to vector<16xi32>
        %parallel_loop3A_413 = arith.addi %parallel_loop3A_303, %parallel_loop3A_412 : vector<16xi32>
        %parallel_loop3A_414 = arith.constant 0 : i32
        %parallel_loop3A_415 = arith.constant 0 : i32
        %parallel_loop3A_416 = tpu.memref_slice %arg5[%parallel_loop3A_202, %parallel_loop3A_414, %parallel_loop3A_415] : memref<2x2x10752xf32, #tpu.memory_space<vmem>> -> memref<1x2x10752xf32, #tpu.memory_space<vmem>>
        %parallel_loop3A_417 = tpu.memref_squeeze %parallel_loop3A_416 : memref<1x2x10752xf32, #tpu.memory_space<vmem>> -> memref<2x10752xf32, #tpu.memory_space<vmem>>
        tpu.vector_store_idx %parallel_loop3A_417[%add3A_86, %parallel_loop3A_413], %parallel_loop3A_410 : memref<2x10752xf32, #tpu.memory_space<vmem>>[vector<16xi32>, vector<16xi32>], vector<16xf32>,
        %parallel_loop3A_418 = arith.constant 0 : i32
        %parallel_loop3A_419 = arith.constant 0 : i32
        %parallel_loop3A_420 = tpu.memref_slice %arg4[%parallel_loop3A_201, %parallel_loop3A_418, %parallel_loop3A_419] : memref<2x96x224xf32, #tpu.memory_space<vmem>> -> memref<1x96x224xf32, #tpu.memory_space<vmem>>
        %parallel_loop3A_421 = tpu.memref_squeeze %parallel_loop3A_420 : memref<1x96x224xf32, #tpu.memory_space<vmem>> -> memref<96x224xf32, #tpu.memory_space<vmem>>
        %parallel_loop3A_422 = tpu.vector_load_idx %parallel_loop3A_421[%parallel_loop3A_309, %add3A_65] : memref<96x224xf32, #tpu.memory_space<vmem>>[vector<16xi32>, vector<16xi32>], vector<16xf32>,
        %parallel_loop3A_423 = arith.constant 6912 : i32
        %parallel_loop3A_424 = vector.broadcast %parallel_loop3A_423 : i32 to vector<16xi32>
        %parallel_loop3A_425 = arith.addi %parallel_loop3A_303, %parallel_loop3A_424 : vector<16xi32>
        %parallel_loop3A_426 = arith.constant 0 : i32
        %parallel_loop3A_427 = arith.constant 0 : i32
        %parallel_loop3A_428 = tpu.memref_slice %arg5[%parallel_loop3A_202, %parallel_loop3A_426, %parallel_loop3A_427] : memref<2x2x10752xf32, #tpu.memory_space<vmem>> -> memref<1x2x10752xf32, #tpu.memory_space<vmem>>
        %parallel_loop3A_429 = tpu.memref_squeeze %parallel_loop3A_428 : memref<1x2x10752xf32, #tpu.memory_space<vmem>> -> memref<2x10752xf32, #tpu.memory_space<vmem>>
        tpu.vector_store_idx %parallel_loop3A_429[%add3A_86, %parallel_loop3A_425], %parallel_loop3A_422 : memref<2x10752xf32, #tpu.memory_space<vmem>>[vector<16xi32>, vector<16xi32>], vector<16xf32>,
        %parallel_loop3A_430 = arith.constant 0 : i32
        %parallel_loop3A_431 = arith.constant 0 : i32
        %parallel_loop3A_432 = tpu.memref_slice %arg4[%parallel_loop3A_201, %parallel_loop3A_430, %parallel_loop3A_431] : memref<2x96x224xf32, #tpu.memory_space<vmem>> -> memref<1x96x224xf32, #tpu.memory_space<vmem>>
        %parallel_loop3A_433 = tpu.memref_squeeze %parallel_loop3A_432 : memref<1x96x224xf32, #tpu.memory_space<vmem>> -> memref<96x224xf32, #tpu.memory_space<vmem>>
        %parallel_loop3A_434 = tpu.vector_load_idx %parallel_loop3A_433[%parallel_loop3A_309, %add3A_68] : memref<96x224xf32, #tpu.memory_space<vmem>>[vector<16xi32>, vector<16xi32>], vector<16xf32>,
        %parallel_loop3A_435 = arith.constant 7680 : i32
        %parallel_loop3A_436 = vector.broadcast %parallel_loop3A_435 : i32 to vector<16xi32>
        %parallel_loop3A_437 = arith.addi %parallel_loop3A_303, %parallel_loop3A_436 : vector<16xi32>
        %parallel_loop3A_438 = arith.constant 0 : i32
        %parallel_loop3A_439 = arith.constant 0 : i32
        %parallel_loop3A_440 = tpu.memref_slice %arg5[%parallel_loop3A_202, %parallel_loop3A_438, %parallel_loop3A_439] : memref<2x2x10752xf32, #tpu.memory_space<vmem>> -> memref<1x2x10752xf32, #tpu.memory_space<vmem>>
        %parallel_loop3A_441 = tpu.memref_squeeze %parallel_loop3A_440 : memref<1x2x10752xf32, #tpu.memory_space<vmem>> -> memref<2x10752xf32, #tpu.memory_space<vmem>>
        tpu.vector_store_idx %parallel_loop3A_441[%add3A_86, %parallel_loop3A_437], %parallel_loop3A_434 : memref<2x10752xf32, #tpu.memory_space<vmem>>[vector<16xi32>, vector<16xi32>], vector<16xf32>,
        %parallel_loop3A_442 = arith.constant 0 : i32
        %parallel_loop3A_443 = arith.constant 0 : i32
        %parallel_loop3A_444 = tpu.memref_slice %arg4[%parallel_loop3A_201, %parallel_loop3A_442, %parallel_loop3A_443] : memref<2x96x224xf32, #tpu.memory_space<vmem>> -> memref<1x96x224xf32, #tpu.memory_space<vmem>>
        %parallel_loop3A_445 = tpu.memref_squeeze %parallel_loop3A_444 : memref<1x96x224xf32, #tpu.memory_space<vmem>> -> memref<96x224xf32, #tpu.memory_space<vmem>>
        %parallel_loop3A_446 = tpu.vector_load_idx %parallel_loop3A_445[%parallel_loop3A_309, %add3A_71] : memref<96x224xf32, #tpu.memory_space<vmem>>[vector<16xi32>, vector<16xi32>], vector<16xf32>,
        %parallel_loop3A_447 = arith.constant 8448 : i32
        %parallel_loop3A_448 = vector.broadcast %parallel_loop3A_447 : i32 to vector<16xi32>
        %parallel_loop3A_449 = arith.addi %parallel_loop3A_303, %parallel_loop3A_448 : vector<16xi32>
        %parallel_loop3A_450 = arith.constant 0 : i32
        %parallel_loop3A_451 = arith.constant 0 : i32
        %parallel_loop3A_452 = tpu.memref_slice %arg5[%parallel_loop3A_202, %parallel_loop3A_450, %parallel_loop3A_451] : memref<2x2x10752xf32, #tpu.memory_space<vmem>> -> memref<1x2x10752xf32, #tpu.memory_space<vmem>>
        %parallel_loop3A_453 = tpu.memref_squeeze %parallel_loop3A_452 : memref<1x2x10752xf32, #tpu.memory_space<vmem>> -> memref<2x10752xf32, #tpu.memory_space<vmem>>
        tpu.vector_store_idx %parallel_loop3A_453[%add3A_86, %parallel_loop3A_449], %parallel_loop3A_446 : memref<2x10752xf32, #tpu.memory_space<vmem>>[vector<16xi32>, vector<16xi32>], vector<16xf32>,
        %parallel_loop3A_454 = arith.constant 0 : i32
        %parallel_loop3A_455 = arith.constant 0 : i32
        %parallel_loop3A_456 = tpu.memref_slice %arg4[%parallel_loop3A_201, %parallel_loop3A_454, %parallel_loop3A_455] : memref<2x96x224xf32, #tpu.memory_space<vmem>> -> memref<1x96x224xf32, #tpu.memory_space<vmem>>
        %parallel_loop3A_457 = tpu.memref_squeeze %parallel_loop3A_456 : memref<1x96x224xf32, #tpu.memory_space<vmem>> -> memref<96x224xf32, #tpu.memory_space<vmem>>
        %parallel_loop3A_458 = tpu.vector_load_idx %parallel_loop3A_457[%parallel_loop3A_309, %add3A_74] : memref<96x224xf32, #tpu.memory_space<vmem>>[vector<16xi32>, vector<16xi32>], vector<16xf32>,
        %parallel_loop3A_459 = arith.constant 9216 : i32
        %parallel_loop3A_460 = vector.broadcast %parallel_loop3A_459 : i32 to vector<16xi32>
        %parallel_loop3A_461 = arith.addi %parallel_loop3A_303, %parallel_loop3A_460 : vector<16xi32>
        %parallel_loop3A_462 = arith.constant 0 : i32
        %parallel_loop3A_463 = arith.constant 0 : i32
        %parallel_loop3A_464 = tpu.memref_slice %arg5[%parallel_loop3A_202, %parallel_loop3A_462, %parallel_loop3A_463] : memref<2x2x10752xf32, #tpu.memory_space<vmem>> -> memref<1x2x10752xf32, #tpu.memory_space<vmem>>
        %parallel_loop3A_465 = tpu.memref_squeeze %parallel_loop3A_464 : memref<1x2x10752xf32, #tpu.memory_space<vmem>> -> memref<2x10752xf32, #tpu.memory_space<vmem>>
        tpu.vector_store_idx %parallel_loop3A_465[%add3A_86, %parallel_loop3A_461], %parallel_loop3A_458 : memref<2x10752xf32, #tpu.memory_space<vmem>>[vector<16xi32>, vector<16xi32>], vector<16xf32>,
        %parallel_loop3A_466 = arith.constant 0 : i32
        %parallel_loop3A_467 = arith.constant 0 : i32
        %parallel_loop3A_468 = tpu.memref_slice %arg4[%parallel_loop3A_201, %parallel_loop3A_466, %parallel_loop3A_467] : memref<2x96x224xf32, #tpu.memory_space<vmem>> -> memref<1x96x224xf32, #tpu.memory_space<vmem>>
        %parallel_loop3A_469 = tpu.memref_squeeze %parallel_loop3A_468 : memref<1x96x224xf32, #tpu.memory_space<vmem>> -> memref<96x224xf32, #tpu.memory_space<vmem>>
        %parallel_loop3A_470 = tpu.vector_load_idx %parallel_loop3A_469[%parallel_loop3A_309, %add3A_77] : memref<96x224xf32, #tpu.memory_space<vmem>>[vector<16xi32>, vector<16xi32>], vector<16xf32>,
        %parallel_loop3A_471 = arith.constant 9984 : i32
        %parallel_loop3A_472 = vector.broadcast %parallel_loop3A_471 : i32 to vector<16xi32>
        %parallel_loop3A_473 = arith.addi %parallel_loop3A_303, %parallel_loop3A_472 : vector<16xi32>
        %parallel_loop3A_474 = arith.constant 0 : i32
        %parallel_loop3A_475 = arith.constant 0 : i32
        %parallel_loop3A_476 = tpu.memref_slice %arg5[%parallel_loop3A_202, %parallel_loop3A_474, %parallel_loop3A_475] : memref<2x2x10752xf32, #tpu.memory_space<vmem>> -> memref<1x2x10752xf32, #tpu.memory_space<vmem>>
        %parallel_loop3A_477 = tpu.memref_squeeze %parallel_loop3A_476 : memref<1x2x10752xf32, #tpu.memory_space<vmem>> -> memref<2x10752xf32, #tpu.memory_space<vmem>>
        tpu.vector_store_idx %parallel_loop3A_477[%add3A_86, %parallel_loop3A_473], %parallel_loop3A_470 : memref<2x10752xf32, #tpu.memory_space<vmem>>[vector<16xi32>, vector<16xi32>], vector<16xf32>,
      } {sc.loop_unroll_factor = 1 : i64, sc.parallel_access}
      %add3A_203 = arith.addi %mul3A_32, %add3A_173 : i32
      %mul3A_204 = arith.constant 10752 : i32
      %mul3A_205 = arith.muli %add3A_203, %mul3A_204 : i32
      %multiple_of3A_206 = tpu.assume_multiple %mul3A_205, 128 : i32
      %dma_start3A_207 = arith.constant 0 : i32
      %dma_start3A_208 = arith.constant 0 : i32
      %dma_start3A_209 = arith.constant 0 : i32
      %dma_start3A_210 = tpu.memref_slice %arg5[%dma_start3A_207, %dma_start3A_208, %dma_start3A_209] : memref<2x2x10752xf32, #tpu.memory_space<vmem>> -> memref<1x2x10752xf32, #tpu.memory_space<vmem>>
      %dma_start3A_211 = tpu.memref_squeeze %dma_start3A_210 : memref<1x2x10752xf32, #tpu.memory_space<vmem>> -> memref<2x10752xf32, #tpu.memory_space<vmem>>
      %dma_start3A_212 = arith.constant 0 : i32
      %dma_start3A_213 = tpu.memref_slice %arg3[%select_n3A, %dma_start3A_212, %multiple_of3A_206] : memref<8x2x2408448xf32, #tpu.memory_space<hbm>> -> memref<1x2x10752xf32, #tpu.memory_space<hbm>>
      %dma_start3A_214 = tpu.memref_squeeze %dma_start3A_213 : memref<1x2x10752xf32, #tpu.memory_space<hbm>> -> memref<2x10752xf32, #tpu.memory_space<hbm>>
      %dma_start3A_215 = arith.constant 0 : i32
      %dma_start3A_216 = tpu.memref_slice %arg3[%select_n3A, %dma_start3A_215, %multiple_of3A_206] : memref<8x2x2408448xf32, #tpu.memory_space<hbm>> -> memref<1x2x10752xf32, #tpu.memory_space<hbm>>
      %dma_start3A_217 = tpu.memref_squeeze %dma_start3A_216 : memref<1x2x10752xf32, #tpu.memory_space<hbm>> -> memref<2x10752xf32, #tpu.memory_space<hbm>>
      %dma_start3A_218 = arith.constant 0 : i32
      %dma_start3A_219 = arith.constant 0 : i32
      %dma_start3A_220 = tpu.memref_slice %arg5[%dma_start3A_207, %dma_start3A_218, %dma_start3A_219] : memref<2x2x10752xf32, #tpu.memory_space<vmem>> -> memref<1x2x10752xf32, #tpu.memory_space<vmem>>
      %dma_start3A_221 = tpu.memref_squeeze %dma_start3A_220 : memref<1x2x10752xf32, #tpu.memory_space<vmem>> -> memref<2x10752xf32, #tpu.memory_space<vmem>>
      tpu.enqueue_dma source(%dma_start3A_221 : memref<2x10752xf32, #tpu.memory_space<vmem>>) target(%dma_start3A_217 : memref<2x10752xf32, #tpu.memory_space<hbm>>) target_semaphore(%arg8 : memref<!tpu.dma_semaphore, #tpu.memory_space<semaphore_mem>>)
      %add3A_222 = arith.constant 2 : i32
      %add3A_223 = arith.addi %add3A_173, %add3A_222 : i32
      %lt3A_224 = arith.constant 56 : i32
      %lt3A_225 = arith.cmpi slt, %add3A_223, %lt3A_224 : i32
      %convert_element_type3A_226 = arith.extui %lt3A_225 : i1 to i32
      %cond3A_227 = arith.constant 0 : i32
      %cond3A_228 = arith.cmpi ne, %convert_element_type3A_226, %cond3A_227 : i32
      scf.if %cond3A_228 {
        %add3A_293 = arith.constant 2 : i32
        %add3A_294 = arith.addi %add3A_173, %add3A_293 : i32
        %add3A_295 = arith.addi %mul3A_32, %add3A_294 : i32
        %dma_start3A_296 = arith.constant 0 : i32
        %dma_start3A_297 = arith.constant 0 : i32
        %dma_start3A_298 = arith.constant 0 : i32
        %dma_start3A_299 = tpu.memref_slice %arg4[%dma_start3A_296, %dma_start3A_297, %dma_start3A_298] : memref<2x96x224xf32, #tpu.memory_space<vmem>> -> memref<1x96x224xf32, #tpu.memory_space<vmem>>
        %dma_start3A_300 = tpu.memref_squeeze %dma_start3A_299 : memref<1x96x224xf32, #tpu.memory_space<vmem>> -> memref<96x224xf32, #tpu.memory_space<vmem>>
        %dma_start3A_301 = arith.constant 0 : i32
        %dma_start3A_302 = arith.constant 0 : i32
        %dma_start3A_303 = tpu.memref_slice %arg2[%select_n3A, %add3A_295, %dma_start3A_301, %dma_start3A_302] : memref<8x224x96x224xf32, #tpu.memory_space<hbm>> -> memref<1x1x96x224xf32, #tpu.memory_space<hbm>>
        %dma_start3A_304 = tpu.memref_squeeze %dma_start3A_303 : memref<1x1x96x224xf32, #tpu.memory_space<hbm>> -> memref<96x224xf32, #tpu.memory_space<hbm>>
        %dma_start3A_305 = arith.constant 0 : i32
        %dma_start3A_306 = arith.constant 0 : i32
        %dma_start3A_307 = tpu.memref_slice %arg4[%dma_start3A_296, %dma_start3A_305, %dma_start3A_306] : memref<2x96x224xf32, #tpu.memory_space<vmem>> -> memref<1x96x224xf32, #tpu.memory_space<vmem>>
        %dma_start3A_308 = tpu.memref_squeeze %dma_start3A_307 : memref<1x96x224xf32, #tpu.memory_space<vmem>> -> memref<96x224xf32, #tpu.memory_space<vmem>>
        %dma_start3A_309 = arith.constant 0 : i32
        %dma_start3A_310 = arith.constant 0 : i32
        %dma_start3A_311 = tpu.memref_slice %arg2[%select_n3A, %add3A_295, %dma_start3A_309, %dma_start3A_310] : memref<8x224x96x224xf32, #tpu.memory_space<hbm>> -> memref<1x1x96x224xf32, #tpu.memory_space<hbm>>
        %dma_start3A_312 = tpu.memref_squeeze %dma_start3A_311 : memref<1x1x96x224xf32, #tpu.memory_space<hbm>> -> memref<96x224xf32, #tpu.memory_space<hbm>>
        tpu.enqueue_dma source(%dma_start3A_312 : memref<96x224xf32, #tpu.memory_space<hbm>>) target(%dma_start3A_308 : memref<96x224xf32, #tpu.memory_space<vmem>>) target_semaphore(%arg6 : memref<!tpu.dma_semaphore, #tpu.memory_space<semaphore_mem>>)
      } else {
      }
      %mul3A_229 = arith.constant 2 : i32
      %mul3A_230 = arith.muli %scan3A_168, %mul3A_229 : i32
      %add3A_231 = arith.constant 1 : i32
      %add3A_232 = arith.addi %mul3A_230, %add3A_231 : i32
      %add3A_233 = arith.addi %mul3A_32, %add3A_232 : i32
      %dma_wait3A_234 = arith.constant 1 : i32
      %dma_wait3A_235 = arith.constant 0 : i32
      %dma_wait3A_236 = arith.constant 0 : i32
      %dma_wait3A_237 = tpu.memref_slice %arg4[%dma_wait3A_234, %dma_wait3A_235, %dma_wait3A_236] : memref<2x96x224xf32, #tpu.memory_space<vmem>> -> memref<1x96x224xf32, #tpu.memory_space<vmem>>
      %dma_wait3A_238 = tpu.memref_squeeze %dma_wait3A_237 : memref<1x96x224xf32, #tpu.memory_space<vmem>> -> memref<96x224xf32, #tpu.memory_space<vmem>>
      %dma_wait3A_239 = arith.constant 0 : i32
      %dma_wait3A_240 = arith.constant 0 : i32
      %dma_wait3A_241 = tpu.memref_slice %arg2[%select_n3A, %add3A_233, %dma_wait3A_239, %dma_wait3A_240] : memref<8x224x96x224xf32, #tpu.memory_space<hbm>> -> memref<1x1x96x224xf32, #tpu.memory_space<hbm>>
      %dma_wait3A_242 = tpu.memref_squeeze %dma_wait3A_241 : memref<1x1x96x224xf32, #tpu.memory_space<hbm>> -> memref<96x224xf32, #tpu.memory_space<hbm>>
      %dma_wait3A_243 = arith.constant 0 : i32
      %dma_wait3A_244 = arith.constant 0 : i32
      %dma_wait3A_245 = tpu.memref_slice %arg4[%dma_wait3A_234, %dma_wait3A_243, %dma_wait3A_244] : memref<2x96x224xf32, #tpu.memory_space<vmem>> -> memref<1x96x224xf32, #tpu.memory_space<vmem>>
      %dma_wait3A_246 = tpu.memref_squeeze %dma_wait3A_245 : memref<1x96x224xf32, #tpu.memory_space<vmem>> -> memref<96x224xf32, #tpu.memory_space<vmem>>
      %dma_wait3A_247 = arith.constant 0 : i32
      %dma_wait3A_248 = arith.constant 0 : i32
      %dma_wait3A_249 = tpu.memref_slice %arg2[%select_n3A, %add3A_233, %dma_wait3A_247, %dma_wait3A_248] : memref<8x224x96x224xf32, #tpu.memory_space<hbm>> -> memref<1x1x96x224xf32, #tpu.memory_space<hbm>>
      %dma_wait3A_250 = tpu.memref_squeeze %dma_wait3A_249 : memref<1x1x96x224xf32, #tpu.memory_space<hbm>> -> memref<96x224xf32, #tpu.memory_space<hbm>>
      tpu.wait_dma2 semaphore(%arg7 : memref<!tpu.dma_semaphore, #tpu.memory_space<semaphore_mem>>) src(%dma_wait3A_250 : memref<96x224xf32, #tpu.memory_space<hbm>>) dst(%dma_wait3A_246 : memref<96x224xf32, #tpu.memory_space<vmem>>)
      %gt3A_251 = arith.constant 0 : i32
      %gt3A_252 = arith.cmpi sgt, %scan3A_168, %gt3A_251 : i32
      %convert_element_type3A_253 = arith.extui %gt3A_252 : i1 to i32
      %cond3A_254 = arith.constant 0 : i32
      %cond3A_255 = arith.cmpi ne, %convert_element_type3A_253, %cond3A_254 : i32
      scf.if %cond3A_255 {
        %add3A_293 = arith.addi %mul3A_32, %add3A_232 : i32
        %mul3A_294 = arith.constant 10752 : i32
        %mul3A_295 = arith.muli %add3A_293, %mul3A_294 : i32
        %multiple_of3A_296 = tpu.assume_multiple %mul3A_295, 128 : i32
        %dma_wait3A_297 = arith.constant 1 : i32
        %dma_wait3A_298 = arith.constant 0 : i32
        %dma_wait3A_299 = arith.constant 0 : i32
        %dma_wait3A_300 = tpu.memref_slice %arg5[%dma_wait3A_297, %dma_wait3A_298, %dma_wait3A_299] : memref<2x2x10752xf32, #tpu.memory_space<vmem>> -> memref<1x2x10752xf32, #tpu.memory_space<vmem>>
        %dma_wait3A_301 = tpu.memref_squeeze %dma_wait3A_300 : memref<1x2x10752xf32, #tpu.memory_space<vmem>> -> memref<2x10752xf32, #tpu.memory_space<vmem>>
        %dma_wait3A_302 = arith.constant 0 : i32
        %dma_wait3A_303 = tpu.memref_slice %arg3[%select_n3A, %dma_wait3A_302, %multiple_of3A_296] : memref<8x2x2408448xf32, #tpu.memory_space<hbm>> -> memref<1x2x10752xf32, #tpu.memory_space<hbm>>
        %dma_wait3A_304 = tpu.memref_squeeze %dma_wait3A_303 : memref<1x2x10752xf32, #tpu.memory_space<hbm>> -> memref<2x10752xf32, #tpu.memory_space<hbm>>
        %dma_wait3A_305 = arith.constant 0 : i32
        %dma_wait3A_306 = tpu.memref_slice %arg3[%select_n3A, %dma_wait3A_305, %multiple_of3A_296] : memref<8x2x2408448xf32, #tpu.memory_space<hbm>> -> memref<1x2x10752xf32, #tpu.memory_space<hbm>>
        %dma_wait3A_307 = tpu.memref_squeeze %dma_wait3A_306 : memref<1x2x10752xf32, #tpu.memory_space<hbm>> -> memref<2x10752xf32, #tpu.memory_space<hbm>>
        %dma_wait3A_308 = arith.constant 0 : i32
        %dma_wait3A_309 = arith.constant 0 : i32
        %dma_wait3A_310 = tpu.memref_slice %arg5[%dma_wait3A_297, %dma_wait3A_308, %dma_wait3A_309] : memref<2x2x10752xf32, #tpu.memory_space<vmem>> -> memref<1x2x10752xf32, #tpu.memory_space<vmem>>
        %dma_wait3A_311 = tpu.memref_squeeze %dma_wait3A_310 : memref<1x2x10752xf32, #tpu.memory_space<vmem>> -> memref<2x10752xf32, #tpu.memory_space<vmem>>
        tpu.wait_dma2 semaphore(%arg9 : memref<!tpu.dma_semaphore, #tpu.memory_space<semaphore_mem>>) src(%dma_wait3A_311 : memref<2x10752xf32, #tpu.memory_space<vmem>>) dst(%dma_wait3A_307 : memref<2x10752xf32, #tpu.memory_space<hbm>>)
      } else {
      }
      %parallel_loop3A_256 = arith.constant 0 : i32
      %parallel_loop3A_257 = arith.constant 48 : i32
      %parallel_loop3A_258 = arith.constant 1 : i32
      %parallel_loop3A_259 = arith.constant 1 : i32
      %parallel_loop3A_260 = arith.constant 1 : i32
      scf.for %parallel_loop3A_293 = %parallel_loop3A_256 to %parallel_loop3A_257 step %parallel_loop3A_258  : i32 {
        %parallel_loop3A_294 = vector.broadcast %parallel_loop3A_293 : i32 to vector<16xi32>
        %parallel_loop3A_295 = arith.addi %parallel_loop3A_294, %iota3A : vector<16xi32>
        %parallel_loop3A_296 = arith.constant 48 : i32
        %parallel_loop3A_297 = vector.broadcast %parallel_loop3A_296 : i32 to vector<16xi32>
        %parallel_loop3A_298 = arith.cmpi sge, %parallel_loop3A_295, %parallel_loop3A_297 : vector<16xi32>
        %parallel_loop3A_299 = arith.constant 48 : i32
        %parallel_loop3A_300 = vector.broadcast %parallel_loop3A_299 : i32 to vector<16xi32>
        %parallel_loop3A_301 = arith.subi %parallel_loop3A_295, %parallel_loop3A_300 : vector<16xi32>
        %parallel_loop3A_302 = arith.select %parallel_loop3A_298, %parallel_loop3A_301, %parallel_loop3A_295 : vector<16xi1>, vector<16xi32>
        %parallel_loop3A_303 = arith.addi %mul3A_35, %parallel_loop3A_302 : vector<16xi32>
        %parallel_loop3A_304 = arith.constant 2 : i32
        %parallel_loop3A_305 = vector.broadcast %parallel_loop3A_304 : i32 to vector<16xi32>
        %parallel_loop3A_306 = arith.muli %parallel_loop3A_302, %parallel_loop3A_305 : vector<16xi32>
        %parallel_loop3A_307 = arith.constant 0 : i32
        %parallel_loop3A_308 = arith.constant 0 : i32
        %parallel_loop3A_309 = tpu.memref_slice %arg4[%parallel_loop3A_259, %parallel_loop3A_307, %parallel_loop3A_308] : memref<2x96x224xf32, #tpu.memory_space<vmem>> -> memref<1x96x224xf32, #tpu.memory_space<vmem>>
        %parallel_loop3A_310 = tpu.memref_squeeze %parallel_loop3A_309 : memref<1x96x224xf32, #tpu.memory_space<vmem>> -> memref<96x224xf32, #tpu.memory_space<vmem>>
        %parallel_loop3A_311 = tpu.vector_load_idx %parallel_loop3A_310[%parallel_loop3A_306, %add3A_38] : memref<96x224xf32, #tpu.memory_space<vmem>>[vector<16xi32>, vector<16xi32>], vector<16xf32>,
        %parallel_loop3A_312 = arith.constant 0 : i32
        %parallel_loop3A_313 = vector.broadcast %parallel_loop3A_312 : i32 to vector<16xi32>
        %parallel_loop3A_314 = arith.addi %parallel_loop3A_303, %parallel_loop3A_313 : vector<16xi32>
        %parallel_loop3A_315 = arith.constant 0 : i32
        %parallel_loop3A_316 = arith.constant 0 : i32
        %parallel_loop3A_317 = tpu.memref_slice %arg5[%parallel_loop3A_260, %parallel_loop3A_315, %parallel_loop3A_316] : memref<2x2x10752xf32, #tpu.memory_space<vmem>> -> memref<1x2x10752xf32, #tpu.memory_space<vmem>>
        %parallel_loop3A_318 = tpu.memref_squeeze %parallel_loop3A_317 : memref<1x2x10752xf32, #tpu.memory_space<vmem>> -> memref<2x10752xf32, #tpu.memory_space<vmem>>
        tpu.vector_store_idx %parallel_loop3A_318[%mul3A_80, %parallel_loop3A_314], %parallel_loop3A_311 : memref<2x10752xf32, #tpu.memory_space<vmem>>[vector<16xi32>, vector<16xi32>], vector<16xf32>,
        %parallel_loop3A_319 = arith.constant 0 : i32
        %parallel_loop3A_320 = arith.constant 0 : i32
        %parallel_loop3A_321 = tpu.memref_slice %arg4[%parallel_loop3A_259, %parallel_loop3A_319, %parallel_loop3A_320] : memref<2x96x224xf32, #tpu.memory_space<vmem>> -> memref<1x96x224xf32, #tpu.memory_space<vmem>>
        %parallel_loop3A_322 = tpu.memref_squeeze %parallel_loop3A_321 : memref<1x96x224xf32, #tpu.memory_space<vmem>> -> memref<96x224xf32, #tpu.memory_space<vmem>>
        %parallel_loop3A_323 = tpu.vector_load_idx %parallel_loop3A_322[%parallel_loop3A_306, %add3A_41] : memref<96x224xf32, #tpu.memory_space<vmem>>[vector<16xi32>, vector<16xi32>], vector<16xf32>,
        %parallel_loop3A_324 = arith.constant 768 : i32
        %parallel_loop3A_325 = vector.broadcast %parallel_loop3A_324 : i32 to vector<16xi32>
        %parallel_loop3A_326 = arith.addi %parallel_loop3A_303, %parallel_loop3A_325 : vector<16xi32>
        %parallel_loop3A_327 = arith.constant 0 : i32
        %parallel_loop3A_328 = arith.constant 0 : i32
        %parallel_loop3A_329 = tpu.memref_slice %arg5[%parallel_loop3A_260, %parallel_loop3A_327, %parallel_loop3A_328] : memref<2x2x10752xf32, #tpu.memory_space<vmem>> -> memref<1x2x10752xf32, #tpu.memory_space<vmem>>
        %parallel_loop3A_330 = tpu.memref_squeeze %parallel_loop3A_329 : memref<1x2x10752xf32, #tpu.memory_space<vmem>> -> memref<2x10752xf32, #tpu.memory_space<vmem>>
        tpu.vector_store_idx %parallel_loop3A_330[%mul3A_80, %parallel_loop3A_326], %parallel_loop3A_323 : memref<2x10752xf32, #tpu.memory_space<vmem>>[vector<16xi32>, vector<16xi32>], vector<16xf32>,
        %parallel_loop3A_331 = arith.constant 0 : i32
        %parallel_loop3A_332 = arith.constant 0 : i32
        %parallel_loop3A_333 = tpu.memref_slice %arg4[%parallel_loop3A_259, %parallel_loop3A_331, %parallel_loop3A_332] : memref<2x96x224xf32, #tpu.memory_space<vmem>> -> memref<1x96x224xf32, #tpu.memory_space<vmem>>
        %parallel_loop3A_334 = tpu.memref_squeeze %parallel_loop3A_333 : memref<1x96x224xf32, #tpu.memory_space<vmem>> -> memref<96x224xf32, #tpu.memory_space<vmem>>
        %parallel_loop3A_335 = tpu.vector_load_idx %parallel_loop3A_334[%parallel_loop3A_306, %add3A_44] : memref<96x224xf32, #tpu.memory_space<vmem>>[vector<16xi32>, vector<16xi32>], vector<16xf32>,
        %parallel_loop3A_336 = arith.constant 1536 : i32
        %parallel_loop3A_337 = vector.broadcast %parallel_loop3A_336 : i32 to vector<16xi32>
        %parallel_loop3A_338 = arith.addi %parallel_loop3A_303, %parallel_loop3A_337 : vector<16xi32>
        %parallel_loop3A_339 = arith.constant 0 : i32
        %parallel_loop3A_340 = arith.constant 0 : i32
        %parallel_loop3A_341 = tpu.memref_slice %arg5[%parallel_loop3A_260, %parallel_loop3A_339, %parallel_loop3A_340] : memref<2x2x10752xf32, #tpu.memory_space<vmem>> -> memref<1x2x10752xf32, #tpu.memory_space<vmem>>
        %parallel_loop3A_342 = tpu.memref_squeeze %parallel_loop3A_341 : memref<1x2x10752xf32, #tpu.memory_space<vmem>> -> memref<2x10752xf32, #tpu.memory_space<vmem>>
        tpu.vector_store_idx %parallel_loop3A_342[%mul3A_80, %parallel_loop3A_338], %parallel_loop3A_335 : memref<2x10752xf32, #tpu.memory_space<vmem>>[vector<16xi32>, vector<16xi32>], vector<16xf32>,
        %parallel_loop3A_343 = arith.constant 0 : i32
        %parallel_loop3A_344 = arith.constant 0 : i32
        %parallel_loop3A_345 = tpu.memref_slice %arg4[%parallel_loop3A_259, %parallel_loop3A_343, %parallel_loop3A_344] : memref<2x96x224xf32, #tpu.memory_space<vmem>> -> memref<1x96x224xf32, #tpu.memory_space<vmem>>
        %parallel_loop3A_346 = tpu.memref_squeeze %parallel_loop3A_345 : memref<1x96x224xf32, #tpu.memory_space<vmem>> -> memref<96x224xf32, #tpu.memory_space<vmem>>
        %parallel_loop3A_347 = tpu.vector_load_idx %parallel_loop3A_346[%parallel_loop3A_306, %add3A_47] : memref<96x224xf32, #tpu.memory_space<vmem>>[vector<16xi32>, vector<16xi32>], vector<16xf32>,
        %parallel_loop3A_348 = arith.constant 2304 : i32
        %parallel_loop3A_349 = vector.broadcast %parallel_loop3A_348 : i32 to vector<16xi32>
        %parallel_loop3A_350 = arith.addi %parallel_loop3A_303, %parallel_loop3A_349 : vector<16xi32>
        %parallel_loop3A_351 = arith.constant 0 : i32
        %parallel_loop3A_352 = arith.constant 0 : i32
        %parallel_loop3A_353 = tpu.memref_slice %arg5[%parallel_loop3A_260, %parallel_loop3A_351, %parallel_loop3A_352] : memref<2x2x10752xf32, #tpu.memory_space<vmem>> -> memref<1x2x10752xf32, #tpu.memory_space<vmem>>
        %parallel_loop3A_354 = tpu.memref_squeeze %parallel_loop3A_353 : memref<1x2x10752xf32, #tpu.memory_space<vmem>> -> memref<2x10752xf32, #tpu.memory_space<vmem>>
        tpu.vector_store_idx %parallel_loop3A_354[%mul3A_80, %parallel_loop3A_350], %parallel_loop3A_347 : memref<2x10752xf32, #tpu.memory_space<vmem>>[vector<16xi32>, vector<16xi32>], vector<16xf32>,
        %parallel_loop3A_355 = arith.constant 0 : i32
        %parallel_loop3A_356 = arith.constant 0 : i32
        %parallel_loop3A_357 = tpu.memref_slice %arg4[%parallel_loop3A_259, %parallel_loop3A_355, %parallel_loop3A_356] : memref<2x96x224xf32, #tpu.memory_space<vmem>> -> memref<1x96x224xf32, #tpu.memory_space<vmem>>
        %parallel_loop3A_358 = tpu.memref_squeeze %parallel_loop3A_357 : memref<1x96x224xf32, #tpu.memory_space<vmem>> -> memref<96x224xf32, #tpu.memory_space<vmem>>
        %parallel_loop3A_359 = tpu.vector_load_idx %parallel_loop3A_358[%parallel_loop3A_306, %add3A_50] : memref<96x224xf32, #tpu.memory_space<vmem>>[vector<16xi32>, vector<16xi32>], vector<16xf32>,
        %parallel_loop3A_360 = arith.constant 3072 : i32
        %parallel_loop3A_361 = vector.broadcast %parallel_loop3A_360 : i32 to vector<16xi32>
        %parallel_loop3A_362 = arith.addi %parallel_loop3A_303, %parallel_loop3A_361 : vector<16xi32>
        %parallel_loop3A_363 = arith.constant 0 : i32
        %parallel_loop3A_364 = arith.constant 0 : i32
        %parallel_loop3A_365 = tpu.memref_slice %arg5[%parallel_loop3A_260, %parallel_loop3A_363, %parallel_loop3A_364] : memref<2x2x10752xf32, #tpu.memory_space<vmem>> -> memref<1x2x10752xf32, #tpu.memory_space<vmem>>
        %parallel_loop3A_366 = tpu.memref_squeeze %parallel_loop3A_365 : memref<1x2x10752xf32, #tpu.memory_space<vmem>> -> memref<2x10752xf32, #tpu.memory_space<vmem>>
        tpu.vector_store_idx %parallel_loop3A_366[%mul3A_80, %parallel_loop3A_362], %parallel_loop3A_359 : memref<2x10752xf32, #tpu.memory_space<vmem>>[vector<16xi32>, vector<16xi32>], vector<16xf32>,
        %parallel_loop3A_367 = arith.constant 0 : i32
        %parallel_loop3A_368 = arith.constant 0 : i32
        %parallel_loop3A_369 = tpu.memref_slice %arg4[%parallel_loop3A_259, %parallel_loop3A_367, %parallel_loop3A_368] : memref<2x96x224xf32, #tpu.memory_space<vmem>> -> memref<1x96x224xf32, #tpu.memory_space<vmem>>
        %parallel_loop3A_370 = tpu.memref_squeeze %parallel_loop3A_369 : memref<1x96x224xf32, #tpu.memory_space<vmem>> -> memref<96x224xf32, #tpu.memory_space<vmem>>
        %parallel_loop3A_371 = tpu.vector_load_idx %parallel_loop3A_370[%parallel_loop3A_306, %add3A_53] : memref<96x224xf32, #tpu.memory_space<vmem>>[vector<16xi32>, vector<16xi32>], vector<16xf32>,
        %parallel_loop3A_372 = arith.constant 3840 : i32
        %parallel_loop3A_373 = vector.broadcast %parallel_loop3A_372 : i32 to vector<16xi32>
        %parallel_loop3A_374 = arith.addi %parallel_loop3A_303, %parallel_loop3A_373 : vector<16xi32>
        %parallel_loop3A_375 = arith.constant 0 : i32
        %parallel_loop3A_376 = arith.constant 0 : i32
        %parallel_loop3A_377 = tpu.memref_slice %arg5[%parallel_loop3A_260, %parallel_loop3A_375, %parallel_loop3A_376] : memref<2x2x10752xf32, #tpu.memory_space<vmem>> -> memref<1x2x10752xf32, #tpu.memory_space<vmem>>
        %parallel_loop3A_378 = tpu.memref_squeeze %parallel_loop3A_377 : memref<1x2x10752xf32, #tpu.memory_space<vmem>> -> memref<2x10752xf32, #tpu.memory_space<vmem>>
        tpu.vector_store_idx %parallel_loop3A_378[%mul3A_80, %parallel_loop3A_374], %parallel_loop3A_371 : memref<2x10752xf32, #tpu.memory_space<vmem>>[vector<16xi32>, vector<16xi32>], vector<16xf32>,
        %parallel_loop3A_379 = arith.constant 0 : i32
        %parallel_loop3A_380 = arith.constant 0 : i32
        %parallel_loop3A_381 = tpu.memref_slice %arg4[%parallel_loop3A_259, %parallel_loop3A_379, %parallel_loop3A_380] : memref<2x96x224xf32, #tpu.memory_space<vmem>> -> memref<1x96x224xf32, #tpu.memory_space<vmem>>
        %parallel_loop3A_382 = tpu.memref_squeeze %parallel_loop3A_381 : memref<1x96x224xf32, #tpu.memory_space<vmem>> -> memref<96x224xf32, #tpu.memory_space<vmem>>
        %parallel_loop3A_383 = tpu.vector_load_idx %parallel_loop3A_382[%parallel_loop3A_306, %add3A_56] : memref<96x224xf32, #tpu.memory_space<vmem>>[vector<16xi32>, vector<16xi32>], vector<16xf32>,
        %parallel_loop3A_384 = arith.constant 4608 : i32
        %parallel_loop3A_385 = vector.broadcast %parallel_loop3A_384 : i32 to vector<16xi32>
        %parallel_loop3A_386 = arith.addi %parallel_loop3A_303, %parallel_loop3A_385 : vector<16xi32>
        %parallel_loop3A_387 = arith.constant 0 : i32
        %parallel_loop3A_388 = arith.constant 0 : i32
        %parallel_loop3A_389 = tpu.memref_slice %arg5[%parallel_loop3A_260, %parallel_loop3A_387, %parallel_loop3A_388] : memref<2x2x10752xf32, #tpu.memory_space<vmem>> -> memref<1x2x10752xf32, #tpu.memory_space<vmem>>
        %parallel_loop3A_390 = tpu.memref_squeeze %parallel_loop3A_389 : memref<1x2x10752xf32, #tpu.memory_space<vmem>> -> memref<2x10752xf32, #tpu.memory_space<vmem>>
        tpu.vector_store_idx %parallel_loop3A_390[%mul3A_80, %parallel_loop3A_386], %parallel_loop3A_383 : memref<2x10752xf32, #tpu.memory_space<vmem>>[vector<16xi32>, vector<16xi32>], vector<16xf32>,
        %parallel_loop3A_391 = arith.constant 0 : i32
        %parallel_loop3A_392 = arith.constant 0 : i32
        %parallel_loop3A_393 = tpu.memref_slice %arg4[%parallel_loop3A_259, %parallel_loop3A_391, %parallel_loop3A_392] : memref<2x96x224xf32, #tpu.memory_space<vmem>> -> memref<1x96x224xf32, #tpu.memory_space<vmem>>
        %parallel_loop3A_394 = tpu.memref_squeeze %parallel_loop3A_393 : memref<1x96x224xf32, #tpu.memory_space<vmem>> -> memref<96x224xf32, #tpu.memory_space<vmem>>
        %parallel_loop3A_395 = tpu.vector_load_idx %parallel_loop3A_394[%parallel_loop3A_306, %add3A_59] : memref<96x224xf32, #tpu.memory_space<vmem>>[vector<16xi32>, vector<16xi32>], vector<16xf32>,
        %parallel_loop3A_396 = arith.constant 5376 : i32
        %parallel_loop3A_397 = vector.broadcast %parallel_loop3A_396 : i32 to vector<16xi32>
        %parallel_loop3A_398 = arith.addi %parallel_loop3A_303, %parallel_loop3A_397 : vector<16xi32>
        %parallel_loop3A_399 = arith.constant 0 : i32
        %parallel_loop3A_400 = arith.constant 0 : i32
        %parallel_loop3A_401 = tpu.memref_slice %arg5[%parallel_loop3A_260, %parallel_loop3A_399, %parallel_loop3A_400] : memref<2x2x10752xf32, #tpu.memory_space<vmem>> -> memref<1x2x10752xf32, #tpu.memory_space<vmem>>
        %parallel_loop3A_402 = tpu.memref_squeeze %parallel_loop3A_401 : memref<1x2x10752xf32, #tpu.memory_space<vmem>> -> memref<2x10752xf32, #tpu.memory_space<vmem>>
        tpu.vector_store_idx %parallel_loop3A_402[%mul3A_80, %parallel_loop3A_398], %parallel_loop3A_395 : memref<2x10752xf32, #tpu.memory_space<vmem>>[vector<16xi32>, vector<16xi32>], vector<16xf32>,
        %parallel_loop3A_403 = arith.constant 0 : i32
        %parallel_loop3A_404 = arith.constant 0 : i32
        %parallel_loop3A_405 = tpu.memref_slice %arg4[%parallel_loop3A_259, %parallel_loop3A_403, %parallel_loop3A_404] : memref<2x96x224xf32, #tpu.memory_space<vmem>> -> memref<1x96x224xf32, #tpu.memory_space<vmem>>
        %parallel_loop3A_406 = tpu.memref_squeeze %parallel_loop3A_405 : memref<1x96x224xf32, #tpu.memory_space<vmem>> -> memref<96x224xf32, #tpu.memory_space<vmem>>
        %parallel_loop3A_407 = tpu.vector_load_idx %parallel_loop3A_406[%parallel_loop3A_306, %add3A_62] : memref<96x224xf32, #tpu.memory_space<vmem>>[vector<16xi32>, vector<16xi32>], vector<16xf32>,
        %parallel_loop3A_408 = arith.constant 6144 : i32
        %parallel_loop3A_409 = vector.broadcast %parallel_loop3A_408 : i32 to vector<16xi32>
        %parallel_loop3A_410 = arith.addi %parallel_loop3A_303, %parallel_loop3A_409 : vector<16xi32>
        %parallel_loop3A_411 = arith.constant 0 : i32
        %parallel_loop3A_412 = arith.constant 0 : i32
        %parallel_loop3A_413 = tpu.memref_slice %arg5[%parallel_loop3A_260, %parallel_loop3A_411, %parallel_loop3A_412] : memref<2x2x10752xf32, #tpu.memory_space<vmem>> -> memref<1x2x10752xf32, #tpu.memory_space<vmem>>
        %parallel_loop3A_414 = tpu.memref_squeeze %parallel_loop3A_413 : memref<1x2x10752xf32, #tpu.memory_space<vmem>> -> memref<2x10752xf32, #tpu.memory_space<vmem>>
        tpu.vector_store_idx %parallel_loop3A_414[%mul3A_80, %parallel_loop3A_410], %parallel_loop3A_407 : memref<2x10752xf32, #tpu.memory_space<vmem>>[vector<16xi32>, vector<16xi32>], vector<16xf32>,
        %parallel_loop3A_415 = arith.constant 0 : i32
        %parallel_loop3A_416 = arith.constant 0 : i32
        %parallel_loop3A_417 = tpu.memref_slice %arg4[%parallel_loop3A_259, %parallel_loop3A_415, %parallel_loop3A_416] : memref<2x96x224xf32, #tpu.memory_space<vmem>> -> memref<1x96x224xf32, #tpu.memory_space<vmem>>
        %parallel_loop3A_418 = tpu.memref_squeeze %parallel_loop3A_417 : memref<1x96x224xf32, #tpu.memory_space<vmem>> -> memref<96x224xf32, #tpu.memory_space<vmem>>
        %parallel_loop3A_419 = tpu.vector_load_idx %parallel_loop3A_418[%parallel_loop3A_306, %add3A_65] : memref<96x224xf32, #tpu.memory_space<vmem>>[vector<16xi32>, vector<16xi32>], vector<16xf32>,
        %parallel_loop3A_420 = arith.constant 6912 : i32
        %parallel_loop3A_421 = vector.broadcast %parallel_loop3A_420 : i32 to vector<16xi32>
        %parallel_loop3A_422 = arith.addi %parallel_loop3A_303, %parallel_loop3A_421 : vector<16xi32>
        %parallel_loop3A_423 = arith.constant 0 : i32
        %parallel_loop3A_424 = arith.constant 0 : i32
        %parallel_loop3A_425 = tpu.memref_slice %arg5[%parallel_loop3A_260, %parallel_loop3A_423, %parallel_loop3A_424] : memref<2x2x10752xf32, #tpu.memory_space<vmem>> -> memref<1x2x10752xf32, #tpu.memory_space<vmem>>
        %parallel_loop3A_426 = tpu.memref_squeeze %parallel_loop3A_425 : memref<1x2x10752xf32, #tpu.memory_space<vmem>> -> memref<2x10752xf32, #tpu.memory_space<vmem>>
        tpu.vector_store_idx %parallel_loop3A_426[%mul3A_80, %parallel_loop3A_422], %parallel_loop3A_419 : memref<2x10752xf32, #tpu.memory_space<vmem>>[vector<16xi32>, vector<16xi32>], vector<16xf32>,
        %parallel_loop3A_427 = arith.constant 0 : i32
        %parallel_loop3A_428 = arith.constant 0 : i32
        %parallel_loop3A_429 = tpu.memref_slice %arg4[%parallel_loop3A_259, %parallel_loop3A_427, %parallel_loop3A_428] : memref<2x96x224xf32, #tpu.memory_space<vmem>> -> memref<1x96x224xf32, #tpu.memory_space<vmem>>
        %parallel_loop3A_430 = tpu.memref_squeeze %parallel_loop3A_429 : memref<1x96x224xf32, #tpu.memory_space<vmem>> -> memref<96x224xf32, #tpu.memory_space<vmem>>
        %parallel_loop3A_431 = tpu.vector_load_idx %parallel_loop3A_430[%parallel_loop3A_306, %add3A_68] : memref<96x224xf32, #tpu.memory_space<vmem>>[vector<16xi32>, vector<16xi32>], vector<16xf32>,
        %parallel_loop3A_432 = arith.constant 7680 : i32
        %parallel_loop3A_433 = vector.broadcast %parallel_loop3A_432 : i32 to vector<16xi32>
        %parallel_loop3A_434 = arith.addi %parallel_loop3A_303, %parallel_loop3A_433 : vector<16xi32>
        %parallel_loop3A_435 = arith.constant 0 : i32
        %parallel_loop3A_436 = arith.constant 0 : i32
        %parallel_loop3A_437 = tpu.memref_slice %arg5[%parallel_loop3A_260, %parallel_loop3A_435, %parallel_loop3A_436] : memref<2x2x10752xf32, #tpu.memory_space<vmem>> -> memref<1x2x10752xf32, #tpu.memory_space<vmem>>
        %parallel_loop3A_438 = tpu.memref_squeeze %parallel_loop3A_437 : memref<1x2x10752xf32, #tpu.memory_space<vmem>> -> memref<2x10752xf32, #tpu.memory_space<vmem>>
        tpu.vector_store_idx %parallel_loop3A_438[%mul3A_80, %parallel_loop3A_434], %parallel_loop3A_431 : memref<2x10752xf32, #tpu.memory_space<vmem>>[vector<16xi32>, vector<16xi32>], vector<16xf32>,
        %parallel_loop3A_439 = arith.constant 0 : i32
        %parallel_loop3A_440 = arith.constant 0 : i32
        %parallel_loop3A_441 = tpu.memref_slice %arg4[%parallel_loop3A_259, %parallel_loop3A_439, %parallel_loop3A_440] : memref<2x96x224xf32, #tpu.memory_space<vmem>> -> memref<1x96x224xf32, #tpu.memory_space<vmem>>
        %parallel_loop3A_442 = tpu.memref_squeeze %parallel_loop3A_441 : memref<1x96x224xf32, #tpu.memory_space<vmem>> -> memref<96x224xf32, #tpu.memory_space<vmem>>
        %parallel_loop3A_443 = tpu.vector_load_idx %parallel_loop3A_442[%parallel_loop3A_306, %add3A_71] : memref<96x224xf32, #tpu.memory_space<vmem>>[vector<16xi32>, vector<16xi32>], vector<16xf32>,
        %parallel_loop3A_444 = arith.constant 8448 : i32
        %parallel_loop3A_445 = vector.broadcast %parallel_loop3A_444 : i32 to vector<16xi32>
        %parallel_loop3A_446 = arith.addi %parallel_loop3A_303, %parallel_loop3A_445 : vector<16xi32>
        %parallel_loop3A_447 = arith.constant 0 : i32
        %parallel_loop3A_448 = arith.constant 0 : i32
        %parallel_loop3A_449 = tpu.memref_slice %arg5[%parallel_loop3A_260, %parallel_loop3A_447, %parallel_loop3A_448] : memref<2x2x10752xf32, #tpu.memory_space<vmem>> -> memref<1x2x10752xf32, #tpu.memory_space<vmem>>
        %parallel_loop3A_450 = tpu.memref_squeeze %parallel_loop3A_449 : memref<1x2x10752xf32, #tpu.memory_space<vmem>> -> memref<2x10752xf32, #tpu.memory_space<vmem>>
        tpu.vector_store_idx %parallel_loop3A_450[%mul3A_80, %parallel_loop3A_446], %parallel_loop3A_443 : memref<2x10752xf32, #tpu.memory_space<vmem>>[vector<16xi32>, vector<16xi32>], vector<16xf32>,
        %parallel_loop3A_451 = arith.constant 0 : i32
        %parallel_loop3A_452 = arith.constant 0 : i32
        %parallel_loop3A_453 = tpu.memref_slice %arg4[%parallel_loop3A_259, %parallel_loop3A_451, %parallel_loop3A_452] : memref<2x96x224xf32, #tpu.memory_space<vmem>> -> memref<1x96x224xf32, #tpu.memory_space<vmem>>
        %parallel_loop3A_454 = tpu.memref_squeeze %parallel_loop3A_453 : memref<1x96x224xf32, #tpu.memory_space<vmem>> -> memref<96x224xf32, #tpu.memory_space<vmem>>
        %parallel_loop3A_455 = tpu.vector_load_idx %parallel_loop3A_454[%parallel_loop3A_306, %add3A_74] : memref<96x224xf32, #tpu.memory_space<vmem>>[vector<16xi32>, vector<16xi32>], vector<16xf32>,
        %parallel_loop3A_456 = arith.constant 9216 : i32
        %parallel_loop3A_457 = vector.broadcast %parallel_loop3A_456 : i32 to vector<16xi32>
        %parallel_loop3A_458 = arith.addi %parallel_loop3A_303, %parallel_loop3A_457 : vector<16xi32>
        %parallel_loop3A_459 = arith.constant 0 : i32
        %parallel_loop3A_460 = arith.constant 0 : i32
        %parallel_loop3A_461 = tpu.memref_slice %arg5[%parallel_loop3A_260, %parallel_loop3A_459, %parallel_loop3A_460] : memref<2x2x10752xf32, #tpu.memory_space<vmem>> -> memref<1x2x10752xf32, #tpu.memory_space<vmem>>
        %parallel_loop3A_462 = tpu.memref_squeeze %parallel_loop3A_461 : memref<1x2x10752xf32, #tpu.memory_space<vmem>> -> memref<2x10752xf32, #tpu.memory_space<vmem>>
        tpu.vector_store_idx %parallel_loop3A_462[%mul3A_80, %parallel_loop3A_458], %parallel_loop3A_455 : memref<2x10752xf32, #tpu.memory_space<vmem>>[vector<16xi32>, vector<16xi32>], vector<16xf32>,
        %parallel_loop3A_463 = arith.constant 0 : i32
        %parallel_loop3A_464 = arith.constant 0 : i32
        %parallel_loop3A_465 = tpu.memref_slice %arg4[%parallel_loop3A_259, %parallel_loop3A_463, %parallel_loop3A_464] : memref<2x96x224xf32, #tpu.memory_space<vmem>> -> memref<1x96x224xf32, #tpu.memory_space<vmem>>
        %parallel_loop3A_466 = tpu.memref_squeeze %parallel_loop3A_465 : memref<1x96x224xf32, #tpu.memory_space<vmem>> -> memref<96x224xf32, #tpu.memory_space<vmem>>
        %parallel_loop3A_467 = tpu.vector_load_idx %parallel_loop3A_466[%parallel_loop3A_306, %add3A_77] : memref<96x224xf32, #tpu.memory_space<vmem>>[vector<16xi32>, vector<16xi32>], vector<16xf32>,
        %parallel_loop3A_468 = arith.constant 9984 : i32
        %parallel_loop3A_469 = vector.broadcast %parallel_loop3A_468 : i32 to vector<16xi32>
        %parallel_loop3A_470 = arith.addi %parallel_loop3A_303, %parallel_loop3A_469 : vector<16xi32>
        %parallel_loop3A_471 = arith.constant 0 : i32
        %parallel_loop3A_472 = arith.constant 0 : i32
        %parallel_loop3A_473 = tpu.memref_slice %arg5[%parallel_loop3A_260, %parallel_loop3A_471, %parallel_loop3A_472] : memref<2x2x10752xf32, #tpu.memory_space<vmem>> -> memref<1x2x10752xf32, #tpu.memory_space<vmem>>
        %parallel_loop3A_474 = tpu.memref_squeeze %parallel_loop3A_473 : memref<1x2x10752xf32, #tpu.memory_space<vmem>> -> memref<2x10752xf32, #tpu.memory_space<vmem>>
        tpu.vector_store_idx %parallel_loop3A_474[%mul3A_80, %parallel_loop3A_470], %parallel_loop3A_467 : memref<2x10752xf32, #tpu.memory_space<vmem>>[vector<16xi32>, vector<16xi32>], vector<16xf32>,
      } {sc.loop_unroll_factor = 1 : i64, sc.parallel_access}
      %parallel_loop3A_261 = arith.constant 0 : i32
      %parallel_loop3A_262 = arith.constant 48 : i32
      %parallel_loop3A_263 = arith.constant 1 : i32
      %parallel_loop3A_264 = arith.constant 1 : i32
      %parallel_loop3A_265 = arith.constant 1 : i32
      scf.for %parallel_loop3A_293 = %parallel_loop3A_261 to %parallel_loop3A_262 step %parallel_loop3A_263  : i32 {
        %parallel_loop3A_294 = vector.broadcast %parallel_loop3A_293 : i32 to vector<16xi32>
        %parallel_loop3A_295 = arith.addi %parallel_loop3A_294, %iota3A : vector<16xi32>
        %parallel_loop3A_296 = arith.constant 48 : i32
        %parallel_loop3A_297 = vector.broadcast %parallel_loop3A_296 : i32 to vector<16xi32>
        %parallel_loop3A_298 = arith.cmpi sge, %parallel_loop3A_295, %parallel_loop3A_297 : vector<16xi32>
        %parallel_loop3A_299 = arith.constant 48 : i32
        %parallel_loop3A_300 = vector.broadcast %parallel_loop3A_299 : i32 to vector<16xi32>
        %parallel_loop3A_301 = arith.subi %parallel_loop3A_295, %parallel_loop3A_300 : vector<16xi32>
        %parallel_loop3A_302 = arith.select %parallel_loop3A_298, %parallel_loop3A_301, %parallel_loop3A_295 : vector<16xi1>, vector<16xi32>
        %parallel_loop3A_303 = arith.addi %mul3A_35, %parallel_loop3A_302 : vector<16xi32>
        %parallel_loop3A_304 = arith.constant 2 : i32
        %parallel_loop3A_305 = vector.broadcast %parallel_loop3A_304 : i32 to vector<16xi32>
        %parallel_loop3A_306 = arith.muli %parallel_loop3A_302, %parallel_loop3A_305 : vector<16xi32>
        %parallel_loop3A_307 = arith.constant 1 : i32
        %parallel_loop3A_308 = vector.broadcast %parallel_loop3A_307 : i32 to vector<16xi32>
        %parallel_loop3A_309 = arith.addi %parallel_loop3A_306, %parallel_loop3A_308 : vector<16xi32>
        %parallel_loop3A_310 = arith.constant 0 : i32
        %parallel_loop3A_311 = arith.constant 0 : i32
        %parallel_loop3A_312 = tpu.memref_slice %arg4[%parallel_loop3A_264, %parallel_loop3A_310, %parallel_loop3A_311] : memref<2x96x224xf32, #tpu.memory_space<vmem>> -> memref<1x96x224xf32, #tpu.memory_space<vmem>>
        %parallel_loop3A_313 = tpu.memref_squeeze %parallel_loop3A_312 : memref<1x96x224xf32, #tpu.memory_space<vmem>> -> memref<96x224xf32, #tpu.memory_space<vmem>>
        %parallel_loop3A_314 = tpu.vector_load_idx %parallel_loop3A_313[%parallel_loop3A_309, %add3A_38] : memref<96x224xf32, #tpu.memory_space<vmem>>[vector<16xi32>, vector<16xi32>], vector<16xf32>,
        %parallel_loop3A_315 = arith.constant 0 : i32
        %parallel_loop3A_316 = vector.broadcast %parallel_loop3A_315 : i32 to vector<16xi32>
        %parallel_loop3A_317 = arith.addi %parallel_loop3A_303, %parallel_loop3A_316 : vector<16xi32>
        %parallel_loop3A_318 = arith.constant 0 : i32
        %parallel_loop3A_319 = arith.constant 0 : i32
        %parallel_loop3A_320 = tpu.memref_slice %arg5[%parallel_loop3A_265, %parallel_loop3A_318, %parallel_loop3A_319] : memref<2x2x10752xf32, #tpu.memory_space<vmem>> -> memref<1x2x10752xf32, #tpu.memory_space<vmem>>
        %parallel_loop3A_321 = tpu.memref_squeeze %parallel_loop3A_320 : memref<1x2x10752xf32, #tpu.memory_space<vmem>> -> memref<2x10752xf32, #tpu.memory_space<vmem>>
        tpu.vector_store_idx %parallel_loop3A_321[%add3A_86, %parallel_loop3A_317], %parallel_loop3A_314 : memref<2x10752xf32, #tpu.memory_space<vmem>>[vector<16xi32>, vector<16xi32>], vector<16xf32>,
        %parallel_loop3A_322 = arith.constant 0 : i32
        %parallel_loop3A_323 = arith.constant 0 : i32
        %parallel_loop3A_324 = tpu.memref_slice %arg4[%parallel_loop3A_264, %parallel_loop3A_322, %parallel_loop3A_323] : memref<2x96x224xf32, #tpu.memory_space<vmem>> -> memref<1x96x224xf32, #tpu.memory_space<vmem>>
        %parallel_loop3A_325 = tpu.memref_squeeze %parallel_loop3A_324 : memref<1x96x224xf32, #tpu.memory_space<vmem>> -> memref<96x224xf32, #tpu.memory_space<vmem>>
        %parallel_loop3A_326 = tpu.vector_load_idx %parallel_loop3A_325[%parallel_loop3A_309, %add3A_41] : memref<96x224xf32, #tpu.memory_space<vmem>>[vector<16xi32>, vector<16xi32>], vector<16xf32>,
        %parallel_loop3A_327 = arith.constant 768 : i32
        %parallel_loop3A_328 = vector.broadcast %parallel_loop3A_327 : i32 to vector<16xi32>
        %parallel_loop3A_329 = arith.addi %parallel_loop3A_303, %parallel_loop3A_328 : vector<16xi32>
        %parallel_loop3A_330 = arith.constant 0 : i32
        %parallel_loop3A_331 = arith.constant 0 : i32
        %parallel_loop3A_332 = tpu.memref_slice %arg5[%parallel_loop3A_265, %parallel_loop3A_330, %parallel_loop3A_331] : memref<2x2x10752xf32, #tpu.memory_space<vmem>> -> memref<1x2x10752xf32, #tpu.memory_space<vmem>>
        %parallel_loop3A_333 = tpu.memref_squeeze %parallel_loop3A_332 : memref<1x2x10752xf32, #tpu.memory_space<vmem>> -> memref<2x10752xf32, #tpu.memory_space<vmem>>
        tpu.vector_store_idx %parallel_loop3A_333[%add3A_86, %parallel_loop3A_329], %parallel_loop3A_326 : memref<2x10752xf32, #tpu.memory_space<vmem>>[vector<16xi32>, vector<16xi32>], vector<16xf32>,
        %parallel_loop3A_334 = arith.constant 0 : i32
        %parallel_loop3A_335 = arith.constant 0 : i32
        %parallel_loop3A_336 = tpu.memref_slice %arg4[%parallel_loop3A_264, %parallel_loop3A_334, %parallel_loop3A_335] : memref<2x96x224xf32, #tpu.memory_space<vmem>> -> memref<1x96x224xf32, #tpu.memory_space<vmem>>
        %parallel_loop3A_337 = tpu.memref_squeeze %parallel_loop3A_336 : memref<1x96x224xf32, #tpu.memory_space<vmem>> -> memref<96x224xf32, #tpu.memory_space<vmem>>
        %parallel_loop3A_338 = tpu.vector_load_idx %parallel_loop3A_337[%parallel_loop3A_309, %add3A_44] : memref<96x224xf32, #tpu.memory_space<vmem>>[vector<16xi32>, vector<16xi32>], vector<16xf32>,
        %parallel_loop3A_339 = arith.constant 1536 : i32
        %parallel_loop3A_340 = vector.broadcast %parallel_loop3A_339 : i32 to vector<16xi32>
        %parallel_loop3A_341 = arith.addi %parallel_loop3A_303, %parallel_loop3A_340 : vector<16xi32>
        %parallel_loop3A_342 = arith.constant 0 : i32
        %parallel_loop3A_343 = arith.constant 0 : i32
        %parallel_loop3A_344 = tpu.memref_slice %arg5[%parallel_loop3A_265, %parallel_loop3A_342, %parallel_loop3A_343] : memref<2x2x10752xf32, #tpu.memory_space<vmem>> -> memref<1x2x10752xf32, #tpu.memory_space<vmem>>
        %parallel_loop3A_345 = tpu.memref_squeeze %parallel_loop3A_344 : memref<1x2x10752xf32, #tpu.memory_space<vmem>> -> memref<2x10752xf32, #tpu.memory_space<vmem>>
        tpu.vector_store_idx %parallel_loop3A_345[%add3A_86, %parallel_loop3A_341], %parallel_loop3A_338 : memref<2x10752xf32, #tpu.memory_space<vmem>>[vector<16xi32>, vector<16xi32>], vector<16xf32>,
        %parallel_loop3A_346 = arith.constant 0 : i32
        %parallel_loop3A_347 = arith.constant 0 : i32
        %parallel_loop3A_348 = tpu.memref_slice %arg4[%parallel_loop3A_264, %parallel_loop3A_346, %parallel_loop3A_347] : memref<2x96x224xf32, #tpu.memory_space<vmem>> -> memref<1x96x224xf32, #tpu.memory_space<vmem>>
        %parallel_loop3A_349 = tpu.memref_squeeze %parallel_loop3A_348 : memref<1x96x224xf32, #tpu.memory_space<vmem>> -> memref<96x224xf32, #tpu.memory_space<vmem>>
        %parallel_loop3A_350 = tpu.vector_load_idx %parallel_loop3A_349[%parallel_loop3A_309, %add3A_47] : memref<96x224xf32, #tpu.memory_space<vmem>>[vector<16xi32>, vector<16xi32>], vector<16xf32>,
        %parallel_loop3A_351 = arith.constant 2304 : i32
        %parallel_loop3A_352 = vector.broadcast %parallel_loop3A_351 : i32 to vector<16xi32>
        %parallel_loop3A_353 = arith.addi %parallel_loop3A_303, %parallel_loop3A_352 : vector<16xi32>
        %parallel_loop3A_354 = arith.constant 0 : i32
        %parallel_loop3A_355 = arith.constant 0 : i32
        %parallel_loop3A_356 = tpu.memref_slice %arg5[%parallel_loop3A_265, %parallel_loop3A_354, %parallel_loop3A_355] : memref<2x2x10752xf32, #tpu.memory_space<vmem>> -> memref<1x2x10752xf32, #tpu.memory_space<vmem>>
        %parallel_loop3A_357 = tpu.memref_squeeze %parallel_loop3A_356 : memref<1x2x10752xf32, #tpu.memory_space<vmem>> -> memref<2x10752xf32, #tpu.memory_space<vmem>>
        tpu.vector_store_idx %parallel_loop3A_357[%add3A_86, %parallel_loop3A_353], %parallel_loop3A_350 : memref<2x10752xf32, #tpu.memory_space<vmem>>[vector<16xi32>, vector<16xi32>], vector<16xf32>,
        %parallel_loop3A_358 = arith.constant 0 : i32
        %parallel_loop3A_359 = arith.constant 0 : i32
        %parallel_loop3A_360 = tpu.memref_slice %arg4[%parallel_loop3A_264, %parallel_loop3A_358, %parallel_loop3A_359] : memref<2x96x224xf32, #tpu.memory_space<vmem>> -> memref<1x96x224xf32, #tpu.memory_space<vmem>>
        %parallel_loop3A_361 = tpu.memref_squeeze %parallel_loop3A_360 : memref<1x96x224xf32, #tpu.memory_space<vmem>> -> memref<96x224xf32, #tpu.memory_space<vmem>>
        %parallel_loop3A_362 = tpu.vector_load_idx %parallel_loop3A_361[%parallel_loop3A_309, %add3A_50] : memref<96x224xf32, #tpu.memory_space<vmem>>[vector<16xi32>, vector<16xi32>], vector<16xf32>,
        %parallel_loop3A_363 = arith.constant 3072 : i32
        %parallel_loop3A_364 = vector.broadcast %parallel_loop3A_363 : i32 to vector<16xi32>
        %parallel_loop3A_365 = arith.addi %parallel_loop3A_303, %parallel_loop3A_364 : vector<16xi32>
        %parallel_loop3A_366 = arith.constant 0 : i32
        %parallel_loop3A_367 = arith.constant 0 : i32
        %parallel_loop3A_368 = tpu.memref_slice %arg5[%parallel_loop3A_265, %parallel_loop3A_366, %parallel_loop3A_367] : memref<2x2x10752xf32, #tpu.memory_space<vmem>> -> memref<1x2x10752xf32, #tpu.memory_space<vmem>>
        %parallel_loop3A_369 = tpu.memref_squeeze %parallel_loop3A_368 : memref<1x2x10752xf32, #tpu.memory_space<vmem>> -> memref<2x10752xf32, #tpu.memory_space<vmem>>
        tpu.vector_store_idx %parallel_loop3A_369[%add3A_86, %parallel_loop3A_365], %parallel_loop3A_362 : memref<2x10752xf32, #tpu.memory_space<vmem>>[vector<16xi32>, vector<16xi32>], vector<16xf32>,
        %parallel_loop3A_370 = arith.constant 0 : i32
        %parallel_loop3A_371 = arith.constant 0 : i32
        %parallel_loop3A_372 = tpu.memref_slice %arg4[%parallel_loop3A_264, %parallel_loop3A_370, %parallel_loop3A_371] : memref<2x96x224xf32, #tpu.memory_space<vmem>> -> memref<1x96x224xf32, #tpu.memory_space<vmem>>
        %parallel_loop3A_373 = tpu.memref_squeeze %parallel_loop3A_372 : memref<1x96x224xf32, #tpu.memory_space<vmem>> -> memref<96x224xf32, #tpu.memory_space<vmem>>
        %parallel_loop3A_374 = tpu.vector_load_idx %parallel_loop3A_373[%parallel_loop3A_309, %add3A_53] : memref<96x224xf32, #tpu.memory_space<vmem>>[vector<16xi32>, vector<16xi32>], vector<16xf32>,
        %parallel_loop3A_375 = arith.constant 3840 : i32
        %parallel_loop3A_376 = vector.broadcast %parallel_loop3A_375 : i32 to vector<16xi32>
        %parallel_loop3A_377 = arith.addi %parallel_loop3A_303, %parallel_loop3A_376 : vector<16xi32>
        %parallel_loop3A_378 = arith.constant 0 : i32
        %parallel_loop3A_379 = arith.constant 0 : i32
        %parallel_loop3A_380 = tpu.memref_slice %arg5[%parallel_loop3A_265, %parallel_loop3A_378, %parallel_loop3A_379] : memref<2x2x10752xf32, #tpu.memory_space<vmem>> -> memref<1x2x10752xf32, #tpu.memory_space<vmem>>
        %parallel_loop3A_381 = tpu.memref_squeeze %parallel_loop3A_380 : memref<1x2x10752xf32, #tpu.memory_space<vmem>> -> memref<2x10752xf32, #tpu.memory_space<vmem>>
        tpu.vector_store_idx %parallel_loop3A_381[%add3A_86, %parallel_loop3A_377], %parallel_loop3A_374 : memref<2x10752xf32, #tpu.memory_space<vmem>>[vector<16xi32>, vector<16xi32>], vector<16xf32>,
        %parallel_loop3A_382 = arith.constant 0 : i32
        %parallel_loop3A_383 = arith.constant 0 : i32
        %parallel_loop3A_384 = tpu.memref_slice %arg4[%parallel_loop3A_264, %parallel_loop3A_382, %parallel_loop3A_383] : memref<2x96x224xf32, #tpu.memory_space<vmem>> -> memref<1x96x224xf32, #tpu.memory_space<vmem>>
        %parallel_loop3A_385 = tpu.memref_squeeze %parallel_loop3A_384 : memref<1x96x224xf32, #tpu.memory_space<vmem>> -> memref<96x224xf32, #tpu.memory_space<vmem>>
        %parallel_loop3A_386 = tpu.vector_load_idx %parallel_loop3A_385[%parallel_loop3A_309, %add3A_56] : memref<96x224xf32, #tpu.memory_space<vmem>>[vector<16xi32>, vector<16xi32>], vector<16xf32>,
        %parallel_loop3A_387 = arith.constant 4608 : i32
        %parallel_loop3A_388 = vector.broadcast %parallel_loop3A_387 : i32 to vector<16xi32>
        %parallel_loop3A_389 = arith.addi %parallel_loop3A_303, %parallel_loop3A_388 : vector<16xi32>
        %parallel_loop3A_390 = arith.constant 0 : i32
        %parallel_loop3A_391 = arith.constant 0 : i32
        %parallel_loop3A_392 = tpu.memref_slice %arg5[%parallel_loop3A_265, %parallel_loop3A_390, %parallel_loop3A_391] : memref<2x2x10752xf32, #tpu.memory_space<vmem>> -> memref<1x2x10752xf32, #tpu.memory_space<vmem>>
        %parallel_loop3A_393 = tpu.memref_squeeze %parallel_loop3A_392 : memref<1x2x10752xf32, #tpu.memory_space<vmem>> -> memref<2x10752xf32, #tpu.memory_space<vmem>>
        tpu.vector_store_idx %parallel_loop3A_393[%add3A_86, %parallel_loop3A_389], %parallel_loop3A_386 : memref<2x10752xf32, #tpu.memory_space<vmem>>[vector<16xi32>, vector<16xi32>], vector<16xf32>,
        %parallel_loop3A_394 = arith.constant 0 : i32
        %parallel_loop3A_395 = arith.constant 0 : i32
        %parallel_loop3A_396 = tpu.memref_slice %arg4[%parallel_loop3A_264, %parallel_loop3A_394, %parallel_loop3A_395] : memref<2x96x224xf32, #tpu.memory_space<vmem>> -> memref<1x96x224xf32, #tpu.memory_space<vmem>>
        %parallel_loop3A_397 = tpu.memref_squeeze %parallel_loop3A_396 : memref<1x96x224xf32, #tpu.memory_space<vmem>> -> memref<96x224xf32, #tpu.memory_space<vmem>>
        %parallel_loop3A_398 = tpu.vector_load_idx %parallel_loop3A_397[%parallel_loop3A_309, %add3A_59] : memref<96x224xf32, #tpu.memory_space<vmem>>[vector<16xi32>, vector<16xi32>], vector<16xf32>,
        %parallel_loop3A_399 = arith.constant 5376 : i32
        %parallel_loop3A_400 = vector.broadcast %parallel_loop3A_399 : i32 to vector<16xi32>
        %parallel_loop3A_401 = arith.addi %parallel_loop3A_303, %parallel_loop3A_400 : vector<16xi32>
        %parallel_loop3A_402 = arith.constant 0 : i32
        %parallel_loop3A_403 = arith.constant 0 : i32
        %parallel_loop3A_404 = tpu.memref_slice %arg5[%parallel_loop3A_265, %parallel_loop3A_402, %parallel_loop3A_403] : memref<2x2x10752xf32, #tpu.memory_space<vmem>> -> memref<1x2x10752xf32, #tpu.memory_space<vmem>>
        %parallel_loop3A_405 = tpu.memref_squeeze %parallel_loop3A_404 : memref<1x2x10752xf32, #tpu.memory_space<vmem>> -> memref<2x10752xf32, #tpu.memory_space<vmem>>
        tpu.vector_store_idx %parallel_loop3A_405[%add3A_86, %parallel_loop3A_401], %parallel_loop3A_398 : memref<2x10752xf32, #tpu.memory_space<vmem>>[vector<16xi32>, vector<16xi32>], vector<16xf32>,
        %parallel_loop3A_406 = arith.constant 0 : i32
        %parallel_loop3A_407 = arith.constant 0 : i32
        %parallel_loop3A_408 = tpu.memref_slice %arg4[%parallel_loop3A_264, %parallel_loop3A_406, %parallel_loop3A_407] : memref<2x96x224xf32, #tpu.memory_space<vmem>> -> memref<1x96x224xf32, #tpu.memory_space<vmem>>
        %parallel_loop3A_409 = tpu.memref_squeeze %parallel_loop3A_408 : memref<1x96x224xf32, #tpu.memory_space<vmem>> -> memref<96x224xf32, #tpu.memory_space<vmem>>
        %parallel_loop3A_410 = tpu.vector_load_idx %parallel_loop3A_409[%parallel_loop3A_309, %add3A_62] : memref<96x224xf32, #tpu.memory_space<vmem>>[vector<16xi32>, vector<16xi32>], vector<16xf32>,
        %parallel_loop3A_411 = arith.constant 6144 : i32
        %parallel_loop3A_412 = vector.broadcast %parallel_loop3A_411 : i32 to vector<16xi32>
        %parallel_loop3A_413 = arith.addi %parallel_loop3A_303, %parallel_loop3A_412 : vector<16xi32>
        %parallel_loop3A_414 = arith.constant 0 : i32
        %parallel_loop3A_415 = arith.constant 0 : i32
        %parallel_loop3A_416 = tpu.memref_slice %arg5[%parallel_loop3A_265, %parallel_loop3A_414, %parallel_loop3A_415] : memref<2x2x10752xf32, #tpu.memory_space<vmem>> -> memref<1x2x10752xf32, #tpu.memory_space<vmem>>
        %parallel_loop3A_417 = tpu.memref_squeeze %parallel_loop3A_416 : memref<1x2x10752xf32, #tpu.memory_space<vmem>> -> memref<2x10752xf32, #tpu.memory_space<vmem>>
        tpu.vector_store_idx %parallel_loop3A_417[%add3A_86, %parallel_loop3A_413], %parallel_loop3A_410 : memref<2x10752xf32, #tpu.memory_space<vmem>>[vector<16xi32>, vector<16xi32>], vector<16xf32>,
        %parallel_loop3A_418 = arith.constant 0 : i32
        %parallel_loop3A_419 = arith.constant 0 : i32
        %parallel_loop3A_420 = tpu.memref_slice %arg4[%parallel_loop3A_264, %parallel_loop3A_418, %parallel_loop3A_419] : memref<2x96x224xf32, #tpu.memory_space<vmem>> -> memref<1x96x224xf32, #tpu.memory_space<vmem>>
        %parallel_loop3A_421 = tpu.memref_squeeze %parallel_loop3A_420 : memref<1x96x224xf32, #tpu.memory_space<vmem>> -> memref<96x224xf32, #tpu.memory_space<vmem>>
        %parallel_loop3A_422 = tpu.vector_load_idx %parallel_loop3A_421[%parallel_loop3A_309, %add3A_65] : memref<96x224xf32, #tpu.memory_space<vmem>>[vector<16xi32>, vector<16xi32>], vector<16xf32>,
        %parallel_loop3A_423 = arith.constant 6912 : i32
        %parallel_loop3A_424 = vector.broadcast %parallel_loop3A_423 : i32 to vector<16xi32>
        %parallel_loop3A_425 = arith.addi %parallel_loop3A_303, %parallel_loop3A_424 : vector<16xi32>
        %parallel_loop3A_426 = arith.constant 0 : i32
        %parallel_loop3A_427 = arith.constant 0 : i32
        %parallel_loop3A_428 = tpu.memref_slice %arg5[%parallel_loop3A_265, %parallel_loop3A_426, %parallel_loop3A_427] : memref<2x2x10752xf32, #tpu.memory_space<vmem>> -> memref<1x2x10752xf32, #tpu.memory_space<vmem>>
        %parallel_loop3A_429 = tpu.memref_squeeze %parallel_loop3A_428 : memref<1x2x10752xf32, #tpu.memory_space<vmem>> -> memref<2x10752xf32, #tpu.memory_space<vmem>>
        tpu.vector_store_idx %parallel_loop3A_429[%add3A_86, %parallel_loop3A_425], %parallel_loop3A_422 : memref<2x10752xf32, #tpu.memory_space<vmem>>[vector<16xi32>, vector<16xi32>], vector<16xf32>,
        %parallel_loop3A_430 = arith.constant 0 : i32
        %parallel_loop3A_431 = arith.constant 0 : i32
        %parallel_loop3A_432 = tpu.memref_slice %arg4[%parallel_loop3A_264, %parallel_loop3A_430, %parallel_loop3A_431] : memref<2x96x224xf32, #tpu.memory_space<vmem>> -> memref<1x96x224xf32, #tpu.memory_space<vmem>>
        %parallel_loop3A_433 = tpu.memref_squeeze %parallel_loop3A_432 : memref<1x96x224xf32, #tpu.memory_space<vmem>> -> memref<96x224xf32, #tpu.memory_space<vmem>>
        %parallel_loop3A_434 = tpu.vector_load_idx %parallel_loop3A_433[%parallel_loop3A_309, %add3A_68] : memref<96x224xf32, #tpu.memory_space<vmem>>[vector<16xi32>, vector<16xi32>], vector<16xf32>,
        %parallel_loop3A_435 = arith.constant 7680 : i32
        %parallel_loop3A_436 = vector.broadcast %parallel_loop3A_435 : i32 to vector<16xi32>
        %parallel_loop3A_437 = arith.addi %parallel_loop3A_303, %parallel_loop3A_436 : vector<16xi32>
        %parallel_loop3A_438 = arith.constant 0 : i32
        %parallel_loop3A_439 = arith.constant 0 : i32
        %parallel_loop3A_440 = tpu.memref_slice %arg5[%parallel_loop3A_265, %parallel_loop3A_438, %parallel_loop3A_439] : memref<2x2x10752xf32, #tpu.memory_space<vmem>> -> memref<1x2x10752xf32, #tpu.memory_space<vmem>>
        %parallel_loop3A_441 = tpu.memref_squeeze %parallel_loop3A_440 : memref<1x2x10752xf32, #tpu.memory_space<vmem>> -> memref<2x10752xf32, #tpu.memory_space<vmem>>
        tpu.vector_store_idx %parallel_loop3A_441[%add3A_86, %parallel_loop3A_437], %parallel_loop3A_434 : memref<2x10752xf32, #tpu.memory_space<vmem>>[vector<16xi32>, vector<16xi32>], vector<16xf32>,
        %parallel_loop3A_442 = arith.constant 0 : i32
        %parallel_loop3A_443 = arith.constant 0 : i32
        %parallel_loop3A_444 = tpu.memref_slice %arg4[%parallel_loop3A_264, %parallel_loop3A_442, %parallel_loop3A_443] : memref<2x96x224xf32, #tpu.memory_space<vmem>> -> memref<1x96x224xf32, #tpu.memory_space<vmem>>
        %parallel_loop3A_445 = tpu.memref_squeeze %parallel_loop3A_444 : memref<1x96x224xf32, #tpu.memory_space<vmem>> -> memref<96x224xf32, #tpu.memory_space<vmem>>
        %parallel_loop3A_446 = tpu.vector_load_idx %parallel_loop3A_445[%parallel_loop3A_309, %add3A_71] : memref<96x224xf32, #tpu.memory_space<vmem>>[vector<16xi32>, vector<16xi32>], vector<16xf32>,
        %parallel_loop3A_447 = arith.constant 8448 : i32
        %parallel_loop3A_448 = vector.broadcast %parallel_loop3A_447 : i32 to vector<16xi32>
        %parallel_loop3A_449 = arith.addi %parallel_loop3A_303, %parallel_loop3A_448 : vector<16xi32>
        %parallel_loop3A_450 = arith.constant 0 : i32
        %parallel_loop3A_451 = arith.constant 0 : i32
        %parallel_loop3A_452 = tpu.memref_slice %arg5[%parallel_loop3A_265, %parallel_loop3A_450, %parallel_loop3A_451] : memref<2x2x10752xf32, #tpu.memory_space<vmem>> -> memref<1x2x10752xf32, #tpu.memory_space<vmem>>
        %parallel_loop3A_453 = tpu.memref_squeeze %parallel_loop3A_452 : memref<1x2x10752xf32, #tpu.memory_space<vmem>> -> memref<2x10752xf32, #tpu.memory_space<vmem>>
        tpu.vector_store_idx %parallel_loop3A_453[%add3A_86, %parallel_loop3A_449], %parallel_loop3A_446 : memref<2x10752xf32, #tpu.memory_space<vmem>>[vector<16xi32>, vector<16xi32>], vector<16xf32>,
        %parallel_loop3A_454 = arith.constant 0 : i32
        %parallel_loop3A_455 = arith.constant 0 : i32
        %parallel_loop3A_456 = tpu.memref_slice %arg4[%parallel_loop3A_264, %parallel_loop3A_454, %parallel_loop3A_455] : memref<2x96x224xf32, #tpu.memory_space<vmem>> -> memref<1x96x224xf32, #tpu.memory_space<vmem>>
        %parallel_loop3A_457 = tpu.memref_squeeze %parallel_loop3A_456 : memref<1x96x224xf32, #tpu.memory_space<vmem>> -> memref<96x224xf32, #tpu.memory_space<vmem>>
        %parallel_loop3A_458 = tpu.vector_load_idx %parallel_loop3A_457[%parallel_loop3A_309, %add3A_74] : memref<96x224xf32, #tpu.memory_space<vmem>>[vector<16xi32>, vector<16xi32>], vector<16xf32>,
        %parallel_loop3A_459 = arith.constant 9216 : i32
        %parallel_loop3A_460 = vector.broadcast %parallel_loop3A_459 : i32 to vector<16xi32>
        %parallel_loop3A_461 = arith.addi %parallel_loop3A_303, %parallel_loop3A_460 : vector<16xi32>
        %parallel_loop3A_462 = arith.constant 0 : i32
        %parallel_loop3A_463 = arith.constant 0 : i32
        %parallel_loop3A_464 = tpu.memref_slice %arg5[%parallel_loop3A_265, %parallel_loop3A_462, %parallel_loop3A_463] : memref<2x2x10752xf32, #tpu.memory_space<vmem>> -> memref<1x2x10752xf32, #tpu.memory_space<vmem>>
        %parallel_loop3A_465 = tpu.memref_squeeze %parallel_loop3A_464 : memref<1x2x10752xf32, #tpu.memory_space<vmem>> -> memref<2x10752xf32, #tpu.memory_space<vmem>>
        tpu.vector_store_idx %parallel_loop3A_465[%add3A_86, %parallel_loop3A_461], %parallel_loop3A_458 : memref<2x10752xf32, #tpu.memory_space<vmem>>[vector<16xi32>, vector<16xi32>], vector<16xf32>,
        %parallel_loop3A_466 = arith.constant 0 : i32
        %parallel_loop3A_467 = arith.constant 0 : i32
        %parallel_loop3A_468 = tpu.memref_slice %arg4[%parallel_loop3A_264, %parallel_loop3A_466, %parallel_loop3A_467] : memref<2x96x224xf32, #tpu.memory_space<vmem>> -> memref<1x96x224xf32, #tpu.memory_space<vmem>>
        %parallel_loop3A_469 = tpu.memref_squeeze %parallel_loop3A_468 : memref<1x96x224xf32, #tpu.memory_space<vmem>> -> memref<96x224xf32, #tpu.memory_space<vmem>>
        %parallel_loop3A_470 = tpu.vector_load_idx %parallel_loop3A_469[%parallel_loop3A_309, %add3A_77] : memref<96x224xf32, #tpu.memory_space<vmem>>[vector<16xi32>, vector<16xi32>], vector<16xf32>,
        %parallel_loop3A_471 = arith.constant 9984 : i32
        %parallel_loop3A_472 = vector.broadcast %parallel_loop3A_471 : i32 to vector<16xi32>
        %parallel_loop3A_473 = arith.addi %parallel_loop3A_303, %parallel_loop3A_472 : vector<16xi32>
        %parallel_loop3A_474 = arith.constant 0 : i32
        %parallel_loop3A_475 = arith.constant 0 : i32
        %parallel_loop3A_476 = tpu.memref_slice %arg5[%parallel_loop3A_265, %parallel_loop3A_474, %parallel_loop3A_475] : memref<2x2x10752xf32, #tpu.memory_space<vmem>> -> memref<1x2x10752xf32, #tpu.memory_space<vmem>>
        %parallel_loop3A_477 = tpu.memref_squeeze %parallel_loop3A_476 : memref<1x2x10752xf32, #tpu.memory_space<vmem>> -> memref<2x10752xf32, #tpu.memory_space<vmem>>
        tpu.vector_store_idx %parallel_loop3A_477[%add3A_86, %parallel_loop3A_473], %parallel_loop3A_470 : memref<2x10752xf32, #tpu.memory_space<vmem>>[vector<16xi32>, vector<16xi32>], vector<16xf32>,
      } {sc.loop_unroll_factor = 1 : i64, sc.parallel_access}
      %add3A_266 = arith.addi %mul3A_32, %add3A_232 : i32
      %mul3A_267 = arith.constant 10752 : i32
      %mul3A_268 = arith.muli %add3A_266, %mul3A_267 : i32
      %multiple_of3A_269 = tpu.assume_multiple %mul3A_268, 128 : i32
      %dma_start3A_270 = arith.constant 1 : i32
      %dma_start3A_271 = arith.constant 0 : i32
      %dma_start3A_272 = arith.constant 0 : i32
      %dma_start3A_273 = tpu.memref_slice %arg5[%dma_start3A_270, %dma_start3A_271, %dma_start3A_272] : memref<2x2x10752xf32, #tpu.memory_space<vmem>> -> memref<1x2x10752xf32, #tpu.memory_space<vmem>>
      %dma_start3A_274 = tpu.memref_squeeze %dma_start3A_273 : memref<1x2x10752xf32, #tpu.memory_space<vmem>> -> memref<2x10752xf32, #tpu.memory_space<vmem>>
      %dma_start3A_275 = arith.constant 0 : i32
      %dma_start3A_276 = tpu.memref_slice %arg3[%select_n3A, %dma_start3A_275, %multiple_of3A_269] : memref<8x2x2408448xf32, #tpu.memory_space<hbm>> -> memref<1x2x10752xf32, #tpu.memory_space<hbm>>
      %dma_start3A_277 = tpu.memref_squeeze %dma_start3A_276 : memref<1x2x10752xf32, #tpu.memory_space<hbm>> -> memref<2x10752xf32, #tpu.memory_space<hbm>>
      %dma_start3A_278 = arith.constant 0 : i32
      %dma_start3A_279 = tpu.memref_slice %arg3[%select_n3A, %dma_start3A_278, %multiple_of3A_269] : memref<8x2x2408448xf32, #tpu.memory_space<hbm>> -> memref<1x2x10752xf32, #tpu.memory_space<hbm>>
      %dma_start3A_280 = tpu.memref_squeeze %dma_start3A_279 : memref<1x2x10752xf32, #tpu.memory_space<hbm>> -> memref<2x10752xf32, #tpu.memory_space<hbm>>
      %dma_start3A_281 = arith.constant 0 : i32
      %dma_start3A_282 = arith.constant 0 : i32
      %dma_start3A_283 = tpu.memref_slice %arg5[%dma_start3A_270, %dma_start3A_281, %dma_start3A_282] : memref<2x2x10752xf32, #tpu.memory_space<vmem>> -> memref<1x2x10752xf32, #tpu.memory_space<vmem>>
      %dma_start3A_284 = tpu.memref_squeeze %dma_start3A_283 : memref<1x2x10752xf32, #tpu.memory_space<vmem>> -> memref<2x10752xf32, #tpu.memory_space<vmem>>
      tpu.enqueue_dma source(%dma_start3A_284 : memref<2x10752xf32, #tpu.memory_space<vmem>>) target(%dma_start3A_280 : memref<2x10752xf32, #tpu.memory_space<hbm>>) target_semaphore(%arg9 : memref<!tpu.dma_semaphore, #tpu.memory_space<semaphore_mem>>)
      %add3A_285 = arith.constant 2 : i32
      %add3A_286 = arith.addi %add3A_232, %add3A_285 : i32
      %lt3A_287 = arith.constant 56 : i32
      %lt3A_288 = arith.cmpi slt, %add3A_286, %lt3A_287 : i32
      %convert_element_type3A_289 = arith.extui %lt3A_288 : i1 to i32
      %cond3A_290 = arith.constant 0 : i32
      %cond3A_291 = arith.cmpi ne, %convert_element_type3A_289, %cond3A_290 : i32
      scf.if %cond3A_291 {
        %add3A_293 = arith.constant 2 : i32
        %add3A_294 = arith.addi %add3A_232, %add3A_293 : i32
        %add3A_295 = arith.addi %mul3A_32, %add3A_294 : i32
        %dma_start3A_296 = arith.constant 1 : i32
        %dma_start3A_297 = arith.constant 0 : i32
        %dma_start3A_298 = arith.constant 0 : i32
        %dma_start3A_299 = tpu.memref_slice %arg4[%dma_start3A_296, %dma_start3A_297, %dma_start3A_298] : memref<2x96x224xf32, #tpu.memory_space<vmem>> -> memref<1x96x224xf32, #tpu.memory_space<vmem>>
        %dma_start3A_300 = tpu.memref_squeeze %dma_start3A_299 : memref<1x96x224xf32, #tpu.memory_space<vmem>> -> memref<96x224xf32, #tpu.memory_space<vmem>>
        %dma_start3A_301 = arith.constant 0 : i32
        %dma_start3A_302 = arith.constant 0 : i32
        %dma_start3A_303 = tpu.memref_slice %arg2[%select_n3A, %add3A_295, %dma_start3A_301, %dma_start3A_302] : memref<8x224x96x224xf32, #tpu.memory_space<hbm>> -> memref<1x1x96x224xf32, #tpu.memory_space<hbm>>
        %dma_start3A_304 = tpu.memref_squeeze %dma_start3A_303 : memref<1x1x96x224xf32, #tpu.memory_space<hbm>> -> memref<96x224xf32, #tpu.memory_space<hbm>>
        %dma_start3A_305 = arith.constant 0 : i32
        %dma_start3A_306 = arith.constant 0 : i32
        %dma_start3A_307 = tpu.memref_slice %arg4[%dma_start3A_296, %dma_start3A_305, %dma_start3A_306] : memref<2x96x224xf32, #tpu.memory_space<vmem>> -> memref<1x96x224xf32, #tpu.memory_space<vmem>>
        %dma_start3A_308 = tpu.memref_squeeze %dma_start3A_307 : memref<1x96x224xf32, #tpu.memory_space<vmem>> -> memref<96x224xf32, #tpu.memory_space<vmem>>
        %dma_start3A_309 = arith.constant 0 : i32
        %dma_start3A_310 = arith.constant 0 : i32
        %dma_start3A_311 = tpu.memref_slice %arg2[%select_n3A, %add3A_295, %dma_start3A_309, %dma_start3A_310] : memref<8x224x96x224xf32, #tpu.memory_space<hbm>> -> memref<1x1x96x224xf32, #tpu.memory_space<hbm>>
        %dma_start3A_312 = tpu.memref_squeeze %dma_start3A_311 : memref<1x1x96x224xf32, #tpu.memory_space<hbm>> -> memref<96x224xf32, #tpu.memory_space<hbm>>
        tpu.enqueue_dma source(%dma_start3A_312 : memref<96x224xf32, #tpu.memory_space<hbm>>) target(%dma_start3A_308 : memref<96x224xf32, #tpu.memory_space<vmem>>) target_semaphore(%arg7 : memref<!tpu.dma_semaphore, #tpu.memory_space<semaphore_mem>>)
      } else {
      }
      %scan3A_292 = arith.constant 0 : i32
      scf.yield %scan3A_292 : i32
    }
    %scan3A_129 = arith.constant 28 : i32
    %add3A_130 = arith.constant 54 : i32
    %add3A_131 = arith.addi %mul3A_32, %add3A_130 : i32
    %mul3A_132 = arith.constant 10752 : i32
    %mul3A_133 = arith.muli %add3A_131, %mul3A_132 : i32
    %multiple_of3A = tpu.assume_multiple %mul3A_133, 128 : i32
    %dma_wait3A = arith.constant 0 : i32
    %dma_wait3A_134 = arith.constant 0 : i32
    %dma_wait3A_135 = arith.constant 0 : i32
    %dma_wait3A_136 = tpu.memref_slice %arg5[%dma_wait3A, %dma_wait3A_134, %dma_wait3A_135] : memref<2x2x10752xf32, #tpu.memory_space<vmem>> -> memref<1x2x10752xf32, #tpu.memory_space<vmem>>
    %dma_wait3A_137 = tpu.memref_squeeze %dma_wait3A_136 : memref<1x2x10752xf32, #tpu.memory_space<vmem>> -> memref<2x10752xf32, #tpu.memory_space<vmem>>
    %dma_wait3A_138 = arith.constant 0 : i32
    %dma_wait3A_139 = tpu.memref_slice %arg3[%select_n3A, %dma_wait3A_138, %multiple_of3A] : memref<8x2x2408448xf32, #tpu.memory_space<hbm>> -> memref<1x2x10752xf32, #tpu.memory_space<hbm>>
    %dma_wait3A_140 = tpu.memref_squeeze %dma_wait3A_139 : memref<1x2x10752xf32, #tpu.memory_space<hbm>> -> memref<2x10752xf32, #tpu.memory_space<hbm>>
    %dma_wait3A_141 = arith.constant 0 : i32
    %dma_wait3A_142 = tpu.memref_slice %arg3[%select_n3A, %dma_wait3A_141, %multiple_of3A] : memref<8x2x2408448xf32, #tpu.memory_space<hbm>> -> memref<1x2x10752xf32, #tpu.memory_space<hbm>>
    %dma_wait3A_143 = tpu.memref_squeeze %dma_wait3A_142 : memref<1x2x10752xf32, #tpu.memory_space<hbm>> -> memref<2x10752xf32, #tpu.memory_space<hbm>>
    %dma_wait3A_144 = arith.constant 0 : i32
    %dma_wait3A_145 = arith.constant 0 : i32
    %dma_wait3A_146 = tpu.memref_slice %arg5[%dma_wait3A, %dma_wait3A_144, %dma_wait3A_145] : memref<2x2x10752xf32, #tpu.memory_space<vmem>> -> memref<1x2x10752xf32, #tpu.memory_space<vmem>>
    %dma_wait3A_147 = tpu.memref_squeeze %dma_wait3A_146 : memref<1x2x10752xf32, #tpu.memory_space<vmem>> -> memref<2x10752xf32, #tpu.memory_space<vmem>>
    tpu.wait_dma2 semaphore(%arg8 : memref<!tpu.dma_semaphore, #tpu.memory_space<semaphore_mem>>) src(%dma_wait3A_147 : memref<2x10752xf32, #tpu.memory_space<vmem>>) dst(%dma_wait3A_143 : memref<2x10752xf32, #tpu.memory_space<hbm>>)
    %add3A_148 = arith.constant 55 : i32
    %add3A_149 = arith.addi %mul3A_32, %add3A_148 : i32
    %mul3A_150 = arith.constant 10752 : i32
    %mul3A_151 = arith.muli %add3A_149, %mul3A_150 : i32
    %multiple_of3A_152 = tpu.assume_multiple %mul3A_151, 128 : i32
    %dma_wait3A_153 = arith.constant 1 : i32
    %dma_wait3A_154 = arith.constant 0 : i32
    %dma_wait3A_155 = arith.constant 0 : i32
    %dma_wait3A_156 = tpu.memref_slice %arg5[%dma_wait3A_153, %dma_wait3A_154, %dma_wait3A_155] : memref<2x2x10752xf32, #tpu.memory_space<vmem>> -> memref<1x2x10752xf32, #tpu.memory_space<vmem>>
    %dma_wait3A_157 = tpu.memref_squeeze %dma_wait3A_156 : memref<1x2x10752xf32, #tpu.memory_space<vmem>> -> memref<2x10752xf32, #tpu.memory_space<vmem>>
    %dma_wait3A_158 = arith.constant 0 : i32
    %dma_wait3A_159 = tpu.memref_slice %arg3[%select_n3A, %dma_wait3A_158, %multiple_of3A_152] : memref<8x2x2408448xf32, #tpu.memory_space<hbm>> -> memref<1x2x10752xf32, #tpu.memory_space<hbm>>
    %dma_wait3A_160 = tpu.memref_squeeze %dma_wait3A_159 : memref<1x2x10752xf32, #tpu.memory_space<hbm>> -> memref<2x10752xf32, #tpu.memory_space<hbm>>
    %dma_wait3A_161 = arith.constant 0 : i32
    %dma_wait3A_162 = tpu.memref_slice %arg3[%select_n3A, %dma_wait3A_161, %multiple_of3A_152] : memref<8x2x2408448xf32, #tpu.memory_space<hbm>> -> memref<1x2x10752xf32, #tpu.memory_space<hbm>>
    %dma_wait3A_163 = tpu.memref_squeeze %dma_wait3A_162 : memref<1x2x10752xf32, #tpu.memory_space<hbm>> -> memref<2x10752xf32, #tpu.memory_space<hbm>>
    %dma_wait3A_164 = arith.constant 0 : i32
    %dma_wait3A_165 = arith.constant 0 : i32
    %dma_wait3A_166 = tpu.memref_slice %arg5[%dma_wait3A_153, %dma_wait3A_164, %dma_wait3A_165] : memref<2x2x10752xf32, #tpu.memory_space<vmem>> -> memref<1x2x10752xf32, #tpu.memory_space<vmem>>
    %dma_wait3A_167 = tpu.memref_squeeze %dma_wait3A_166 : memref<1x2x10752xf32, #tpu.memory_space<vmem>> -> memref<2x10752xf32, #tpu.memory_space<vmem>>
    tpu.wait_dma2 semaphore(%arg9 : memref<!tpu.dma_semaphore, #tpu.memory_space<semaphore_mem>>) src(%dma_wait3A_167 : memref<2x10752xf32, #tpu.memory_space<vmem>>) dst(%dma_wait3A_163 : memref<2x10752xf32, #tpu.memory_space<hbm>>)
    return
  }
}

</mosaic_0001>

<sc_bundles>
// kernel: kernel.3.cloned.1.call-start
scs
__scs_entry_jumppad:
0x0: {  	(pc) =	sbr.rel $0x88, $3  }
0x1: {  	(tag) =	ssettag $0x0;
	lr =	simm.s32 $0x1  }
0x2: {  	[smem:$0x3FA0] =	sst lr;
	_ =	strace $0xD0000000  }
0x3: {  	_ = 	snop  }
0x4: {  	_ = 	snop  }
0x5: {  	_ = 	snop  }
0x6: {  	_ = 	snop  }
0x7: {  	_ = 	snop  }
__scs_overlays_trampoline_lowered:
0x8: {  	[smem:$0x3FAF] =	sst s0  }
0x9: {  	[smem:$0x3FB0] =	sst s1  }
0xa: {  	[smem:$0x3FB1] =	sst s2  }
0xb: {  	[smem:$0x3FB2] =	sst s3  }
0xc: {  	[smem:$0x3FB3] =	sst s4  }
0xd: {  	[smem:$0x3FB4] =	sst s5  }
0xe: {  	[smem:$0x3FB5] =	sst s6  }
0xf: {  	[smem:$0x3FB6] =	sst s7  }
0x10: {  	[smem:$0x3FB7] =	sst s8  }
0x11: {  	[smem:$0x3FB8] =	sst s9;
	s0 =	simm.s32 @!p0 $0x0  }
0x12: {  	s1 =	sld [smem:$0x3F9E];
	s0 =	simm.s32 @p0 $0x1  }
0x13: {  	[smem:$0x3FB9] =	sst s0;
	s0 =	simm.s32 @!p1 $0x0  }
0x14: {  	s2 =	sld [smem:$0x3F9D];
	s0 =	simm.s32 @p1 $0x1  }
0x15: {  	[smem:$0x3FBA] =	sst s0;
	s0 =	simm.s32 @!p2 $0x0  }
0x16: {  	s3 =	sld [smem:$0x3FDB];
	s0 =	simm.s32 @p2 $0x1  }
0x17: {  	s4 =	simm.s32 $0x1BF5;
	[smem:$0x3FBC] =	sst s0  }
0x18: {  	s0 =	sld [smem:$0x3F9F];
	_ =	swait.ge [sflag:s4], $0x0  }
0x19: {  	s7 =	sld [smem:$0x3FA0]  }
0x1a: {  	s8 =	sadd.s32 $0xFFFFE003, lr  }
0x1b: {  	s9 =	sadd.s32 $0xFFFFFEF7, lr;
	s5 =	simm.s32 $0xFFFFFFFF;
	p2 =	slt.u32 s8, $0xFFFFF086  }
0x1c: {  	p1 =	slt.u32 s9, $0xF7A;
	s5 =	simm.s32 @!p2 $0x0  }
0x1d: {  	s5 =	simm.s32 @p1 $0x1;
	p0 =	seq.s32 s7, s2  }
0x1e: {  	s7 =	smul.u32 @!p0 $0xF7A, s2;
	p2 =	seq.s32 @!p0 s5, $0x0  }
0x1f: {  	s9 =	smul.u32 $0xF7A, s1;
	s8 =	simm.s32 @!p0 $0x1BF5;
	p2 =	por !p2, p0  }
0x20: {  	[sflag:s8] =	ssyncset.s32 @!p0 $0xFFFFF086;
	s6 =	sadd.s32 @!p0 s3, s7;
	s7 =	simm.s32 @!p0 $0x108  }
0x21: {  	s3 =	sadd.s32 s3, s9;
	s6 =	sadd.s32 @!p0 $0x88, s6;
	s7 =	simm.s32 @p2 $0x1082  }
0x22: {  	[simem:s7], [sflag:s8] =	dma.local @!p0 [hbm:s6], $0xF7A  }
0x23: {  	s9 =	sor.u32 $0xD0000000, s2;
	s6 =	simm.s32 $0x108;
	_ =	swait.ge @!p0 [sflag:s8], $0x0  }
0x24: {  	s3 =	sadd.s32 $0x88, s3;
	s6 =	simm.s32 @!p1 $0x1082;
	[sflag:s4] =	ssyncset.s32 $0xFFFFF086  }
0x25: {  	[simem:s6], [sflag:s4] =	dma.local [hbm:s3], $0xF7A  }
0x26: {  	[smem:$0x3FA0] =	sst s1;
	(tag) =	ssettag s2;
	_ =	strace s9  }
0x27: {  	s1 =	sld [smem:$0x3FB0]  }
0x28: {  	s2 =	sld [smem:$0x3FB1]  }
0x29: {  	s4 =	sld [smem:$0x3FB3]  }
0x2a: {  	p0 =	seq.s32 s5, $0x0;
	s5 =	sld [smem:$0x3FB4]  }
0x2b: {  	s6 =	sld [smem:$0x3FB5]  }
0x2c: {  	s7 =	sld [smem:$0x3FB6]  }
0x2d: {  	s3 =	simm.s32 $0x108;
	s8 =	sld [smem:$0x3FB7]  }
0x2e: {  	s3 =	simm.s32 @!p0 $0x1082;
	s9 =	sld [smem:$0x3FB8]  }
0x2f: {  	lr =	sadd.s32 s0, s3;
	s0 =	sld [smem:$0x3FAF]  }
0x30: {  	s3 =	sld [smem:$0x3FB2]  }
0x31: {  	[smem:$0x3FBB] =	sst s10  }
0x32: {  	s10 =	sld [smem:$0x3FB9];
	_ =	sdelay $0x3  }
0x33: {  	p0 =	seq.s32 s10, $0x1;
	s10 =	sld [smem:$0x3FBB];
	_ =	sdelay $0x3  }
0x34: {  	[smem:$0x3FBB] =	sst s10  }
0x35: {  	s10 =	sld [smem:$0x3FBA];
	_ =	sdelay $0x3  }
0x36: {  	p1 =	seq.s32 s10, $0x1;
	s10 =	sld [smem:$0x3FBB];
	_ =	sdelay $0x3  }
0x37: {  	[smem:$0x3FBB] =	sst s10  }
0x38: {  	s10 =	sld [smem:$0x3FBC]  }
0x39: {  	_ = 	snop;
	(pc) =	sbr.ind lr, $3  }
0x3a: {  	_ = 	snop  }
0x3b: {  	_ = 	snop  }
0x3c: {  	p2 =	seq.s32 s10, $0x1;
	s10 =	sld [smem:$0x3FBB]  }
0x3d: {  	_ =	shalt  }
0x3e: {  	_ =	shalt  }
0x3f: {  	_ =	shalt  }
0x40: {  	_ =	shalt  }
0x41: {  	_ =	shalt  }
0x42: {  	_ =	shalt  }
0x43: {  	_ =	shalt  }
0x44: {  	_ =	shalt  }
0x45: {  	_ =	shalt  }
0x46: {  	_ =	shalt  }
0x47: {  	_ =	shalt  }
0x48: {  	_ =	shalt  }
0x49: {  	_ =	shalt  }
0x4a: {  	_ =	shalt  }
0x4b: {  	_ =	shalt  }
0x4c: {  	_ =	shalt  }
0x4d: {  	_ =	shalt  }
0x4e: {  	_ =	shalt  }
0x4f: {  	_ =	shalt  }
0x50: {  	_ =	shalt  }
0x51: {  	_ =	shalt  }
0x52: {  	_ =	shalt  }
0x53: {  	_ =	shalt  }
0x54: {  	_ =	shalt  }
0x55: {  	_ =	shalt  }
0x56: {  	_ =	shalt  }
0x57: {  	_ =	shalt  }
0x58: {  	_ =	shalt  }
0x59: {  	_ =	shalt  }
0x5a: {  	_ =	shalt  }
0x5b: {  	_ =	shalt  }
0x5c: {  	_ =	shalt  }
0x5d: {  	_ =	shalt  }
0x5e: {  	_ =	shalt  }
0x5f: {  	_ =	shalt  }
0x60: {  	_ =	shalt  }
0x61: {  	_ =	shalt  }
0x62: {  	_ =	shalt  }
0x63: {  	_ =	shalt  }
0x64: {  	_ =	shalt  }
0x65: {  	_ =	shalt  }
0x66: {  	_ =	shalt  }
0x67: {  	_ =	shalt  }
0x68: {  	_ =	shalt  }
0x69: {  	_ =	shalt  }
0x6a: {  	_ =	shalt  }
0x6b: {  	_ =	shalt  }
0x6c: {  	_ =	shalt  }
0x6d: {  	_ =	shalt  }
0x6e: {  	_ =	shalt  }
0x6f: {  	_ =	shalt  }
0x70: {  	_ =	shalt  }
0x71: {  	_ =	shalt  }
0x72: {  	_ =	shalt  }
0x73: {  	_ =	shalt  }
0x74: {  	_ =	shalt  }
0x75: {  	_ =	shalt  }
0x76: {  	_ =	shalt  }
0x77: {  	_ =	shalt  }
0x78: {  	_ =	shalt  }
0x79: {  	_ =	shalt  }
0x7a: {  	_ =	shalt  }
0x7b: {  	_ =	shalt  }
0x7c: {  	_ =	shalt  }
0x7d: {  	_ =	shalt  }
0x7e: {  	_ =	shalt  }
0x7f: {  	_ =	shalt  }
0x80: {  	_ =	shalt  }
0x81: {  	_ =	shalt  }
0x82: {  	_ =	shalt  }
0x83: {  	_ =	shalt  }
0x84: {  	_ =	shalt  }
0x85: {  	_ =	shalt  }
0x86: {  	_ =	shalt  }
0x87: {  	_ =	shalt  }
.Lfunc_end0:
.L_simem_size_0:
called_computation_lowered:
.L_overlay_start_0:
0x88: {  	s2 =	sld [smem:$0x3FD9]  }
0x89: {  	s3 =	sld [smem:$0x3FFE];
	_ =	sdelay $0x1  }
0x8a: {  	s1 =	srdreg.scid  }
0x8b: {  	s0 =	sand.u32 $0x1, s1  }
0x8c: {  	s18 =	sshll.u32 s0, $0xA;
	s2 =	sadd.s32 s3, s2  }
0x8d: {  	s2 =	sadd.s32 s2, s18  }
0x8e: {  	[smem:$0x3FC7] =	sst s2  }
0x8f: {  	_ = 	snop  }
0x90: {  	s2 =	sld [smem:$0x3FC9]  }
0x91: {  	s19 =	sld [smem:$0x3FD0];
	(tm) =	ssettm $0x1  }
0x92: {  	s4 =	sld [smem:$0x3FFB];
	_ =	sdelay $0x3  }
0x93: {  	_ =	strace s4  }
0x94: {  	s4 =	sld [smem:$0x3FFC];
	_ =	sdelay $0x3  }
0x95: {  	_ =	strace s4  }
0x96: {  	s4 =	sld [smem:$0x3FFD];
	_ =	sdelay $0x3  }
0x97: {  	_ =	strace s4  }
0x98: {  	_ =	strace $0x8FFFFFFF  }
0x99: {  	s20 =	sld [smem:$0x3FDB];
	_ =	sdelay $0x1  }
0x9a: {  	s5 =	simm.s32 $_scs_section_size  }
0x9b: {  	s6 =	simm.s32 $_size__tile_overlayer_lowered;
	s7 =	simm.s32 $_tile_overlayer_lowered  }
0x9c: {  	s23 =	simm.s32 $0x1BFF;
	s22 =	sshll.u32 s7, $0x1;
	s4 =	sadd.s32 s5, s20  }
0x9d: {  	s8 =	simm.s32 $0x0;
	s21 =	sshll.u32 s6, $0x1;
	s6 =	sadd.s32 s22, s4  }
0x9e: {  	[timem:s8], [sflag:s23] =	dma.local [hbm:s6], s21  }
0x9f: {  	_ =	swait.ge [sflag:s23], s21  }
0xa0: {  	s5 =	ssub.s32 $0x0, s21;
	[sflag:s23] =	ssyncset.done $0x0  }
0xa1: {  	[sflag:s23] =	ssyncadd.s32 s5;
	_ =	sdelay $0x1  }
0xa2: {  	s24 =	simm.s32 $0x1B8B  }
0xa3: {  	_ =	swait.ge [sflag:s24], $0x1  }
0xa4: {  	[sflag:s24] =	ssyncset.done $0x0  }
0xa5: {  	s25 =	simm.s32 $0x1B8E;
	[sflag:s24] =	ssyncadd.s32 $0xFFFFFFFF  }
0xa6: {  	s26 =	simm.s32 $execute0_lowered;
	[smem:$0x3FD2] =	sst s25  }
0xa7: {  	s5 =	sshll.u32 s26, $0x1;
	_ =	strace $0x80000046;
	[dreg:$0x1] =	wrdreg $0xFFFFFFFF  }
0xa8: {  	s28 =	simm.s32 $_size_execute0_lowered;
	s4 =	sadd.s32 s4, s5;
	[dreg:$0x0] =	wrdreg $0x0  }
0xa9: {  	s5 =	sshll.u32 s28, $0x1;
	[dreg:$0x2] =	wrdreg s4  }
0xaa: {  	[dreg:$0x3] =	wrdreg s5  }
0xab: {  	[dreg:$0x4] =	wrdreg $0xC0  }
0xac: {  	_ =	task [dreg:s8], $0x5FFFF  }
0xad: {  	[dreg:$0x1] =	wrdreg $0xFFFFFFFF  }
0xae: {  	[dreg:$0x0] =	wrdreg $0x60  }
0xaf: {  	[dreg:$0x2] =	wrdreg s2  }
0xb0: {  	[dreg:$0x3] =	wrdreg s19  }
0xb1: {  	[dreg:$0x4] =	wrdreg $0x9  }
0xb2: {  	_ =	task.clear_ibuf [dreg:s8], $0x5FFFF;
	_ =	strace $0x90000046  }
0xb3: {  	s29 =	simm.s32 $0x9;
	_ =	strace $0x80000048  }
0xb4: {  	_ =	swait.ge [sflag:s29], $0x1  }
0xb5: {  	[sflag:s29] =	ssyncadd.s32 $0xFFFFFFFF  }
0xb6: {  	_ =	strace $0x90000048  }
0xb7: {  	_ =	sfence  }
0xb8: {  	s30 =	sld [smem:$0x0];
	_ =	sdelay $0x2  }
0xb9: {  	s31 =	sshll.u32 s1, $0xD;
	s1 =	sshrl.u32 s1, $0x2  }
0xba: {  	s3 =	sand.u32 $0x4000, s31;
	s1 =	sadd.s32 s1, s30  }
0xbb: {  	s0 =	sor.u32 s3, s0;
	s1 =	sshll.u32 s1, $0x11  }
0xbc: {  	s0 =	sor.u32 s1, s0  }
0xbd: {  	s0 =	sadd.s32 $0x8F2B, s0  }
0xbe: {  	[sflag:s0] =	ssyncadd.remote.s32 $0x1  }
0xbf: {  	_ =	sfence.sel $0xFFFF  }
0xc0: {  	[dreg:$0x0] =	wrdreg $0xFFFFFFFF;
	(pc) =	sbr.abs _section_cstart, $3  }
0xc1: {  	[dreg:$0x1] =	wrdreg $0xFFFFFFFF  }
0xc2: {  	_ =	task.clear_ibuf [dreg:s8], $0x2FFFF;
	_ =	strace $0x9FFFFFFF  }
0xc3: {  	(tm) =	ssettm $0x7FFFFFFF  }
tec
execute0_lowered:
.L_overlay_start_1:
0x0: {  	(tag) =	ssettag $0x1  }
0x1: {  	s0 =	stileid.u32  }
0x2: {  	s1 =	srdreg.scid;
	s4 =	rddreg [dreg:$0x1];
	s5 =	simm.s32 $0x0  }
0x3: {  	v16 =	vlaneseq.u32;
	s2 =	sshll.u32 s0, $0x1;
	s6 =	sand.u32 $0x1, s1;
	s1 =	rddreg [dreg:$0x0]  }
0x4: {  	[smem:$0x7FF] =	sst s5;
	v0 =	vor.u32 $0x80, v16;
	s2 =	sand.u32 $0x2, s2  }
0x5: {  	v17 =	vor.u32 $0xFFFFFFD0, v16;
	s7 =	sor.u32 s6, s2;
	s2 =	rddreg [dreg:$0x2];
	_ =	strace $0x80000047;
	[tilespmem:$0x1FE30] =	vst v0  }
0x6: {  	v20 =	vor.u32 $0x10, v16;
	[tilespmem:$0x1FE40] =	vst v17  }
0x7: {  	v55 =	vor.u32 $0x30, v16;
	[tilespmem:$0x1FE50] =	vst v20  }
0x8: {  	v42 =	vor.u32 $0x40, v16;
	[tilespmem:$0x1FE70] =	vst v55  }
0x9: {  	v49 =	vor.u32 $0x400, v16;
	[tilespmem:$0x1FE90] =	vst v42  }
0xa: {  	v23 =	vor.u32 $0x440, v16;
	[tilespmem:$0x1FEB0] =	vst v49  }
0xb: {  	v27 =	vor.u32 $0x450, v16;
	[tilespmem:$0x1FED0] =	vst v23  }
0xc: {  	v47 =	vor.u32 $0x70, v16;
	[tilespmem:$0x1FEE0] =	vst v27  }
0xd: {  	v46 =	vor.u32 $0x60, v16;
	[tilespmem:$0x1FEF0] =	vst v47  }
0xe: {  	v25 =	vor.u32 $0x20, v16;
	[tilespmem:$0x1FF10] =	vst v46  }
0xf: {  	v13 =	vor.u32 $0x420, v16;
	[tilespmem:$0x1FF20] =	vst v25  }
0x10: {  	v12 =	vor.u32 $0x410, v16;
	[tilespmem:$0x1FF40] =	vst v13  }
0x11: {  	v10 =	vor.u32 $0x50, v16;
	[tilespmem:$0x1FF60] =	vst v12  }
0x12: {  	v14 =	vmul.u32 $0x30, v16;
	v22 =	vor.u32 $0x430, v16;
	[tilespmem:$0x1FFC0] =	vst v10  }
0x13: {  	[tilespmem:$0x1FFD0] =	vst v22  }
0x14: {  	v24 =	vadd.s32 $0x600, v14;
	[tilespmem:$0x1FFF0] =	vst v14  }
0x15: {  	v57 =	vadd.s32 $0x900, v14;
	[tilespmem:$0x1FE60] =	vst v24  }
0x16: {  	v44 =	vor.u32 $0xC00, v14;
	[tilespmem:$0x1FE80] =	vst v57  }
0x17: {  	v48 =	vadd.s32 $0x1500, v14;
	[tilespmem:$0x1FEA0] =	vst v44  }
0x18: {  	v62 =	vadd.s32 $0x1200, v14;
	[tilespmem:$0x1FEC0] =	vst v48  }
0x19: {  	s14 =	simm.s32 $0x6000;
	s15 =	simm.s32 $0x1;
	s9 =	sshrl.u32 s0, $0x1;
	v45 =	vadd.s32 $0xF00, v14;
	[tilespmem:$0x1FF00] =	vst v62  }
0x1a: {  	s16 =	simm.s32 $0xC000;
	s17 =	simm.s32 $0x2;
	s3 =	smul.u32 $0x540000, s9;
	v26 =	vor.u32 $0x2400, v14;
	[tilespmem:$0x1FF30] =	vst v45  }
0x1b: {  	s18 =	simm.s32 $0x11400;
	s19 =	simm.s32 $0x3;
	s9 =	smul.u32 $0x498000, s9;
	v58 =	vadd.s32 $0x1B00, v14;
	[tilespmem:$0x1FF50] =	vst v26  }
0x1c: {  	s20 =	simm.s32 $0x4;
	s6 =	ssub.s32 $0x2, s6;
	v21 =	vadd.s32 $0x2700, v14;
	s8 =	smul.u32 $0x150000, s7;
	[tilespmem:$0x1FF70] =	vst v58  }
.Ltmp0:
0x1d: {  	s21 =	simm.s32 $0x0;
	v19 =	vadd.s32 $0x2100, v14;
	s10 =	sshrl.u32 s6, $0x1;
	[tilespmem:$0x1FF80] =	vst v21;
	(pc) =	sbr.rel .LBB2_1-.Ltmp0, $4  }
0x1e: {  	v11 =	vor.u32 $0x1800, v14;
	[tilespmem:$0x1FF90] =	vst v19;
	s13 =	ssub.s32 s6, s10;
	s6 =	smul.u32 $0x38, s7;
	s8 =	sadd.s32 s3, s8  }
0x1f: {  	v18 =	vadd.s32 $0x1E00, v14;
	[tilespmem:$0x1FFA0] =	vst v11;
	s13 =	smax.u32 s13, $0x1;
	s29 =	sor.u32 $0x6000, s8;
	s30 =	sshrl.u32 s8, $0x3  }
0x20: {  	v15 =	vadd.s32 $0x300, v14;
	[tilespmem:$0x1FFB0] =	vst v18;
	s10 =	sor.u32 $0x2, s6;
	s11 =	sor.u32 $0x1, s6;
	s31 =	sshrl.u32 s29, $0x3  }
0x21: {  	[tilespmem:$0x1FFE0] =	vst v15;
	s12 =	sor.u32 $0x3, s6;
	s7 =	sadd.s32 s1, s30;
	s8 =	sadd.s32 s1, s31  }
.LBB2_12:
0x22: {  	_ =	swait.ge [sflag:s19], $0x5400  }
0x23: {  	[sflag:s19] =	ssyncset.done $0x0  }
0x24: {  	[sflag:s19] =	ssyncadd.s32 $0xFFFFAC00  }
0x25: {  	_ =	swait.ge [sflag:s20], $0x5400  }
0x26: {  	s21 =	sadd.s32 $0x1, s21;
	v17 =	vld [tilespmem:$0x1FE40]  }
0x27: {  	p0 =	sne.s32 s21, s13;
	v20 =	vld [tilespmem:$0x1FE50]  }
.Ltmp1:
0x28: {  	v24 =	vld [tilespmem:$0x1FE60];
	(pc) =	sbr.rel @!p0 .LBB2_13-.Ltmp1, $4  }
0x29: {  	v55 =	vld [tilespmem:$0x1FE70]  }
0x2a: {  	v42 =	vld [tilespmem:$0x1FE90]  }
0x2b: {  	[sflag:s20] =	ssyncset.done $0x0;
	v57 =	vld [tilespmem:$0x1FE80]  }
0x2c: {  	v18 =	vmovc v29;
	v22 =	vmovc v34;
	v19 =	vmov v35;
	v23 =	vmov v36;
	v26 =	vmov v39;
	v44 =	vld [tilespmem:$0x1FEA0];
	[sflag:s20] =	ssyncadd.s32 $0xFFFFAC00  }
.LBB2_1:
0x2d: {  	[tilespmem:s5], [sflag:$0x1] =	stream.linear.gather [hbm4b:s7+s5], $0x6000, $0x38;
	[tilespmem:$0x16800] =	vst v63  }
0x2e: {  	s22 =	simm.s32 $0x0  }
0x2f: {  	[tilespmem:s14], [sflag:$0x2] =	stream.linear.gather [hbm4b:s8+s5], $0x6000, $0x38;
	[tilespmem:$0x16800] =	vst v63  }
.LBB2_2:
0x30: {  	s28 =	simm.s32 $0x0  }
0x31: {  	v0 =	vadd.s32 s28, v16  }
0x32: {  	v1 =	vadd.s32 s28, v17;
	vm0 =	vgt.u32 v0, $0x2F  }
0x33: {  	v0 =	vsel vm0, v1, v0  }
0x34: {  	v1 =	vshll.u32 v0, $0x8;
	v2 =	vshll.u32 v0, $0x9  }
0x35: {  	v1 =	vand.u32 $0x300, v1;
	v2 =	vand.u32 $0xFFFFF800, v2  }
0x36: {  	_ =	swait.ge [sflag:s15], $0x6000;
	v35 =	vor.u32 v1, v2  }
0x37: {  	p0 =	seq.s32 s22, $0x0;
	[sflag:s15] =	ssyncset.done $0x0;
	v1 =	vor.u32 v16, v35  }
0x38: {  	s23 =	simm.s32 @!p0 $0x3;
	[sflag:s15] =	ssyncadd.s32 $0xFFFFA000  }
0x39: {  	_ =	swait.ge @!p0 [sflag:s23], $0x5400;
	v2 =	vadd.s32 v14, v0  }
0x3a: {  	[sflag:s23] =	ssyncset.done @!p0 $0x0;
	v3 =	vshll.u32 v2, $0x1  }
0x3b: {  	[sflag:s23] =	ssyncadd.s32 @!p0 $0xFFFFAC00;
	v2 =	vand.u32 $0x7F, v2;
	v3 =	vand.u32 $0xFFFFFF00, v3  }
0x3c: {  	v2 =	vor.u32 v2, v3;
	v1 =	vld.idx.msk [tilespmem:v1+s28+$0x0], $0xffff  }
0x3d: {  	v3 =	vor.u32 v20, v35;
	_ =	sdelay $0x1  }
0x3e: {  	v4 =	vadd.s32 v15, v0  }
0x3f: {  	v5 =	vshll.u32 v4, $0x1  }
0x40: {  	[tilespmem:v2+s16+$0x0] =	vst.idx.msk $0xffff, v1;
	v1 =	vand.u32 $0x7F, v4;
	v2 =	vand.u32 $0xFFFFFF00, v5  }
0x41: {  	v3 =	vld.idx.msk [tilespmem:v3+s28+$0x0], $0xffff;
	v1 =	vor.u32 v1, v2  }
0x42: {  	v2 =	vor.u32 v25, v35;
	_ =	sdelay $0x1  }
0x43: {  	v4 =	vadd.s32 v24, v0  }
0x44: {  	v5 =	vshll.u32 v4, $0x1  }
0x45: {  	[tilespmem:v1+s16+$0x0] =	vst.idx.msk $0xffff, v3;
	v1 =	vand.u32 $0x7F, v4;
	v3 =	vand.u32 $0xFFFFFF00, v5  }
0x46: {  	v2 =	vld.idx.msk [tilespmem:v2+s28+$0x0], $0xffff;
	v1 =	vor.u32 v1, v3  }
0x47: {  	v3 =	vor.u32 v55, v35  }
0x48: {  	s29 =	simm.s32 $0x1  }
0x49: {  	v4 =	vadd.s32 s29, v16;
	v5 =	vadd.s32 v57, v0  }
0x4a: {  	v6 =	vadd.s32 s29, v17;
	vm13 =	vgt.u32 v4, $0x2F;
	v7 =	vshll.u32 v5, $0x1  }
0x4b: {  	v33 =	vsel vm13, v6, v4;
	[tilespmem:v1+s16+$0x0] =	vst.idx.msk $0xffff, v2;
	v1 =	vand.u32 $0x7F, v5;
	v2 =	vand.u32 $0xFFFFFF00, v7  }
0x4c: {  	v4 =	vshll.u32 v33, $0x8;
	v5 =	vshll.u32 v33, $0x9;
	v3 =	vld.idx.msk [tilespmem:v3+s28+$0x0], $0xffff;
	v1 =	vor.u32 v1, v2  }
0x4d: {  	v4 =	vand.u32 $0x300, v4;
	v2 =	vor.u32 v42, v35;
	v5 =	vand.u32 $0xFFFFF800, v5  }
0x4e: {  	v31 =	vor.u32 v4, v5  }
0x4f: {  	v5 =	vadd.s32 v44, v0;
	v4 =	vor.u32 v16, v31  }
0x50: {  	v6 =	vshll.u32 v5, $0x1  }
0x51: {  	v7 =	vadd.s32 v14, v33;
	[tilespmem:v1+s16+$0x0] =	vst.idx.msk $0xffff, v3;
	v1 =	vand.u32 $0x7F, v5;
	v3 =	vand.u32 $0xFFFFFF00, v6  }
0x52: {  	v2 =	vld.idx.msk [tilespmem:v2+s28+$0x0], $0xffff;
	v1 =	vor.u32 v1, v3;
	v3 =	vshll.u32 v7, $0x1  }
0x53: {  	v5 =	vor.u32 v10, v35;
	v6 =	vand.u32 $0x7F, v7;
	v3 =	vand.u32 $0xFFFFFF00, v3  }
0x54: {  	v4 =	vld.idx.msk [tilespmem:v4+s28+$0x0], $0xffff;
	v3 =	vor.u32 v6, v3  }
0x55: {  	v7 =	vadd.s32 v45, v0  }
0x56: {  	v9 =	vshll.u32 v7, $0x1;
	v6 =	vor.u32 v20, v31  }
0x57: {  	[tilespmem:v1+s16+$0x0] =	vst.idx.msk $0xffff, v2;
	v1 =	vand.u32 $0x7F, v7;
	v2 =	vand.u32 $0xFFFFFF00, v9  }
0x58: {  	s26 =	simm.s32 $0x2;
	v7 =	vadd.s32 v15, v33;
	v5 =	vld.idx.msk [tilespmem:v5+s28+$0x0], $0xffff;
	v1 =	vor.u32 v1, v2  }
0x59: {  	v8 =	vadd.s32 s26, v17;
	v2 =	vshll.u32 v7, $0x1;
	[tilespmem:v3+s16+$0x0] =	vst.idx.msk $0xffff, v4;
	v3 =	vor.u32 v46, v35  }
0x5a: {  	v29 =	vadd.s32 s26, v16;
	v4 =	vand.u32 $0x7F, v7;
	v2 =	vand.u32 $0xFFFFFF00, v2  }
0x5b: {  	vm14 =	vgt.u32 v29, $0x2F;
	v7 =	vadd.s32 v62, v0;
	v6 =	vld.idx.msk [tilespmem:v6+s28+$0x0], $0xffff;
	v2 =	vor.u32 v4, v2  }
0x5c: {  	s25 =	simm.s32 $0x3;
	v30 =	vsel vm14, v8, v29;
	v4 =	vor.u32 v25, v31;
	v8 =	vshll.u32 v7, $0x1  }
0x5d: {  	v39 =	vadd.s32 s25, v16;
	v7 =	vand.u32 $0x7F, v7;
	v8 =	vand.u32 $0xFFFFFF00, v8;
	[tilespmem:v1+s16+$0x0] =	vst.idx.msk $0xffff, v5  }
0x5e: {  	vm15 =	vgt.u32 v39, $0x2F;
	v9 =	vadd.s32 v24, v33;
	v1 =	vor.u32 v7, v8;
	v3 =	vld.idx.msk [tilespmem:v3+s28+$0x0], $0xffff  }
0x5f: {  	v34 =	vadd.s32 v11, v0;
	v29 =	vshll.u32 v9, $0x1;
	v8 =	vor.u32 v47, v35  }
0x60: {  	v32 =	vshll.u32 v30, $0x8;
	v5 =	vand.u32 $0x7F, v9;
	v7 =	vand.u32 $0xFFFFFF00, v29;
	[tilespmem:v2+s16+$0x0] =	vst.idx.msk $0xffff, v6  }
0x61: {  	v40 =	vadd.s32 v18, v0;
	v5 =	vor.u32 v5, v7;
	v7 =	vadd.s32 v48, v0;
	v4 =	vld.idx.msk [tilespmem:v4+s28+$0x0], $0xffff  }
0x62: {  	v60 =	vadd.s32 v24, v30;
	v2 =	vor.u32 v55, v31;
	v6 =	vshll.u32 v7, $0x1  }
0x63: {  	v32 =	vand.u32 $0x300, v32;
	v7 =	vand.u32 $0x7F, v7;
	v6 =	vand.u32 $0xFFFFFF00, v6;
	[tilespmem:v1+s16+$0x0] =	vst.idx.msk $0xffff, v3  }
0x64: {  	v37 =	vor.u32 v12, v35;
	v29 =	vadd.s32 v57, v33;
	v6 =	vor.u32 v7, v6;
	v8 =	vld.idx.msk [tilespmem:v8+s28+$0x0], $0xffff  }
0x65: {  	v38 =	vor.u32 v13, v35;
	v36 =	vshll.u32 v29, $0x1;
	v3 =	vor.u32 v49, v35  }
0x66: {  	v7 =	vand.u32 $0x7F, v29;
	v29 =	vand.u32 $0xFFFFFF00, v36;
	v1 =	vshll.u32 v30, $0x9;
	[tilespmem:v5+s16+$0x0] =	vst.idx.msk $0xffff, v4  }
0x67: {  	v41 =	vadd.s32 v44, v33;
	v7 =	vor.u32 v7, v29;
	v1 =	vand.u32 $0xFFFFF800, v1;
	v2 =	vld.idx.msk [tilespmem:v2+s28+$0x0], $0xffff  }
0x68: {  	v29 =	vor.u32 v42, v31;
	v4 =	vshll.u32 v34, $0x1;
	v32 =	vor.u32 v32, v1  }
0x69: {  	v1 =	vand.u32 $0x7F, v34;
	v4 =	vand.u32 $0xFFFFFF00, v4;
	v5 =	vor.u32 v16, v32;
	[tilespmem:v6+s16+$0x0] =	vst.idx.msk $0xffff, v8  }
0x6a: {  	v43 =	vshll.u32 v41, $0x1;
	v1 =	vor.u32 v1, v4;
	v4 =	vadd.s32 v14, v30;
	v3 =	vld.idx.msk [tilespmem:v3+s28+$0x0], $0xffff  }
0x6b: {  	v56 =	vadd.s32 v62, v33;
	v36 =	vand.u32 $0xFFFFFF00, v43;
	v8 =	vshll.u32 v4, $0x1  }
0x6c: {  	v34 =	vand.u32 $0x7F, v41;
	v4 =	vand.u32 $0x7F, v4;
	v8 =	vand.u32 $0xFFFFFF00, v8;
	[tilespmem:v7+s16+$0x0] =	vst.idx.msk $0xffff, v2  }
0x6d: {  	v9 =	vadd.s32 v58, v0;
	v6 =	vor.u32 v34, v36;
	v2 =	vor.u32 v4, v8;
	v8 =	vld.idx.msk [tilespmem:v29+s28+$0x0], $0xffff  }
0x6e: {  	v50 =	vor.u32 v10, v31;
	v54 =	vor.u32 v46, v31;
	v51 =	vshll.u32 v9, $0x1;
	v5 =	vld.idx.msk [tilespmem:v5+s28+$0x0], $0xffff  }
0x6f: {  	v63 =	vor.u32 v47, v31;
	v4 =	vand.u32 $0x7F, v9;
	v7 =	vand.u32 $0xFFFFFF00, v51;
	[tilespmem:v1+s16+$0x0] =	vst.idx.msk $0xffff, v3  }
0x70: {  	v9 =	vor.u32 v20, v32;
	v29 =	vadd.s32 v45, v33;
	v4 =	vor.u32 v4, v7;
	v3 =	vld.idx.msk [tilespmem:v37+s28+$0x0], $0xffff  }
0x71: {  	v7 =	vadd.s32 s25, v17;
	v52 =	vshll.u32 v29, $0x1;
	v29 =	vand.u32 $0x7F, v29  }
0x72: {  	v34 =	vsel vm15, v7, v39;
	v36 =	vand.u32 $0xFFFFFF00, v52;
	v1 =	vadd.s32 v15, v30;
	[tilespmem:v6+s16+$0x0] =	vst.idx.msk $0xffff, v8  }
0x73: {  	v29 =	vor.u32 v29, v36;
	v53 =	vshll.u32 v1, $0x1;
	[tilespmem:v2+s16+$0x0] =	vst.idx.msk $0xffff, v5;
	v2 =	vld.idx.msk [tilespmem:v50+s28+$0x0], $0xffff  }
0x74: {  	v1 =	vand.u32 $0x7F, v1;
	v6 =	vand.u32 $0xFFFFFF00, v53;
	v8 =	vshll.u32 v40, $0x1  }
0x75: {  	v5 =	vor.u32 v1, v6;
	v1 =	vand.u32 $0x7F, v40;
	v6 =	vand.u32 $0xFFFFFF00, v8;
	v8 =	vld.idx.msk [tilespmem:v9+s28+$0x0], $0xffff;
	[tilespmem:v4+s16+$0x0] =	vst.idx.msk $0xffff, v3  }
0x76: {  	v9 =	vor.u32 v25, v32;
	v6 =	vor.u32 v1, v6;
	v1 =	vshll.u32 v56, $0x1;
	v59 =	vld.idx.msk [tilespmem:v38+s28+$0x0], $0xffff  }
0x77: {  	v7 =	vor.u32 v22, v35;
	v3 =	vand.u32 $0x7F, v56;
	v4 =	vand.u32 $0xFFFFFF00, v1  }
0x78: {  	v1 =	vadd.s32 v21, v0;
	v61 =	vor.u32 v3, v4;
	[tilespmem:v29+s16+$0x0] =	vst.idx.msk $0xffff, v2  }
0x79: {  	v3 =	vadd.s32 v26, v0;
	v0 =	vadd.s32 v19, v0;
	v2 =	vshll.u32 v60, $0x1;
	v29 =	vld.idx.msk [tilespmem:v54+s28+$0x0], $0xffff  }
0x7a: {  	v4 =	vand.u32 $0x7F, v60;
	[tilespmem:v5+s16+$0x0] =	vst.idx.msk $0xffff, v8;
	v5 =	vshll.u32 v0, $0x1;
	v2 =	vand.u32 $0xFFFFFF00, v2  }
0x7b: {  	v0 =	vand.u32 $0x7F, v0;
	v8 =	vld.idx.msk [tilespmem:v9+s28+$0x0], $0xffff;
	v9 =	vor.u32 v4, v2;
	v4 =	vand.u32 $0xFFFFFF00, v5;
	[tilespmem:v6+s16+$0x0] =	vst.idx.msk $0xffff, v59  }
0x7c: {  	v2 =	vor.u32 v55, v32;
	v5 =	vadd.s32 v48, v33;
	v37 =	vor.u32 v0, v4;
	v36 =	vld.idx.msk [tilespmem:v7+s28+$0x0], $0xffff  }
0x7d: {  	v43 =	vor.u32 v49, v31;
	v38 =	vor.u32 v23, v35;
	v4 =	vshll.u32 v5, $0x1  }
0x7e: {  	v0 =	vadd.s32 v58, v33;
	v6 =	vand.u32 $0x7F, v5;
	v41 =	vand.u32 $0xFFFFFF00, v4;
	[tilespmem:v61+s16+$0x0] =	vst.idx.msk $0xffff, v29  }
0x7f: {  	s23 =	sshll.u32 s22, $0x1;
	v4 =	vadd.s32 v11, v33;
	v7 =	vadd.s32 v57, v30;
	v29 =	vor.u32 v6, v41;
	v41 =	vld.idx.msk [tilespmem:v63+s28+$0x0], $0xffff  }
0x80: {  	s30 =	simm.s32 $0x4;
	s24 =	sadd.s32 s6, s23;
	v5 =	vshll.u32 v34, $0x8;
	v6 =	vshll.u32 v34, $0x9;
	[tilespmem:v9+s16+$0x0] =	vst.idx.msk $0xffff, v8;
	v8 =	vshll.u32 v7, $0x1  }
.LBB2_3:
0x81: {  	p1 =	sne.s32 s30, $0x2F;
	v2 =	vld.idx.msk [tilespmem:v2+s28+$0x0], $0xffff;
	v7 =	vand.u32 $0x7F, v7;
	v8 =	vand.u32 $0xFFFFFF00, v8;
	[tilespmem:v37+s16+$0x0] =	vst.idx.msk $0xffff, v36;
	v9 =	vshll.u32 v3, $0x1  }
0x82: {  	v3 =	vand.u32 $0x7F, v3;
	v7 =	vor.u32 v7, v8;
	v8 =	vld.idx.msk [tilespmem:v38+s28+$0x0], $0xffff;
	v9 =	vand.u32 $0xFFFFFF00, v9  }
0x83: {  	v36 =	vor.u32 v42, v32;
	v37 =	vshll.u32 v4, $0x1;
	v3 =	vor.u32 v3, v9  }
0x84: {  	v5 =	vand.u32 $0x300, v5;
	v6 =	vand.u32 $0xFFFFF800, v6;
	v9 =	vor.u32 v27, v35;
	v35 =	vmovc v31;
	[tilespmem:v29+s16+$0x0] =	vst.idx.msk $0xffff, v41  }
0x85: {  	v4 =	vand.u32 $0x7F, v4;
	v37 =	vand.u32 $0xFFFFFF00, v37;
	v31 =	vmovc v32;
	v32 =	vor.u32 v5, v6;
	v29 =	vld.idx.msk [tilespmem:v43+s28+$0x0], $0xffff  }
0x86: {  	v6 =	vadd.s32 v44, v30;
	v4 =	vor.u32 v4, v37;
	v5 =	vor.u32 v16, v32  }
0x87: {  	v37 =	vadd.s32 v14, v34;
	[tilespmem:v7+s16+$0x0] =	vst.idx.msk $0xffff, v2;
	v2 =	vshll.u32 v6, $0x1;
	v7 =	vor.u32 v12, v35  }
0x88: {  	v6 =	vand.u32 $0x7F, v6;
	v36 =	vld.idx.msk [tilespmem:v36+s28+$0x0], $0xffff;
	v2 =	vand.u32 $0xFFFFFF00, v2;
	[tilespmem:v3+s16+$0x0] =	vst.idx.msk $0xffff, v8;
	v3 =	vshll.u32 v1, $0x1  }
0x89: {  	v1 =	vand.u32 $0x7F, v1;
	v2 =	vor.u32 v6, v2;
	v6 =	vld.idx.msk [tilespmem:v9+s28+$0x0], $0xffff;
	v3 =	vand.u32 $0xFFFFFF00, v3  }
0x8a: {  	v8 =	vshll.u32 v37, $0x1;
	v9 =	vor.u32 v10, v31;
	v1 =	vor.u32 v1, v3  }
0x8b: {  	v8 =	vand.u32 $0xFFFFFF00, v8;
	v3 =	vld.idx.msk [tilespmem:v5+s28+$0x0], $0xffff;
	v5 =	vand.u32 $0x7F, v37;
	[tilespmem:v4+s16+$0x0] =	vst.idx.msk $0xffff, v29;
	v4 =	vshll.u32 v0, $0x1  }
0x8c: {  	v0 =	vand.u32 $0x7F, v0;
	v5 =	vor.u32 v5, v8;
	v7 =	vld.idx.msk [tilespmem:v7+s28+$0x0], $0xffff;
	v4 =	vand.u32 $0xFFFFFF00, v4  }
0x8d: {  	v29 =	vadd.s32 v45, v30;
	v8 =	vor.u32 v20, v32;
	v0 =	vor.u32 v0, v4  }
0x8e: {  	v4 =	vadd.s32 s30, v17;
	[tilespmem:v2+s16+$0x0] =	vst.idx.msk $0xffff, v36;
	v2 =	vshll.u32 v29, $0x1;
	v36 =	vor.u32 v13, v35  }
0x8f: {  	v37 =	vadd.s32 s30, v16;
	v29 =	vand.u32 $0x7F, v29;
	v9 =	vld.idx.msk [tilespmem:v9+s28+$0x0], $0xffff;
	v2 =	vand.u32 $0xFFFFFF00, v2;
	[tilespmem:v1+s16+$0x0] =	vst.idx.msk $0xffff, v6  }
0x90: {  	vm0 =	vgt.u32 v37, $0x2F;
	v1 =	vadd.s32 v15, v34;
	v2 =	vor.u32 v29, v2  }
0x91: {  	v6 =	vadd.s32 v18, v33;
	[tilespmem:v5+s16+$0x0] =	vst.idx.msk $0xffff, v3;
	v3 =	vshll.u32 v1, $0x1;
	v5 =	vor.u32 v46, v31  }
0x92: {  	v1 =	vand.u32 $0x7F, v1;
	v8 =	vld.idx.msk [tilespmem:v8+s28+$0x0], $0xffff;
	v3 =	vand.u32 $0xFFFFFF00, v3;
	[tilespmem:v0+s16+$0x0] =	vst.idx.msk $0xffff, v7;
	v0 =	vshll.u32 v6, $0x1  }
0x93: {  	v7 =	vor.u32 v1, v3;
	v29 =	vld.idx.msk [tilespmem:v36+s28+$0x0], $0xffff;
	v1 =	vand.u32 $0x7F, v6;
	v0 =	vand.u32 $0xFFFFFF00, v0  }
0x94: {  	v6 =	vor.u32 v25, v32;
	v3 =	vadd.s32 v62, v30;
	v0 =	vor.u32 v1, v0  }
0x95: {  	v4 =	vsel vm0, v4, v37;
	v1 =	vshll.u32 v3, $0x1;
	[tilespmem:v2+s16+$0x0] =	vst.idx.msk $0xffff, v9;
	v2 =	vor.u32 v22, v35  }
0x96: {  	v3 =	vand.u32 $0x7F, v3;
	v9 =	vand.u32 $0xFFFFFF00, v1;
	v1 =	vadd.s32 v21, v33;
	v5 =	vld.idx.msk [tilespmem:v5+s28+$0x0], $0xffff  }
0x97: {  	v36 =	vadd.s32 v24, v34;
	v9 =	vor.u32 v3, v9;
	v3 =	vadd.s32 v26, v33  }
0x98: {  	v37 =	vadd.s32 v19, v33;
	[tilespmem:v7+s16+$0x0] =	vst.idx.msk $0xffff, v8;
	v7 =	vshll.u32 v36, $0x1;
	v8 =	vor.u32 v47, v31  }
0x99: {  	v33 =	vmovc v30;
	v39 =	vld.idx.msk [tilespmem:v6+s28+$0x0], $0xffff;
	v6 =	vand.u32 $0x7F, v36;
	v7 =	vand.u32 $0xFFFFFF00, v7;
	[tilespmem:v0+s16+$0x0] =	vst.idx.msk $0xffff, v29;
	v0 =	vshll.u32 v37, $0x1  }
0x9a: {  	v30 =	vmovc v34;
	v34 =	vmovc v4;
	v40 =	vor.u32 v6, v7;
	v36 =	vld.idx.msk [tilespmem:v2+s28+$0x0], $0xffff;
	v6 =	vand.u32 $0x7F, v37;
	v0 =	vand.u32 $0xFFFFFF00, v0  }
.Ltmp2:
0x9b: {  	v4 =	vadd.s32 v48, v33;
	v2 =	vor.u32 v55, v32;
	v37 =	vor.u32 v6, v0;
	(pc) =	sbr.rel @p1 .LBB2_3-.Ltmp2, $4  }
0x9c: {  	v38 =	vor.u32 v23, v35;
	v0 =	vadd.s32 v58, v33;
	[tilespmem:v9+s16+$0x0] =	vst.idx.msk $0xffff, v5;
	v5 =	vshll.u32 v4, $0x1  }
0x9d: {  	v6 =	vand.u32 $0x7F, v4;
	v4 =	vadd.s32 v11, v33;
	v41 =	vld.idx.msk [tilespmem:v8+s28+$0x0], $0xffff;
	v8 =	vand.u32 $0xFFFFFF00, v5  }
0x9e: {  	v7 =	vadd.s32 v57, v30;
	v5 =	vshll.u32 v34, $0x8;
	v29 =	vor.u32 v6, v8  }
0x9f: {  	v43 =	vor.u32 v49, v31;
	s30 =	sadd.s32 $0x1, s30;
	v6 =	vshll.u32 v34, $0x9;
	v8 =	vshll.u32 v7, $0x1;
	[tilespmem:v40+s16+$0x0] =	vst.idx.msk $0xffff, v39  }
0xa0: {  	v7 =	vand.u32 $0x7F, v7;
	v8 =	vand.u32 $0xFFFFFF00, v8;
	v9 =	vshll.u32 v3, $0x1  }
0xa1: {  	v3 =	vand.u32 $0x7F, v3;
	v7 =	vor.u32 v7, v8;
	v8 =	vand.u32 $0xFFFFFF00, v9  }
0xa2: {  	v39 =	vshll.u32 v4, $0x1;
	v3 =	vor.u32 v3, v8  }
0xa3: {  	v9 =	vor.u32 v42, v32;
	[tilespmem:$0x1FCD0] =	vst v3;
	v3 =	vand.u32 $0x300, v5;
	v5 =	vand.u32 $0xFFFFF800, v6  }
0xa4: {  	v28 =	vmovc v42;
	v6 =	vor.u32 v27, v35;
	v42 =	vor.u32 v3, v5;
	v3 =	vand.u32 $0x7F, v4  }
0xa5: {  	[tilespmem:$0x1FCF0] =	vst v6;
	v4 =	vand.u32 $0xFFFFFF00, v39;
	v6 =	vadd.s32 v44, v30;
	v5 =	vor.u32 v16, v42  }
0xa6: {  	v8 =	vshll.u32 v1, $0x1;
	v52 =	vor.u32 v3, v4;
	v4 =	vshll.u32 v6, $0x1  }
0xa7: {  	v3 =	vadd.s32 v14, v34;
	v6 =	vand.u32 $0x7F, v6;
	v4 =	vand.u32 $0xFFFFFF00, v4  }
0xa8: {  	v1 =	vand.u32 $0x7F, v1;
	v4 =	vor.u32 v6, v4;
	v6 =	vshll.u32 v3, $0x1  }
0xa9: {  	v8 =	vand.u32 $0xFFFFFF00, v8;
	v3 =	vand.u32 $0x7F, v3;
	v6 =	vand.u32 $0xFFFFFF00, v6  }
0xaa: {  	v1 =	vor.u32 v1, v8;
	v3 =	vor.u32 v3, v6;
	v5 =	vld.idx.msk [tilespmem:v5+s28+$0x0], $0xffff  }
0xab: {  	v6 =	vor.u32 v20, v42;
	[tilespmem:$0x1FD10] =	vst v1;
	v1 =	vshll.u32 v0, $0x1  }
0xac: {  	v0 =	vand.u32 $0x7F, v0;
	v1 =	vand.u32 $0xFFFFFF00, v1  }
0xad: {  	v8 =	vadd.s32 v45, v30;
	v50 =	vor.u32 v0, v1;
	v1 =	vadd.s32 v15, v34  }
0xae: {  	v0 =	vshll.u32 v8, $0x1;
	v8 =	vand.u32 $0x7F, v8;
	v56 =	vshll.u32 v1, $0x1  }
0xaf: {  	v0 =	vand.u32 $0xFFFFFF00, v0;
	v1 =	vand.u32 $0x7F, v1;
	[tilespmem:v3+s16+$0x0] =	vst.idx.msk $0xffff, v5;
	v3 =	vand.u32 $0xFFFFFF00, v56  }
0xb0: {  	v5 =	vor.u32 v8, v0;
	v0 =	vadd.s32 v18, v33;
	v6 =	vld.idx.msk [tilespmem:v6+s28+$0x0], $0xffff;
	v1 =	vor.u32 v1, v3  }
0xb1: {  	v8 =	vshll.u32 v0, $0x1  }
0xb2: {  	v59 =	vor.u32 v25, v42;
	v0 =	vand.u32 $0x7F, v0;
	v8 =	vand.u32 $0xFFFFFF00, v8  }
0xb3: {  	v54 =	vadd.s32 v62, v30;
	v0 =	vor.u32 v0, v8  }
0xb4: {  	v61 =	vmovc v26;
	v26 =	vmovc v45;
	v45 =	vand.u32 $0x7F, v54;
	v8 =	vadd.s32 v24, v34;
	[tilespmem:$0x1FCB0] =	vst v0;
	v0 =	vshll.u32 v54, $0x1  }
0xb5: {  	v56 =	vshll.u32 v8, $0x1;
	v0 =	vand.u32 $0xFFFFFF00, v0;
	[tilespmem:v1+s16+$0x0] =	vst.idx.msk $0xffff, v6;
	v1 =	vand.u32 $0x7F, v8  }
0xb6: {  	v6 =	vand.u32 $0xFFFFFF00, v56;
	v8 =	vadd.s32 v21, v33;
	v54 =	vor.u32 v45, v0  }
0xb7: {  	v0 =	vld.idx.msk [tilespmem:v59+s28+$0x0], $0xffff;
	v1 =	vor.u32 v1, v6;
	v6 =	vadd.s32 v61, v33;
	v33 =	vadd.s32 v19, v33  }
0xb8: {  	v51 =	vor.u32 v12, v31;
	v35 =	vmovc v48;
	v48 =	vor.u32 v46, v32;
	v59 =	vshll.u32 v33, $0x1  }
0xb9: {  	v63 =	vmovc v44;
	v44 =	vor.u32 v55, v42;
	v33 =	vand.u32 $0x7F, v33;
	v45 =	vand.u32 $0xFFFFFF00, v59  }
0xba: {  	v40 =	vmovc v12;
	v3 =	vmov v46;
	v46 =	vadd.s32 v57, v34;
	v2 =	vld.idx.msk [tilespmem:v2+s28+$0x0], $0xffff;
	v12 =	vor.u32 v33, v45  }
0xbb: {  	v53 =	vor.u32 v10, v32;
	v57 =	vshll.u32 v46, $0x1;
	v56 =	vadd.s32 v35, v30;
	[tilespmem:$0x1FCC0] =	vst v12  }
0xbc: {  	v33 =	vshll.u32 v56, $0x1;
	[tilespmem:v1+s16+$0x0] =	vst.idx.msk $0xffff, v0;
	v0 =	vand.u32 $0x7F, v46;
	v1 =	vand.u32 $0xFFFFFF00, v57  }
0xbd: {  	v56 =	vand.u32 $0x7F, v56;
	v1 =	vor.u32 v0, v1;
	v0 =	vand.u32 $0xFFFFFF00, v33  }
0xbe: {  	v60 =	vmovc v49;
	v49 =	vor.u32 v13, v31;
	v57 =	vld.idx.msk [tilespmem:v44+s28+$0x0], $0xffff;
	v56 =	vor.u32 v56, v0;
	v0 =	vshll.u32 v6, $0x1  }
0xbf: {  	v59 =	vor.u32 v28, v42;
	[tilespmem:v7+s16+$0x0] =	vst.idx.msk $0xffff, v2;
	v2 =	vand.u32 $0x7F, v6;
	v0 =	vand.u32 $0xFFFFFF00, v0  }
0xc0: {  	v39 =	vmovc v23;
	v23 =	vmov v47;
	v47 =	vor.u32 v22, v31;
	v0 =	vor.u32 v2, v0  }
0xc1: {  	v7 =	vld.idx.msk [tilespmem:v9+s28+$0x0], $0xffff;
	v6 =	vadd.s32 v63, v34;
	[tilespmem:$0x1FCE0] =	vst v0;
	v0 =	vor.u32 v27, v31  }
0xc2: {  	v46 =	vor.u32 v39, v31;
	v33 =	vadd.s32 v11, v30;
	v2 =	vshll.u32 v6, $0x1;
	[tilespmem:$0x1FD00] =	vst v0  }
0xc3: {  	v9 =	vshll.u32 v33, $0x1;
	v2 =	vand.u32 $0xFFFFFF00, v2;
	[tilespmem:v1+s16+$0x0] =	vst.idx.msk $0xffff, v57;
	v1 =	vand.u32 $0x7F, v6  }
0xc4: {  	v9 =	vand.u32 $0xFFFFFF00, v9;
	v6 =	vand.u32 $0x7F, v33;
	v31 =	vld.idx.msk [tilespmem:v59+s28+$0x0], $0xffff;
	v1 =	vor.u32 v1, v2  }
0xc5: {  	v9 =	vor.u32 v6, v9;
	v2 =	vshll.u32 v8, $0x1;
	v6 =	vor.u32 v10, v42  }
0xc6: {  	v12 =	vmovc v58;
	v58 =	vadd.s32 v58, v30;
	v8 =	vand.u32 $0x7F, v8;
	v2 =	vand.u32 $0xFFFFFF00, v2  }
0xc7: {  	[tilespmem:v4+s16+$0x0] =	vst.idx.msk $0xffff, v7;
	v4 =	vadd.s32 v26, v34;
	v0 =	vor.u32 v8, v2  }
0xc8: {  	v45 =	vmovc v63;
	v63 =	vshll.u32 v4, $0x1;
	v2 =	vshll.u32 v58, $0x1;
	v8 =	vand.u32 $0x7F, v58;
	[tilespmem:$0x1FD20] =	vst v0  }
0xc9: {  	v2 =	vand.u32 $0xFFFFFF00, v2;
	v7 =	vld.idx.msk [tilespmem:v53+s28+$0x0], $0xffff;
	[tilespmem:v1+s16+$0x0] =	vst.idx.msk $0xffff, v31;
	v1 =	vand.u32 $0x7F, v4;
	v4 =	vand.u32 $0xFFFFFF00, v63  }
0xca: {  	v8 =	vor.u32 v8, v2;
	v2 =	vld.idx.msk [tilespmem:v6+s28+$0x0], $0xffff;
	v1 =	vor.u32 v1, v4  }
0xcb: {  	v31 =	vadd.s32 v18, v30;
	v6 =	vor.u32 v3, v42  }
0xcc: {  	v55 =	vor.u32 v23, v32;
	v28 =	vmovc v60;
	v60 =	vor.u32 v60, v32;
	v4 =	vshll.u32 v31, $0x1  }
0xcd: {  	v33 =	vadd.s32 v62, v34;
	v31 =	vand.u32 $0x7F, v31;
	v4 =	vand.u32 $0xFFFFFF00, v4  }
0xce: {  	v57 =	vor.u32 v40, v32;
	v31 =	vor.u32 v31, v4;
	v4 =	vshll.u32 v33, $0x1;
	[tilespmem:v5+s16+$0x0] =	vst.idx.msk $0xffff, v7  }
0xcf: {  	v59 =	vor.u32 v23, v42;
	v5 =	vand.u32 $0x7F, v33;
	v4 =	vand.u32 $0xFFFFFF00, v4;
	v3 =	vld.idx.msk [tilespmem:v48+s28+$0x0], $0xffff;
	[tilespmem:v1+s16+$0x0] =	vst.idx.msk $0xffff, v2  }
0xd0: {  	v58 =	vadd.s32 v21, v30;
	[tilespmem:v29+s16+$0x0] =	vst.idx.msk $0xffff, v41;
	v1 =	vor.u32 v5, v4;
	v6 =	vld.idx.msk [tilespmem:v6+s28+$0x0], $0xffff  }
0xd1: {  	v53 =	vor.u32 v13, v32;
	v0 =	vmovc v62;
	v62 =	vadd.s32 v12, v34;
	v41 =	vld.idx.msk [tilespmem:v43+s28+$0x0], $0xffff;
	v43 =	vand.u32 $0x7F, v58  }
0xd2: {  	v33 =	vadd.s32 v19, v30;
	v4 =	vadd.s32 v61, v30;
	v30 =	vadd.s32 v35, v34  }
0xd3: {  	v7 =	vor.u32 v22, v32;
	v2 =	vshll.u32 v33, $0x1;
	v48 =	vshll.u32 v30, $0x1  }
0xd4: {  	v30 =	vand.u32 $0x7F, v30;
	[tilespmem:v54+s16+$0x0] =	vst.idx.msk $0xffff, v3;
	v3 =	vand.u32 $0xFFFFFF00, v48;
	v48 =	vshll.u32 v4, $0x1  }
0xd5: {  	v4 =	vand.u32 $0x7F, v4;
	v55 =	vld.idx.msk [tilespmem:v55+s28+$0x0], $0xffff;
	v3 =	vor.u32 v30, v3;
	v30 =	vand.u32 $0xFFFFFF00, v48;
	[tilespmem:v1+s16+$0x0] =	vst.idx.msk $0xffff, v6  }
0xd6: {  	v63 =	vmovc v22;
	v5 =	vand.u32 $0x7F, v33;
	v2 =	vand.u32 $0xFFFFFF00, v2;
	v6 =	vor.u32 v4, v30;
	v30 =	vld.idx.msk [tilespmem:v59+s28+$0x0], $0xffff  }
0xd7: {  	v22 =	vmovc v61;
	v61 =	vor.u32 v28, v42;
	v5 =	vor.u32 v5, v2;
	v54 =	vadd.s32 v11, v34  }
0xd8: {  	v2 =	vor.u32 v39, v32;
	v48 =	vadd.s32 v18, v34;
	v1 =	vshll.u32 v54, $0x1  }
0xd9: {  	v4 =	vor.u32 v27, v32;
	v54 =	vand.u32 $0x7F, v54;
	v1 =	vand.u32 $0xFFFFFF00, v1  }
0xda: {  	v32 =	vor.u32 v40, v42;
	v29 =	vor.u32 v54, v1;
	v1 =	vshll.u32 v58, $0x1;
	[tilespmem:v56+s16+$0x0] =	vst.idx.msk $0xffff, v55  }
0xdb: {  	v59 =	vshll.u32 v62, $0x1;
	v62 =	vand.u32 $0x7F, v62;
	v1 =	vand.u32 $0xFFFFFF00, v1;
	v58 =	vld.idx.msk [tilespmem:v60+s28+$0x0], $0xffff;
	[tilespmem:v3+s16+$0x0] =	vst.idx.msk $0xffff, v30  }
0xdc: {  	v54 =	vand.u32 $0xFFFFFF00, v59;
	v1 =	vor.u32 v43, v1;
	v60 =	vshll.u32 v48, $0x1;
	v55 =	vld.idx.msk [tilespmem:v61+s28+$0x0], $0xffff  }
0xdd: {  	v43 =	vor.u32 v62, v54;
	v30 =	vand.u32 $0x7F, v48;
	v54 =	vand.u32 $0xFFFFFF00, v60  }
0xde: {  	v54 =	vor.u32 v30, v54;
	v30 =	vadd.s32 v19, v34  }
0xdf: {  	[tilespmem:v52+s16+$0x0] =	vst.idx.msk $0xffff, v41;
	v59 =	vshll.u32 v30, $0x1  }
0xe0: {  	v51 =	vld.idx.msk [tilespmem:v51+s28+$0x0], $0xffff;
	v62 =	vadd.s32 v22, v34;
	v30 =	vand.u32 $0x7F, v30;
	v52 =	vand.u32 $0xFFFFFF00, v59;
	[tilespmem:v9+s16+$0x0] =	vst.idx.msk $0xffff, v58  }
0xe1: {  	v60 =	vshll.u32 v62, $0x1;
	v9 =	vor.u32 v30, v52;
	v30 =	vand.u32 $0x7F, v62;
	v62 =	vld.idx.msk [tilespmem:v57+s28+$0x0], $0xffff;
	[tilespmem:v29+s16+$0x0] =	vst.idx.msk $0xffff, v55  }
0xe2: {  	v32 =	vld.idx.msk [tilespmem:v32+s28+$0x0], $0xffff;
	_ =	sdelay $0x2  }
0xe3: {  	[tilespmem:v50+s16+$0x0] =	vst.idx.msk $0xffff, v51  }
0xe4: {  	[tilespmem:v8+s16+$0x0] =	vst.idx.msk $0xffff, v62  }
0xe5: {  	[tilespmem:v43+s16+$0x0] =	vst.idx.msk $0xffff, v32  }
0xe6: {  	v44 =	vmovc v24;
	v24 =	vmovc v13;
	v13 =	vmov v18;
	v41 =	vadd.s32 v21, v34;
	v61 =	vand.u32 $0xFFFFFF00, v60;
	v18 =	vld [tilespmem:$0x1FCB0]  }
0xe7: {  	v3 =	vor.u32 v24, v42;
	v34 =	vor.u32 v30, v61;
	v30 =	vadd.s32 s28, v16  }
0xe8: {  	v59 =	vadd.s32 s28, v17;
	vm0 =	vgt.u32 v30, $0x2F  }
0xe9: {  	v55 =	vsel vm0, v59, v30;
	v30 =	vld.idx.msk [tilespmem:v49+s28+$0x0], $0xffff;
	_ =	sdelay $0x1  }
0xea: {  	v53 =	vld.idx.msk [tilespmem:v53+s28+$0x0], $0xffff  }
0xeb: {  	v3 =	vld.idx.msk [tilespmem:v3+s28+$0x0], $0xffff;
	_ =	sdelay $0x1  }
0xec: {  	[tilespmem:v18+s16+$0x0] =	vst.idx.msk $0xffff, v30  }
0xed: {  	v18 =	vld [tilespmem:$0x1FE30]  }
0xee: {  	v56 =	vor.u32 v63, v42;
	v23 =	vld [tilespmem:$0x1FE80];
	[tilespmem:v31+s16+$0x0] =	vst.idx.msk $0xffff, v53  }
0xef: {  	[tilespmem:v54+s16+$0x0] =	vst.idx.msk $0xffff, v3  }
0xf0: {  	v49 =	vadd.s32 v14, v55;
	[tilespmem:v37+s16+$0x0] =	vst.idx.msk $0xffff, v36  }
0xf1: {  	v60 =	vshll.u32 v49, $0x1;
	v28 =	vld [tilespmem:$0x1FCC0]  }
0xf2: {  	v49 =	vand.u32 $0x7F, v49;
	v51 =	vand.u32 $0xFFFFFF00, v60;
	v7 =	vld.idx.msk [tilespmem:v7+s28+$0x0], $0xffff  }
0xf3: {  	v49 =	vor.u32 v51, v49;
	v51 =	vld.idx.msk [tilespmem:v56+s28+$0x0], $0xffff  }
0xf4: {  	v57 =	vor.u32 v39, v42;
	v47 =	vld.idx.msk [tilespmem:v47+s28+$0x0], $0xffff  }
0xf5: {  	v33 =	vmovc v12;
	v12 =	vmovc v11;
	v63 =	vmov v19;
	v52 =	vadd.s32 v44, v55;
	v59 =	vadd.s32 v45, v55  }
0xf6: {  	v19 =	vmovc v44;
	v8 =	vadd.s32 v35, v55;
	v53 =	vadd.s32 v0, v55;
	v44 =	vadd.s32 v23, v55  }
0xf7: {  	v11 =	vmovc v45;
	v37 =	vld.idx.msk [tilespmem:v38+s28+$0x0], $0xffff;
	v31 =	vshll.u32 v44, $0x1;
	v45 =	vand.u32 $0x7F, v44;
	v44 =	vshll.u32 v53, $0x1;
	[tilespmem:v5+s16+$0x0] =	vst.idx.msk $0xffff, v7  }
0xf8: {  	v58 =	vshll.u32 v8, $0x1;
	v5 =	vand.u32 $0x7F, v53;
	[tilespmem:v9+s16+$0x0] =	vst.idx.msk $0xffff, v51;
	v7 =	vand.u32 $0xFFFFFF00, v44;
	v53 =	vld.idx.msk [tilespmem:v2+s28+$0x0], $0xffff  }
0xf9: {  	v2 =	vand.u32 $0x7F, v8;
	v9 =	vor.u32 v7, v5;
	v5 =	vand.u32 $0xFFFFFF00, v58;
	v7 =	vld.idx.msk [tilespmem:v57+s28+$0x0], $0xffff;
	[tilespmem:v28+s16+$0x0] =	vst.idx.msk $0xffff, v47  }
0xfa: {  	v48 =	vshll.u32 v59, $0x1;
	v56 =	vand.u32 $0x7F, v59;
	v59 =	vmovc v0;
	v0 =	vor.u32 v5, v2;
	v46 =	vld.idx.msk [tilespmem:v46+s28+$0x0], $0xffff  }
0xfb: {  	[tilespmem:$0x1FD30] =	vst v0;
	v0 =	vld [tilespmem:$0x1FCD0];
	_ =	sdelay $0x1  }
0xfc: {  	v29 =	vshll.u32 v41, $0x1  }
0xfd: {  	v41 =	vand.u32 $0x7F, v41;
	v29 =	vand.u32 $0xFFFFFF00, v29  }
0xfe: {  	v41 =	vor.u32 v41, v29;
	v29 =	vshll.u32 v55, $0x9;
	v61 =	vshll.u32 v55, $0x8  }
0xff: {  	v29 =	vand.u32 $0xFFFFF800, v29;
	v62 =	vand.u32 $0x300, v61  }
0x100: {  	v43 =	vor.u32 v29, v62  }
0x101: {  	v29 =	vor.u32 $0x80, v43  }
0x102: {  	[tilespmem:v0+s16+$0x0] =	vst.idx.msk $0xffff, v37;
	v0 =	vor.u32 v40, v29  }
0x103: {  	[tilespmem:$0x1FD70] =	vst v0;
	v0 =	vld [tilespmem:$0x1FCE0];
	_ =	sdelay $0x3  }
0x104: {  	v24 =	vmov v35;
	v35 =	vshll.u32 v52, $0x1  }
0x105: {  	v32 =	vadd.s32 v26, v55;
	v36 =	vand.u32 $0xFFFFFF00, v35;
	v31 =	vand.u32 $0xFFFFFF00, v31  }
0x106: {  	v3 =	vor.u32 v31, v45;
	v31 =	vshll.u32 v32, $0x1;
	v2 =	vadd.s32 v12, v55  }
0x107: {  	v61 =	vmovc v39;
	v35 =	vand.u32 $0xFFFFFF00, v31;
	v31 =	vor.u32 v39, v29;
	v39 =	vshll.u32 v2, $0x1  }
0x108: {  	[tilespmem:v0+s16+$0x0] =	vst.idx.msk $0xffff, v46;
	v0 =	vand.u32 $0x7F, v2;
	v2 =	vand.u32 $0xFFFFFF00, v39  }
0x109: {  	v0 =	vor.u32 v2, v0;
	v2 =	vld [tilespmem:$0x1FCF0];
	_ =	sdelay $0x6  }
0x10a: {  	v48 =	vand.u32 $0xFFFFFF00, v48;
	[tilespmem:$0x1FD40] =	vst v0  }
0x10b: {  	v8 =	vor.u32 v48, v56;
	[tilespmem:v6+s16+$0x0] =	vst.idx.msk $0xffff, v53;
	v48 =	vld.idx.msk [tilespmem:v2+s28+$0x0], $0xffff  }
0x10c: {  	v2 =	vld [tilespmem:$0x1FD00];
	_ =	sdelay $0x3  }
0x10d: {  	v50 =	vadd.s32 v15, v55  }
0x10e: {  	v60 =	vshll.u32 v50, $0x1  }
0x10f: {  	v50 =	vand.u32 $0x7F, v50;
	v62 =	vand.u32 $0xFFFFFF00, v60  }
0x110: {  	v50 =	vor.u32 v62, v50  }
0x111: {  	v46 =	vor.u32 $0x80, v50;
	[tilespmem:v34+s16+$0x0] =	vst.idx.msk $0xffff, v7;
	v50 =	vld.idx.msk [tilespmem:v2+s28+$0x0], $0xffff  }
0x112: {  	v2 =	vld [tilespmem:$0x1FD10];
	_ =	sdelay $0x1  }
0x113: {  	v0 =	vadd.s32 v13, v55  }
0x114: {  	v42 =	vor.u32 v27, v42;
	v47 =	vor.u32 $0x80, v49;
	v49 =	vshll.u32 v0, $0x1  }
0x115: {  	v0 =	vand.u32 $0x7F, v0;
	v7 =	vand.u32 $0xFFFFFF00, v49  }
0x116: {  	v60 =	vmovc v12;
	v62 =	vadd.s32 v33, v55;
	v12 =	vor.u32 v7, v0;
	v0 =	vadd.s32 v63, v55  }
0x117: {  	v37 =	vand.u32 $0x7F, v62;
	v6 =	vshll.u32 v62, $0x1;
	v56 =	vshll.u32 v0, $0x1  }
0x118: {  	v6 =	vand.u32 $0xFFFFFF00, v6;
	v51 =	vld.idx.msk [tilespmem:v4+s28+$0x0], $0xffff;
	v0 =	vand.u32 $0x7F, v0;
	v38 =	vand.u32 $0xFFFFFF00, v56  }
0x119: {  	v28 =	vor.u32 v6, v37;
	v6 =	vld.idx.msk [tilespmem:v42+s28+$0x0], $0xffff;
	v0 =	vor.u32 v38, v0;
	[tilespmem:v2+s16+$0x0] =	vst.idx.msk $0xffff, v48  }
0x11a: {  	[tilespmem:$0x1FD60] =	vst v0;
	v0 =	vld [tilespmem:$0x1FD20];
	_ =	sdelay $0x2  }
0x11b: {  	v52 =	vand.u32 $0x7F, v52  }
0x11c: {  	v36 =	vor.u32 v36, v52;
	v43 =	vor.u32 v18, v43  }
0x11d: {  	v10 =	vmov v21;
	v54 =	vor.u32 v20, v29;
	v36 =	vor.u32 $0x80, v36  }
0x11e: {  	v32 =	vand.u32 $0x7F, v32;
	v45 =	vor.u32 v25, v29;
	v58 =	vadd.s32 v10, v55;
	v4 =	vld [tilespmem:$0x1FE70];
	[tilespmem:v1+s16+$0x0] =	vst.idx.msk $0xffff, v51  }
0x11f: {  	v52 =	vor.u32 $0x80, v8;
	v32 =	vor.u32 v35, v32;
	v53 =	vadd.s32 v22, v55;
	[tilespmem:v41+s16+$0x0] =	vst.idx.msk $0xffff, v6  }
0x120: {  	v57 =	vshll.u32 v53, $0x1;
	v37 =	vand.u32 $0x7F, v53;
	v1 =	vadd.s32 s29, v16;
	[tilespmem:v0+s16+$0x0] =	vst.idx.msk $0xffff, v50  }
0x121: {  	v38 =	vand.u32 $0xFFFFFF00, v57;
	v6 =	vadd.s32 s29, v17;
	vm14 =	vgt.u32 v1, $0x2F;
	v62 =	vld.idx.msk [tilespmem:v43+s5+$0x0], $0xffff  }
0x122: {  	v39 =	vand.u32 $0x7F, v58;
	v37 =	vor.u32 v38, v37;
	v44 =	vsel vm14, v6, v1  }
0x123: {  	v38 =	vshll.u32 v58, $0x1;
	v1 =	vshll.u32 v44, $0x9;
	v6 =	vadd.s32 v14, v44  }
0x124: {  	v8 =	vadd.s32 v15, v44;
	v41 =	vadd.s32 v24, v44;
	v48 =	vadd.s32 v19, v44;
	v0 =	vmovc v10;
	v10 =	vld [tilespmem:$0x1FE90]  }
0x125: {  	v57 =	vshll.u32 v44, $0x8;
	v35 =	vor.u32 v4, v29;
	v1 =	vand.u32 $0xFFFFF800, v1;
	v2 =	vld [tilespmem:$0x1FFC0]  }
0x126: {  	v56 =	vshll.u32 v6, $0x1;
	v49 =	vshll.u32 v41, $0x1;
	v58 =	vand.u32 $0x300, v57;
	v7 =	vld [tilespmem:$0x1FF10];
	[tilespmem:v47+s16+$0x0] =	vst.idx.msk $0xffff, v62  }
0x127: {  	v6 =	vand.u32 $0x7F, v6;
	v55 =	vshll.u32 v8, $0x1;
	v8 =	vand.u32 $0x7F, v8;
	v53 =	vld.idx.msk [tilespmem:v54+s5+$0x0], $0xffff  }
0x128: {  	v21 =	vmovc v33;
	v33 =	vand.u32 $0xFFFFFF00, v56;
	v1 =	vor.u32 v1, v58;
	v55 =	vand.u32 $0xFFFFFF00, v55  }
0x129: {  	v34 =	vor.u32 $0x80, v1;
	v57 =	vor.u32 v18, v1;
	v1 =	vshll.u32 v48, $0x1  }
0x12a: {  	v6 =	vor.u32 v33, v6;
	v47 =	vadd.s32 v26, v44;
	v62 =	vadd.s32 v23, v44  }
0x12b: {  	v54 =	vadd.s32 v11, v44;
	v33 =	vand.u32 $0x7F, v62;
	v58 =	vshll.u32 v62, $0x1  }
0x12c: {  	v56 =	vshll.u32 v54, $0x1;
	v62 =	vand.u32 $0xFFFFFF00, v58;
	v58 =	vand.u32 $0xFFFFFF00, v1;
	[tilespmem:v46+s16+$0x0] =	vst.idx.msk $0xffff, v53  }
0x12d: {  	v1 =	vand.u32 $0x7F, v47;
	v33 =	vor.u32 v62, v33;
	v46 =	vand.u32 $0x7F, v54;
	v45 =	vld.idx.msk [tilespmem:v45+s5+$0x0], $0xffff  }
0x12e: {  	v54 =	vor.u32 v55, v8;
	v55 =	vand.u32 $0x7F, v48;
	v48 =	vshll.u32 v47, $0x1  }
0x12f: {  	v62 =	vadd.s32 v59, v44;
	v8 =	vor.u32 $0x80, v33;
	v47 =	vand.u32 $0xFFFFFF00, v48  }
0x130: {  	v59 =	vor.u32 $0x80, v6;
	v47 =	vor.u32 v47, v1;
	v1 =	vshll.u32 v62, $0x1  }
0x131: {  	v6 =	vand.u32 $0x7F, v62;
	v33 =	vor.u32 v61, v34;
	[tilespmem:$0x1FD50] =	vst v8;
	v1 =	vand.u32 $0xFFFFFF00, v1  }
0x132: {  	v62 =	vand.u32 $0xFFFFFF00, v49;
	v8 =	vmovc v61;
	v61 =	vand.u32 $0x7F, v41;
	v1 =	vor.u32 v1, v6;
	[tilespmem:v36+s16+$0x0] =	vst.idx.msk $0xffff, v45  }
0x133: {  	v45 =	vld.idx.msk [tilespmem:v35+s5+$0x0], $0xffff;
	[tilespmem:$0x1FD80] =	vst v1;
	v1 =	vor.u32 v62, v61  }
0x134: {  	v3 =	vor.u32 $0x80, v3;
	[tilespmem:$0x1FD90] =	vst v1;
	v1 =	vadd.s32 v60, v44  }
0x135: {  	v43 =	vor.u32 v10, v29;
	v48 =	vmovc v60;
	v60 =	vor.u32 $0x80, v9;
	v9 =	vshll.u32 v1, $0x1  }
0x136: {  	v1 =	vand.u32 $0x7F, v1;
	v9 =	vand.u32 $0xFFFFFF00, v9  }
0x137: {  	v5 =	vmov v63;
	v53 =	vand.u32 $0xFFFFFF00, v56;
	v1 =	vor.u32 v9, v1  }
0x138: {  	v63 =	vmovc v22;
	v22 =	vmov v11;
	v50 =	vor.u32 v2, v29;
	v46 =	vor.u32 v53, v46;
	[tilespmem:$0x1FE10] =	vst v1  }
0x139: {  	v41 =	vmov v40;
	v35 =	vor.u32 v40, v34;
	v40 =	vadd.s32 v21, v44;
	v11 =	vld [tilespmem:$0x1FEF0];
	[tilespmem:v3+s16+$0x0] =	vst.idx.msk $0xffff, v45  }
0x13a: {  	v36 =	vand.u32 $0x7F, v40;
	v9 =	vadd.s32 v13, v44;
	v3 =	vshll.u32 v40, $0x1;
	v43 =	vld.idx.msk [tilespmem:v43+s5+$0x0], $0xffff  }
0x13b: {  	v49 =	vshll.u32 v9, $0x1;
	v9 =	vand.u32 $0x7F, v9;
	v3 =	vand.u32 $0xFFFFFF00, v3  }
0x13c: {  	v45 =	vand.u32 $0xFFFFFF00, v49;
	v1 =	vor.u32 v3, v36;
	v3 =	vadd.s32 v5, v44  }
0x13d: {  	[tilespmem:$0x1FE20] =	vst v1;
	v1 =	vor.u32 v45, v9;
	v36 =	vand.u32 $0x7F, v3;
	v3 =	vshll.u32 v3, $0x1  }
0x13e: {  	v53 =	vmovc v5;
	v40 =	vld [tilespmem:$0x1FEB0];
	v5 =	vor.u32 v58, v55;
	v9 =	vadd.s32 v63, v44;
	[tilespmem:$0x1FDE0] =	vst v1;
	v3 =	vand.u32 $0xFFFFFF00, v3  }
0x13f: {  	v1 =	vld [tilespmem:$0x1FD30];
	v36 =	vor.u32 v3, v36;
	v3 =	vshll.u32 v9, $0x1;
	[tilespmem:v52+s16+$0x0] =	vst.idx.msk $0xffff, v43;
	v52 =	vadd.s32 v0, v44  }
0x140: {  	v55 =	vld.idx.msk [tilespmem:v57+s5+$0x0], $0xffff;
	v9 =	vand.u32 $0x7F, v9;
	v3 =	vand.u32 $0xFFFFFF00, v3;
	v0 =	vand.u32 $0x7F, v52  }
0x141: {  	v50 =	vld.idx.msk [tilespmem:v50+s5+$0x0], $0xffff;
	[tilespmem:$0x1FDC0] =	vst v0;
	v0 =	vor.u32 v3, v9  }
0x142: {  	[tilespmem:$0x1FDF0] =	vst v0;
	v0 =	vshll.u32 v52, $0x1  }
0x143: {  	v38 =	vand.u32 $0xFFFFFF00, v38;
	[tilespmem:$0x1FDA0] =	vst v0;
	v0 =	vor.u32 $0x80, v12  }
0x144: {  	[tilespmem:$0x1FDB0] =	vst v0;
	v0 =	vor.u32 v38, v39  }
0x145: {  	[tilespmem:$0x1FDD0] =	vst v0  }
0x146: {  	[tilespmem:v59+s16+$0x0] =	vst.idx.msk $0xffff, v55  }
0x147: {  	v0 =	vld [tilespmem:$0x1FD40]  }
0x148: {  	v12 =	vld [tilespmem:$0x1FFD0];
	_ =	sdelay $0x1  }
0x149: {  	v42 =	vor.u32 $0x80, v32  }
0x14a: {  	v51 =	vor.u32 v7, v29  }
0x14b: {  	v56 =	vor.u32 v20, v34  }
0x14c: {  	v6 =	vor.u32 $0x80, v0;
	v0 =	vor.u32 v12, v29  }
0x14d: {  	[tilespmem:$0x1FE00] =	vst v0  }
0x14e: {  	v45 =	vor.u32 $0x80, v1;
	v1 =	vld [tilespmem:$0x1FF40];
	[tilespmem:v42+s16+$0x0] =	vst.idx.msk $0xffff, v50  }
0x14f: {  	v52 =	vor.u32 $0x80, v47;
	v47 =	vld.idx.msk [tilespmem:v51+s5+$0x0], $0xffff  }
0x150: {  	v54 =	vor.u32 $0x80, v54;
	v61 =	vor.u32 v11, v29;
	v38 =	vld.idx.msk [tilespmem:v56+s5+$0x0], $0xffff  }
0x151: {  	v62 =	vor.u32 v25, v34;
	v56 =	vadd.s32 s26, v16  }
0x152: {  	v59 =	vadd.s32 s26, v17;
	vm15 =	vgt.u32 v56, $0x2F  }
0x153: {  	v55 =	vsel vm15, v59, v56  }
0x154: {  	v58 =	vor.u32 $0x80, v5;
	v57 =	vor.u32 v40, v29;
	v39 =	vadd.s32 v14, v55;
	[tilespmem:v60+s16+$0x0] =	vst.idx.msk $0xffff, v47  }
0x155: {  	v42 =	vshll.u32 v55, $0x9;
	v50 =	vadd.s32 v15, v55;
	v0 =	vshll.u32 v55, $0x8;
	[tilespmem:v54+s16+$0x0] =	vst.idx.msk $0xffff, v38;
	v61 =	vld.idx.msk [tilespmem:v61+s5+$0x0], $0xffff  }
0x156: {  	v42 =	vand.u32 $0xFFFFF800, v42;
	v0 =	vand.u32 $0x300, v0;
	v38 =	vshll.u32 v39, $0x1;
	v62 =	vld.idx.msk [tilespmem:v62+s5+$0x0], $0xffff  }
0x157: {  	v0 =	vor.u32 v42, v0;
	v3 =	vand.u32 $0xFFFFFF00, v38;
	v47 =	vand.u32 $0x7F, v39  }
0x158: {  	v39 =	vor.u32 $0x80, v0;
	v5 =	vor.u32 v18, v0;
	v0 =	vadd.s32 v23, v55  }
0x159: {  	v3 =	vor.u32 v3, v47;
	v47 =	vand.u32 $0x7F, v0;
	v0 =	vshll.u32 v0, $0x1  }
0x15a: {  	v42 =	vshll.u32 v50, $0x1;
	v0 =	vand.u32 $0xFFFFFF00, v0;
	[tilespmem:v45+s16+$0x0] =	vst.idx.msk $0xffff, v61  }
0x15b: {  	v50 =	vand.u32 $0x7F, v50;
	v42 =	vand.u32 $0xFFFFFF00, v42;
	v0 =	vor.u32 v0, v47;
	[tilespmem:v58+s16+$0x0] =	vst.idx.msk $0xffff, v62;
	v47 =	vld.idx.msk [tilespmem:v57+s5+$0x0], $0xffff  }
0x15c: {  	v57 =	vor.u32 v42, v50;
	v50 =	vor.u32 $0x80, v0;
	v0 =	vld [tilespmem:$0x1FF00];
	_ =	sdelay $0x2  }
0x15d: {  	v49 =	vmov v63;
	v63 =	vor.u32 v4, v34  }
0x15e: {  	v43 =	vor.u32 $0x80, v28;
	v56 =	vor.u32 v2, v34;
	v60 =	vadd.s32 v22, v55  }
0x15f: {  	v28 =	vmovc v2;
	v2 =	vshll.u32 v60, $0x1;
	v45 =	vand.u32 $0x7F, v60;
	v60 =	vadd.s32 v0, v55;
	v0 =	vld [tilespmem:$0x1FD50];
	_ =	sdelay $0x2  }
0x160: {  	v58 =	vld.idx.msk [tilespmem:v63+s5+$0x0], $0xffff;
	_ =	sdelay $0x3  }
0x161: {  	[tilespmem:v6+s16+$0x0] =	vst.idx.msk $0xffff, v47  }
0x162: {  	v44 =	vor.u32 v10, v34;
	[tilespmem:v0+s16+$0x0] =	vst.idx.msk $0xffff, v58  }
0x163: {  	v30 =	vor.u32 v27, v29;
	v54 =	vadd.s32 v19, v55;
	v0 =	vld [tilespmem:$0x1FD60]  }
0x164: {  	v29 =	vor.u32 v1, v29;
	v1 =	vadd.s32 v26, v55;
	v4 =	vshll.u32 v54, $0x1  }
0x165: {  	v9 =	vand.u32 $0xFFFFFF00, v4;
	v4 =	vand.u32 $0x7F, v1;
	v1 =	vshll.u32 v1, $0x1  }
0x166: {  	v1 =	vand.u32 $0xFFFFFF00, v1  }
0x167: {  	v51 =	vadd.s32 v24, v55;
	v58 =	vor.u32 v1, v4;
	v4 =	vld.idx.msk [tilespmem:v44+s5+$0x0], $0xffff  }
0x168: {  	v59 =	vshll.u32 v51, $0x1;
	v44 =	vand.u32 $0x7F, v51;
	v51 =	vor.u32 $0x80, v0;
	v0 =	vld [tilespmem:$0x1FD70];
	_ =	sdelay $0x4  }
0x169: {  	v46 =	vor.u32 $0x80, v46;
	v1 =	vshll.u32 v60, $0x1  }
0x16a: {  	v42 =	vor.u32 v8, v39;
	v8 =	vand.u32 $0x7F, v60;
	v1 =	vand.u32 $0xFFFFFF00, v1  }
0x16b: {  	v2 =	vand.u32 $0xFFFFFF00, v2;
	v47 =	vor.u32 v1, v8;
	v1 =	vand.u32 $0xFFFFFF00, v59  }
0x16c: {  	v62 =	vor.u32 v2, v45;
	v6 =	vadd.s32 v48, v55;
	v45 =	vor.u32 v1, v44;
	v1 =	vld.idx.msk [tilespmem:v0+s5+$0x0], $0xffff  }
0x16d: {  	v26 =	vmovc v41;
	v3 =	vor.u32 $0x80, v3;
	v5 =	vld.idx.msk [tilespmem:v5+s5+$0x0], $0xffff;
	v44 =	vor.u32 v41, v39;
	v41 =	vshll.u32 v6, $0x1  }
0x16e: {  	v8 =	vadd.s32 v21, v55;
	v0 =	vld [tilespmem:$0x1FD80];
	[tilespmem:v46+s16+$0x0] =	vst.idx.msk $0xffff, v4;
	v4 =	vand.u32 $0x7F, v6;
	v6 =	vand.u32 $0xFFFFFF00, v41  }
0x16f: {  	v56 =	vld.idx.msk [tilespmem:v56+s5+$0x0], $0xffff;
	v46 =	vor.u32 v6, v4;
	v4 =	vshll.u32 v8, $0x1;
	v6 =	vadd.s32 v13, v55  }
0x170: {  	v24 =	vmovc v48;
	v8 =	vand.u32 $0x7F, v8;
	v4 =	vand.u32 $0xFFFFFF00, v4;
	v48 =	vshll.u32 v6, $0x1  }
0x171: {  	v61 =	vor.u32 v4, v8;
	v4 =	vand.u32 $0xFFFFFF00, v48;
	[tilespmem:v43+s16+$0x0] =	vst.idx.msk $0xffff, v1;
	v1 =	vand.u32 $0x7F, v6  }
0x172: {  	v43 =	vor.u32 v4, v1;
	v1 =	vadd.s32 v53, v55  }
0x173: {  	[tilespmem:v3+s16+$0x0] =	vst.idx.msk $0xffff, v5;
	v5 =	vand.u32 $0x7F, v1;
	v1 =	vshll.u32 v1, $0x1  }
0x174: {  	v63 =	vor.u32 v20, v39;
	v6 =	vld [tilespmem:$0x1FD90];
	[tilespmem:v52+s16+$0x0] =	vst.idx.msk $0xffff, v56;
	v1 =	vand.u32 $0xFFFFFF00, v1  }
0x175: {  	v4 =	vadd.s32 v49, v55;
	v52 =	vor.u32 v1, v5;
	v5 =	vld [tilespmem:$0x1FDB0]  }
0x176: {  	v8 =	vshll.u32 v4, $0x1  }
0x177: {  	v10 =	vor.u32 v7, v34;
	v3 =	vld.idx.msk [tilespmem:v29+s5+$0x0], $0xffff;
	v1 =	vand.u32 $0x7F, v4;
	v4 =	vand.u32 $0xFFFFFF00, v8  }
0x178: {  	v7 =	vor.u32 $0x80, v0;
	v0 =	vor.u32 $0x80, v57;
	v57 =	vor.u32 v4, v1;
	v1 =	vld [tilespmem:$0x1FE70]  }
0x179: {  	v29 =	vld.idx.msk [tilespmem:v63+s5+$0x0], $0xffff;
	_ =	sdelay $0x1  }
0x17a: {  	v54 =	vand.u32 $0x7F, v54  }
0x17b: {  	v4 =	vld [tilespmem:$0x1FDA0];
	v60 =	vor.u32 $0x80, v6;
	v6 =	vor.u32 v9, v54  }
0x17c: {  	v8 =	vor.u32 $0x80, v6;
	v6 =	vor.u32 v1, v39;
	v1 =	vld [tilespmem:$0x1FF80];
	[tilespmem:v5+s16+$0x0] =	vst.idx.msk $0xffff, v3  }
0x17d: {  	v3 =	vld [tilespmem:$0x1FDC0];
	[tilespmem:v0+s16+$0x0] =	vst.idx.msk $0xffff, v29  }
0x17e: {  	v0 =	vld [tilespmem:$0x1FDD0];
	_ =	sdelay $0x4  }
0x17f: {  	v22 =	vmov v53;
	v53 =	vor.u32 $0x80, v0;
	v0 =	vld [tilespmem:$0x1FDE0];
	_ =	sdelay $0x1  }
0x180: {  	v9 =	vld.idx.msk [tilespmem:v10+s5+$0x0], $0xffff;
	_ =	sdelay $0x2  }
0x181: {  	v48 =	vor.u32 $0x80, v0;
	v0 =	vld [tilespmem:$0x1FDF0];
	_ =	sdelay $0x1  }
0x182: {  	v23 =	vmov v1;
	v1 =	vadd.s32 v1, v55;
	[tilespmem:v7+s16+$0x0] =	vst.idx.msk $0xffff, v9  }
0x183: {  	v56 =	vand.u32 $0x7F, v1;
	v41 =	vshll.u32 v1, $0x1;
	v1 =	vld [tilespmem:$0x1FE10];
	_ =	sdelay $0x1  }
0x184: {  	v54 =	vor.u32 $0x80, v0;
	v0 =	vld [tilespmem:$0x1FE00];
	_ =	sdelay $0x2  }
0x185: {  	v29 =	vor.u32 $0x80, v1;
	v1 =	vld [tilespmem:$0x1FE20];
	_ =	sdelay $0x1  }
0x186: {  	v37 =	vor.u32 $0x80, v37  }
0x187: {  	v32 =	vor.u32 v27, v34;
	v38 =	vor.u32 v27, v39;
	v2 =	vor.u32 v25, v39;
	v25 =	vld [tilespmem:$0x1FE90]  }
0x188: {  	v19 =	vmovc v21;
	v27 =	vmovc v12;
	v59 =	vor.u32 v11, v34;
	v63 =	vor.u32 v40, v34;
	v4 =	vand.u32 $0xFFFFFF00, v4  }
0x189: {  	s26 =	simm.s32 $0x4;
	v21 =	vmovc v13;
	v49 =	vor.u32 v12, v34;
	v40 =	vor.u32 v4, v3;
	v55 =	vor.u32 $0x80, v1;
	v0 =	vld.idx.msk [tilespmem:v0+s5+$0x0], $0xffff  }
.LBB2_5:
0x18a: {  	v1 =	vld [tilespmem:$0x1FF40];
	_ =	sdelay $0x1  }
0x18b: {  	v5 =	vld [tilespmem:$0x1FE40]  }
0x18c: {  	v2 =	vld.idx.msk [tilespmem:v2+s5+$0x0], $0xffff  }
0x18d: {  	[tilespmem:v51+s16+$0x0] =	vst.idx.msk $0xffff, v0  }
0x18e: {  	v9 =	vor.u32 v1, v34;
	v34 =	vmov v39;
	v39 =	vld.idx.msk [tilespmem:v31+s5+$0x0], $0xffff  }
0x18f: {  	v3 =	vadd.s32 s25, v16;
	v59 =	vld.idx.msk [tilespmem:v59+s5+$0x0], $0xffff  }
0x190: {  	v12 =	vld [tilespmem:$0x1FE60];
	vm0 =	vgt.u32 v3, $0x2F;
	v5 =	vadd.s32 s25, v5  }
0x191: {  	[tilespmem:v8+s16+$0x0] =	vst.idx.msk $0xffff, v2;
	v0 =	vsel vm0, v5, v3;
	v3 =	vld [tilespmem:$0x1FF10]  }
0x192: {  	v6 =	vld.idx.msk [tilespmem:v6+s5+$0x0], $0xffff  }
0x193: {  	v17 =	vmov v14;
	v51 =	vadd.s32 v14, v0;
	v14 =	vld [tilespmem:$0x1FF30];
	[tilespmem:v37+s16+$0x0] =	vst.idx.msk $0xffff, v39  }
0x194: {  	v10 =	vor.u32 $0x80, v62;
	v20 =	vmov v15;
	v62 =	vadd.s32 v15, v0;
	v15 =	vld [tilespmem:$0x1FEA0];
	[tilespmem:v60+s16+$0x0] =	vst.idx.msk $0xffff, v59  }
0x195: {  	v4 =	vor.u32 $0x80, v58;
	v1 =	vmovc v61;
	v58 =	vor.u32 v25, v34;
	v61 =	vor.u32 v28, v34;
	v59 =	vld.idx.msk [tilespmem:v30+s5+$0x0], $0xffff  }
0x196: {  	v31 =	vmovc v33;
	v13 =	vshll.u32 v0, $0x8;
	v7 =	vor.u32 v3, v34;
	v3 =	vshll.u32 v0, $0x9;
	v30 =	vld [tilespmem:$0x1FE80]  }
0x197: {  	v33 =	vmovc v42;
	v5 =	vmovc v57;
	v57 =	vadd.s32 v12, v0;
	v8 =	vshll.u32 v62, $0x1;
	v42 =	vand.u32 $0xFFFFF800, v3;
	v3 =	vld [tilespmem:$0x1FEC0]  }
0x198: {  	v13 =	vand.u32 $0x300, v13;
	v8 =	vand.u32 $0xFFFFFF00, v8;
	v60 =	vand.u32 $0x7F, v62  }
0x199: {  	v14 =	vadd.s32 v14, v0;
	v15 =	vadd.s32 v15, v0;
	v63 =	vld.idx.msk [tilespmem:v63+s5+$0x0], $0xffff;
	v2 =	vor.u32 v42, v13  }
0x19a: {  	v8 =	vor.u32 v8, v60;
	v39 =	vor.u32 $0x80, v2;
	v2 =	vor.u32 v18, v2  }
0x19b: {  	v13 =	vshll.u32 v15, $0x1;
	v42 =	vshll.u32 v57, $0x1;
	v37 =	vadd.s32 v30, v0;
	v30 =	vld [tilespmem:$0x1FEE0]  }
0x19c: {  	[tilespmem:v50+s16+$0x0] =	vst.idx.msk $0xffff, v6;
	v15 =	vand.u32 $0x7F, v15;
	v11 =	vadd.s32 v3, v0;
	v3 =	vmovc v56;
	v56 =	vshll.u32 v51, $0x1  }
0x19d: {  	v60 =	vld.idx.msk [tilespmem:v58+s5+$0x0], $0xffff;
	v13 =	vand.u32 $0xFFFFFF00, v13;
	v51 =	vand.u32 $0x7F, v51;
	[tilespmem:v53+s16+$0x0] =	vst.idx.msk $0xffff, v59;
	v56 =	vand.u32 $0xFFFFFF00, v56  }
0x19e: {  	v59 =	vld [tilespmem:$0x1FF00];
	[tilespmem:v29+s16+$0x0] =	vst.idx.msk $0xffff, v63;
	v51 =	vor.u32 v56, v51;
	v56 =	vand.u32 $0x7F, v37;
	v37 =	vshll.u32 v37, $0x1  }
0x19f: {  	v12 =	vshll.u32 v11, $0x1;
	v29 =	vor.u32 $0x80, v51;
	v51 =	vor.u32 $0x80, v36;
	v36 =	vmovc v52;
	v52 =	vld.idx.msk [tilespmem:v2+s5+$0x0], $0xffff  }
0x1a0: {  	v11 =	vand.u32 $0x7F, v11;
	v12 =	vand.u32 $0xFFFFFF00, v12;
	v2 =	vld [tilespmem:$0x1FEF0];
	v62 =	vor.u32 v30, v39  }
0x1a1: {  	v30 =	vmovc v32;
	v32 =	vmovc v38;
	v38 =	vmov v62;
	v62 =	vand.u32 $0xFFFFFF00, v37;
	v37 =	vmov v54;
	v54 =	vld [tilespmem:$0x1FE50]  }
0x1a2: {  	v6 =	vand.u32 $0xFFFFFF00, v42;
	v11 =	vor.u32 v12, v11;
	v56 =	vor.u32 v62, v56;
	v62 =	vld [tilespmem:$0x1FED0]  }
0x1a3: {  	v50 =	vor.u32 $0x80, v56;
	v56 =	vand.u32 $0x7F, v14;
	v14 =	vshll.u32 v14, $0x1  }
0x1a4: {  	v12 =	vadd.s32 v24, v0;
	v53 =	vadd.s32 v59, v0;
	v14 =	vand.u32 $0xFFFFFF00, v14  }
0x1a5: {  	v59 =	vor.u32 v2, v34;
	v58 =	vor.u32 v14, v56;
	v14 =	vshll.u32 v53, $0x1;
	v56 =	vld.idx.msk [tilespmem:v35+s5+$0x0], $0xffff  }
0x1a6: {  	v53 =	vand.u32 $0x7F, v53;
	[tilespmem:v10+s16+$0x0] =	vst.idx.msk $0xffff, v60;
	v10 =	vor.u32 $0x80, v47;
	v14 =	vand.u32 $0xFFFFFF00, v14  }
0x1a7: {  	v54 =	vor.u32 v54, v39;
	v42 =	vor.u32 v62, v39;
	v14 =	vor.u32 v14, v53  }
0x1a8: {  	v62 =	vor.u32 v13, v15;
	v15 =	vor.u32 $0x80, v8;
	v8 =	vshll.u32 v12, $0x1  }
0x1a9: {  	v13 =	vadd.s32 v19, v0;
	v53 =	vld.idx.msk [tilespmem:v61+s5+$0x0], $0xffff;
	v12 =	vand.u32 $0x7F, v12;
	v47 =	vmovc v14;
	v8 =	vand.u32 $0xFFFFFF00, v8  }
0x1aa: {  	v2 =	vld [tilespmem:$0x1FF20];
	v14 =	vadd.s32 v21, v0;
	v12 =	vor.u32 v8, v12;
	v8 =	vshll.u32 v13, $0x1;
	[tilespmem:v55+s16+$0x0] =	vst.idx.msk $0xffff, v56  }
0x1ab: {  	v13 =	vand.u32 $0x7F, v13;
	v8 =	vand.u32 $0xFFFFFF00, v8;
	v55 =	vshll.u32 v14, $0x1;
	v9 =	vld.idx.msk [tilespmem:v9+s5+$0x0], $0xffff  }
0x1ac: {  	[tilespmem:v29+s16+$0x0] =	vst.idx.msk $0xffff, v52;
	v61 =	vor.u32 v8, v13;
	v8 =	vand.u32 $0x7F, v14;
	v13 =	vand.u32 $0xFFFFFF00, v55;
	v14 =	vld [tilespmem:$0x1FF50]  }
0x1ad: {  	v57 =	vand.u32 $0x7F, v57;
	v13 =	vor.u32 v13, v8;
	v8 =	vadd.s32 v22, v0;
	v29 =	vld.idx.msk [tilespmem:v54+s5+$0x0], $0xffff  }
0x1ae: {  	[tilespmem:v4+s16+$0x0] =	vst.idx.msk $0xffff, v53;
	v4 =	vor.u32 v6, v57;
	v6 =	vld [tilespmem:$0x1FEB0];
	v56 =	vand.u32 $0x7F, v8;
	v8 =	vshll.u32 v8, $0x1  }
0x1af: {  	v60 =	vor.u32 $0x80, v45;
	v45 =	vmovc v11;
	v11 =	vand.u32 $0xFFFFFF00, v8;
	v8 =	vor.u32 $0x80, v4;
	v4 =	vld [tilespmem:$0x1FE70]  }
0x1b0: {  	v35 =	vmovc v44;
	v44 =	vor.u32 v26, v39;
	v2 =	vor.u32 v2, v39;
	v55 =	vor.u32 $0x80, v1;
	v7 =	vld.idx.msk [tilespmem:v7+s5+$0x0], $0xffff  }
0x1b1: {  	p1 =	sne.s32 s26, $0x2F;
	v54 =	vor.u32 $0x80, v5;
	v52 =	vor.u32 v11, v56;
	v11 =	vand.u32 $0xFFFFFF00, v41  }
.Ltmp3:
0x1b2: {  	v14 =	vadd.s32 v14, v0;
	[tilespmem:v48+s16+$0x0] =	vst.idx.msk $0xffff, v9;
	v9 =	vadd.s32 v23, v0;
	v48 =	vor.u32 $0x80, v43;
	(pc) =	sbr.rel @p1 .LBB2_5-.Ltmp3, $4  }
0x1b3: {  	v43 =	vmovc v13;
	v63 =	vor.u32 v6, v34;
	v53 =	vand.u32 $0x7F, v14;
	v56 =	vand.u32 $0x7F, v9  }
0x1b4: {  	v0 =	vld.idx.msk [tilespmem:v49+s5+$0x0], $0xffff;
	v41 =	vshll.u32 v9, $0x1;
	[tilespmem:v15+s16+$0x0] =	vst.idx.msk $0xffff, v29;
	v6 =	vor.u32 v4, v39;
	v4 =	vshll.u32 v14, $0x1  }
0x1b5: {  	s28 =	smov.u32 s26;
	v15 =	vmovc v20;
	v29 =	vor.u32 $0x80, v46;
	v49 =	vor.u32 v27, v34;
	[tilespmem:v10+s16+$0x0] =	vst.idx.msk $0xffff, v7;
	v4 =	vand.u32 $0xFFFFFF00, v4  }
0x1b6: {  	s26 =	sadd.s32 $0x1, s26;
	s25 =	smov.u32 s28;
	v46 =	vmovc v12;
	v14 =	vmovc v17;
	v57 =	vor.u32 v4, v53;
	v53 =	vor.u32 $0x80, v40;
	v40 =	vor.u32 v11, v3  }
0x1b7: {  	v12 =	vld [tilespmem:$0x1FE40];
	_ =	sdelay $0x3  }
0x1b8: {  	v1 =	vadd.s32 s25, v16  }
0x1b9: {  	vm0 =	vgt.u32 v1, $0x2F;
	v3 =	vadd.s32 s25, v12  }
0x1ba: {  	v1 =	vsel vm0, v3, v1  }
0x1bb: {  	v3 =	vshll.u32 v1, $0x9;
	v4 =	vshll.u32 v1, $0x8;
	v5 =	vadd.s32 v14, v1  }
0x1bc: {  	v3 =	vand.u32 $0xFFFFF800, v3;
	v4 =	vand.u32 $0x300, v4;
	v7 =	vshll.u32 v5, $0x1  }
0x1bd: {  	v5 =	vand.u32 $0x7F, v5;
	v3 =	vor.u32 v3, v4;
	v7 =	vand.u32 $0xFFFFFF00, v7  }
0x1be: {  	v4 =	vor.u32 v18, v3;
	v5 =	vor.u32 v7, v5  }
0x1bf: {  	v11 =	vor.u32 $0x80, v3;
	v3 =	vor.u32 $0x80, v5;
	v5 =	vld [tilespmem:$0x1FE50];
	_ =	sdelay $0x3  }
0x1c0: {  	v4 =	vld.idx.msk [tilespmem:v4+s5+$0x0], $0xffff  }
0x1c1: {  	v5 =	vor.u32 v5, v11;
	_ =	sdelay $0x3  }
0x1c2: {  	[tilespmem:v3+s16+$0x0] =	vst.idx.msk $0xffff, v4  }
0x1c3: {  	v4 =	vld.idx.msk [tilespmem:v5+s5+$0x0], $0xffff  }
0x1c4: {  	v7 =	vadd.s32 v15, v1;
	v5 =	vld [tilespmem:$0x1FF20]  }
0x1c5: {  	v9 =	vshll.u32 v7, $0x1;
	v13 =	vld [tilespmem:$0x1FE60]  }
0x1c6: {  	v7 =	vand.u32 $0x7F, v7;
	v9 =	vand.u32 $0xFFFFFF00, v9  }
0x1c7: {  	v7 =	vor.u32 v9, v7  }
0x1c8: {  	v3 =	vor.u32 $0x80, v7;
	_ =	sdelay $0x1  }
0x1c9: {  	v5 =	vor.u32 v5, v11;
	v7 =	vadd.s32 v13, v1  }
0x1ca: {  	v9 =	vshll.u32 v7, $0x1  }
0x1cb: {  	v7 =	vand.u32 $0x7F, v7;
	v9 =	vand.u32 $0xFFFFFF00, v9  }
0x1cc: {  	v2 =	vld.idx.msk [tilespmem:v2+s5+$0x0], $0xffff;
	[tilespmem:v3+s16+$0x0] =	vst.idx.msk $0xffff, v4;
	v7 =	vor.u32 v9, v7  }
0x1cd: {  	v3 =	vor.u32 $0x80, v7;
	v7 =	vld [tilespmem:$0x1FE80]  }
0x1ce: {  	v4 =	vld.idx.msk [tilespmem:v5+s5+$0x0], $0xffff  }
0x1cf: {  	v5 =	vld [tilespmem:$0x1FE70];
	_ =	sdelay $0x3  }
0x1d0: {  	v7 =	vadd.s32 v7, v1  }
0x1d1: {  	[tilespmem:v8+s16+$0x0] =	vst.idx.msk $0xffff, v2;
	v5 =	vor.u32 v5, v11;
	v9 =	vshll.u32 v7, $0x1  }
0x1d2: {  	v2 =	vand.u32 $0x7F, v7;
	[tilespmem:v3+s16+$0x0] =	vst.idx.msk $0xffff, v4;
	v7 =	vand.u32 $0xFFFFFF00, v9  }
0x1d3: {  	v2 =	vor.u32 v7, v2;
	v7 =	vld [tilespmem:$0x1FEA0];
	_ =	sdelay $0x1  }
0x1d4: {  	v6 =	vld.idx.msk [tilespmem:v6+s5+$0x0], $0xffff  }
0x1d5: {  	v3 =	vor.u32 v25, v39;
	v2 =	vor.u32 $0x80, v2;
	v4 =	vld.idx.msk [tilespmem:v5+s5+$0x0], $0xffff;
	_ =	sdelay $0x1  }
0x1d6: {  	v5 =	vor.u32 v25, v11;
	v7 =	vadd.s32 v7, v1  }
0x1d7: {  	v8 =	vshll.u32 v7, $0x1  }
0x1d8: {  	[tilespmem:v50+s16+$0x0] =	vst.idx.msk $0xffff, v6;
	v7 =	vand.u32 $0x7F, v7;
	v6 =	vand.u32 $0xFFFFFF00, v8  }
0x1d9: {  	v3 =	vld.idx.msk [tilespmem:v3+s5+$0x0], $0xffff;
	v8 =	vor.u32 $0x80, v62;
	v6 =	vor.u32 v6, v7;
	[tilespmem:v2+s16+$0x0] =	vst.idx.msk $0xffff, v4  }
0x1da: {  	v62 =	vmovc v28;
	v2 =	vor.u32 v28, v39;
	v4 =	vor.u32 $0x80, v6;
	v6 =	vor.u32 v28, v11;
	v28 =	vld [tilespmem:$0x1FF30]  }
0x1db: {  	v5 =	vld.idx.msk [tilespmem:v5+s5+$0x0], $0xffff;
	_ =	sdelay $0x3  }
0x1dc: {  	[tilespmem:v8+s16+$0x0] =	vst.idx.msk $0xffff, v3;
	v7 =	vadd.s32 v28, v1  }
0x1dd: {  	v2 =	vld.idx.msk [tilespmem:v2+s5+$0x0], $0xffff;
	[tilespmem:v4+s16+$0x0] =	vst.idx.msk $0xffff, v5;
	v9 =	vshll.u32 v7, $0x1  }
0x1de: {  	v3 =	vand.u32 $0x7F, v7;
	v50 =	vld [tilespmem:$0x1FF10];
	v7 =	vand.u32 $0xFFFFFF00, v9  }
0x1df: {  	v8 =	vor.u32 $0x80, v58;
	v3 =	vor.u32 v7, v3;
	v7 =	vld [tilespmem:$0x1FF00]  }
0x1e0: {  	v5 =	vld.idx.msk [tilespmem:v6+s5+$0x0], $0xffff;
	v3 =	vor.u32 $0x80, v3;
	_ =	sdelay $0x2  }
0x1e1: {  	v4 =	vor.u32 v50, v39  }
0x1e2: {  	[tilespmem:v8+s16+$0x0] =	vst.idx.msk $0xffff, v2;
	v6 =	vor.u32 v50, v11;
	v7 =	vadd.s32 v7, v1  }
0x1e3: {  	v9 =	vshll.u32 v7, $0x1;
	[tilespmem:v3+s16+$0x0] =	vst.idx.msk $0xffff, v5  }
0x1e4: {  	v2 =	vand.u32 $0x7F, v7;
	v7 =	vand.u32 $0xFFFFFF00, v9;
	v58 =	vld [tilespmem:$0x1FEF0]  }
0x1e5: {  	v2 =	vor.u32 v7, v2;
	v7 =	vor.u32 $0x80, v47;
	v47 =	vld [tilespmem:$0x1FEC0]  }
0x1e6: {  	v4 =	vld.idx.msk [tilespmem:v4+s5+$0x0], $0xffff  }
0x1e7: {  	v5 =	vld.idx.msk [tilespmem:v6+s5+$0x0], $0xffff;
	v2 =	vor.u32 $0x80, v2;
	_ =	sdelay $0x2  }
0x1e8: {  	v8 =	vadd.s32 v47, v1  }
0x1e9: {  	[tilespmem:v7+s16+$0x0] =	vst.idx.msk $0xffff, v4;
	v9 =	vshll.u32 v8, $0x1  }
0x1ea: {  	v3 =	vor.u32 v58, v39;
	v7 =	vand.u32 $0x7F, v8;
	[tilespmem:v2+s16+$0x0] =	vst.idx.msk $0xffff, v5;
	v8 =	vand.u32 $0xFFFFFF00, v9  }
0x1eb: {  	v7 =	vor.u32 v8, v7;
	v8 =	vor.u32 $0x80, v45;
	v45 =	vld [tilespmem:$0x1FEB0];
	_ =	sdelay $0x2  }
0x1ec: {  	v6 =	vor.u32 v58, v11;
	v4 =	vld.idx.msk [tilespmem:v59+s5+$0x0], $0xffff  }
0x1ed: {  	v3 =	vld.idx.msk [tilespmem:v3+s5+$0x0], $0xffff  }
0x1ee: {  	v2 =	vor.u32 v45, v39;
	_ =	sdelay $0x1  }
0x1ef: {  	v9 =	vadd.s32 v24, v1  }
0x1f0: {  	v5 =	vor.u32 $0x80, v7;
	v6 =	vld.idx.msk [tilespmem:v6+s5+$0x0], $0xffff;
	[tilespmem:v60+s16+$0x0] =	vst.idx.msk $0xffff, v4;
	v4 =	vshll.u32 v9, $0x1  }
0x1f1: {  	v4 =	vand.u32 $0xFFFFFF00, v4;
	[tilespmem:v8+s16+$0x0] =	vst.idx.msk $0xffff, v3;
	v3 =	vld.idx.msk [tilespmem:v63+s5+$0x0], $0xffff;
	v8 =	vand.u32 $0x7F, v9  }
0x1f2: {  	v7 =	vor.u32 v45, v11;
	v4 =	vor.u32 v4, v8;
	v8 =	vor.u32 $0x80, v46;
	v2 =	vld.idx.msk [tilespmem:v2+s5+$0x0], $0xffff;
	_ =	sdelay $0x2  }
0x1f3: {  	[tilespmem:v5+s16+$0x0] =	vst.idx.msk $0xffff, v6  }
0x1f4: {  	[tilespmem:v29+s16+$0x0] =	vst.idx.msk $0xffff, v3  }
0x1f5: {  	v5 =	vld.idx.msk [tilespmem:v7+s5+$0x0], $0xffff;
	[tilespmem:v8+s16+$0x0] =	vst.idx.msk $0xffff, v2  }
0x1f6: {  	v60 =	vmov v19;
	v4 =	vor.u32 $0x80, v4;
	v7 =	vadd.s32 v19, v1;
	v19 =	vld [tilespmem:$0x1FF40]  }
0x1f7: {  	v6 =	vor.u32 v26, v11  }
0x1f8: {  	v3 =	vshll.u32 v7, $0x1  }
0x1f9: {  	v7 =	vand.u32 $0x7F, v7;
	v3 =	vand.u32 $0xFFFFFF00, v3  }
0x1fa: {  	v3 =	vor.u32 v3, v7;
	v8 =	vld.idx.msk [tilespmem:v35+s5+$0x0], $0xffff  }
0x1fb: {  	v7 =	vor.u32 $0x80, v61;
	v9 =	vld.idx.msk [tilespmem:v44+s5+$0x0], $0xffff;
	[tilespmem:v4+s16+$0x0] =	vst.idx.msk $0xffff, v5;
	v2 =	vor.u32 v19, v34  }
0x1fc: {  	v3 =	vor.u32 $0x80, v3;
	v5 =	vld.idx.msk [tilespmem:v6+s5+$0x0], $0xffff;
	v4 =	vor.u32 v19, v39  }
0x1fd: {  	v6 =	vor.u32 v19, v11  }
0x1fe: {  	v10 =	vadd.s32 v21, v1  }
0x1ff: {  	[tilespmem:v55+s16+$0x0] =	vst.idx.msk $0xffff, v8;
	v8 =	vshll.u32 v10, $0x1  }
0x200: {  	[tilespmem:v7+s16+$0x0] =	vst.idx.msk $0xffff, v9;
	v7 =	vand.u32 $0x7F, v10;
	v8 =	vand.u32 $0xFFFFFF00, v8;
	v2 =	vld.idx.msk [tilespmem:v2+s5+$0x0], $0xffff  }
0x201: {  	v7 =	vor.u32 v8, v7;
	v8 =	vor.u32 $0x80, v43;
	[tilespmem:v3+s16+$0x0] =	vst.idx.msk $0xffff, v5;
	v4 =	vld.idx.msk [tilespmem:v4+s5+$0x0], $0xffff  }
0x202: {  	v3 =	vor.u32 v27, v39;
	v5 =	vor.u32 $0x80, v7;
	v6 =	vld.idx.msk [tilespmem:v6+s5+$0x0], $0xffff  }
0x203: {  	v7 =	vor.u32 v27, v11;
	_ =	sdelay $0x1  }
0x204: {  	v9 =	vadd.s32 v22, v1;
	[tilespmem:v48+s16+$0x0] =	vst.idx.msk $0xffff, v2  }
0x205: {  	v2 =	vshll.u32 v9, $0x1;
	[tilespmem:v8+s16+$0x0] =	vst.idx.msk $0xffff, v4;
	v8 =	vand.u32 $0x7F, v9;
	v9 =	vld.idx.msk [tilespmem:v49+s5+$0x0], $0xffff  }
0x206: {  	v4 =	vor.u32 $0x80, v36;
	[tilespmem:v5+s16+$0x0] =	vst.idx.msk $0xffff, v6;
	v2 =	vand.u32 $0xFFFFFF00, v2;
	v3 =	vld.idx.msk [tilespmem:v3+s5+$0x0], $0xffff  }
0x207: {  	v5 =	vor.u32 $0x80, v52;
	v6 =	vld.idx.msk [tilespmem:v7+s5+$0x0], $0xffff;
	v2 =	vor.u32 v2, v8  }
0x208: {  	v63 =	vld [tilespmem:$0x1FED0];
	[tilespmem:v51+s16+$0x0] =	vst.idx.msk $0xffff, v0;
	v2 =	vor.u32 $0x80, v2  }
0x209: {  	v44 =	vld [tilespmem:$0x1FF50];
	_ =	sdelay $0x1  }
0x20a: {  	[tilespmem:v4+s16+$0x0] =	vst.idx.msk $0xffff, v9  }
0x20b: {  	[tilespmem:v5+s16+$0x0] =	vst.idx.msk $0xffff, v3  }
0x20c: {  	v7 =	vor.u32 v63, v11;
	[tilespmem:v2+s16+$0x0] =	vst.idx.msk $0xffff, v6  }
0x20d: {  	v0 =	vadd.s32 v44, v1;
	v39 =	vld [tilespmem:$0x1FEE0]  }
0x20e: {  	v4 =	vld.idx.msk [tilespmem:v31+s5+$0x0], $0xffff;
	v8 =	vshll.u32 v0, $0x1  }
0x20f: {  	v9 =	vld.idx.msk [tilespmem:v33+s5+$0x0], $0xffff;
	v0 =	vand.u32 $0x7F, v0;
	v8 =	vand.u32 $0xFFFFFF00, v8  }
0x210: {  	v3 =	vor.u32 $0x80, v57;
	v5 =	vld.idx.msk [tilespmem:v42+s5+$0x0], $0xffff;
	v0 =	vor.u32 v8, v0  }
0x211: {  	v0 =	vor.u32 $0x80, v0;
	v2 =	vld.idx.msk [tilespmem:v7+s5+$0x0], $0xffff  }
0x212: {  	v6 =	vor.u32 v39, v11  }
0x213: {  	v1 =	vadd.s32 v23, v1;
	[tilespmem:v37+s16+$0x0] =	vst.idx.msk $0xffff, v4  }
0x214: {  	v8 =	vand.u32 $0x7F, v1;
	v1 =	vshll.u32 v1, $0x1;
	v7 =	vand.u32 $0xFFFFFF00, v41;
	v4 =	vld.idx.msk [tilespmem:v30+s5+$0x0], $0xffff;
	[tilespmem:v54+s16+$0x0] =	vst.idx.msk $0xffff, v9  }
0x215: {  	v1 =	vand.u32 $0xFFFFFF00, v1;
	v9 =	vor.u32 $0x80, v40;
	v7 =	vor.u32 v7, v56;
	[tilespmem:v3+s16+$0x0] =	vst.idx.msk $0xffff, v5;
	v10 =	vld.idx.msk [tilespmem:v32+s5+$0x0], $0xffff  }
0x216: {  	v1 =	vor.u32 v1, v8;
	v3 =	vor.u32 $0x80, v7;
	v5 =	vld.idx.msk [tilespmem:v38+s5+$0x0], $0xffff;
	[tilespmem:v0+s16+$0x0] =	vst.idx.msk $0xffff, v2  }
0x217: {  	v0 =	vor.u32 $0x80, v1;
	v1 =	vld.idx.msk [tilespmem:v6+s5+$0x0], $0xffff  }
0x218: {  	s24 =	smul.u32 $0x5400, s24  }
0x219: {  	[tilespmem:v53+s16+$0x0] =	vst.idx.msk $0xffff, v4  }
0x21a: {  	p1 =	seq.s32 s22, $0x1B;
	s24 =	sadd.s32 s9, s24;
	[tilespmem:v9+s16+$0x0] =	vst.idx.msk $0xffff, v10  }
0x21b: {  	s24 =	sshrl.u32 s24, $0x3;
	s25 =	sadd.s32 @!p1 s23, s10;
	[tilespmem:v3+s16+$0x0] =	vst.idx.msk $0xffff, v5  }
0x21c: {  	s29 =	simm.s32 $0x0;
	s24 =	sadd.s32 s4, s24;
	s25 =	smul.u32 @!p1 $0x6000, s25;
	[tilespmem:v0+s16+$0x0] =	vst.idx.msk $0xffff, v1  }
0x21d: {  	v0 =	vadd.s32 s29, v16;
	[hbm4b:s24+s5] =	stream.linear.scatter [tilespmem:s16], [sflag:$0x3], $0x5400, $0x38;
	[tilespmem:$0x16800] =	vst v63  }
0x21e: {  	v1 =	vadd.s32 s29, v12;
	s24 =	sadd.s32 @!p1 s3, s25;
	vm12 =	vgt.u32 v0, $0x2F  }
0x21f: {  	s24 =	sshrl.u32 @!p1 s24, $0x3;
	v0 =	vsel vm12, v1, v0  }
0x220: {  	s25 =	simm.s32 @!p1 $0x0;
	s24 =	sadd.s32 @!p1 s1, s24;
	v1 =	vshll.u32 v0, $0x8;
	v2 =	vshll.u32 v0, $0x9  }
0x221: {  	[tilespmem:s25], [sflag:$0x1] =	stream.linear.gather @!p1 [hbm4b:s24+s25], $0x6000, $0x38;
	v1 =	vand.u32 $0x300, v1;
	v2 =	vand.u32 $0xFFFFF800, v2;
	[tilespmem:$0x16800] =	vst v63  }
0x222: {  	_ =	swait.ge [sflag:s17], $0x6000;
	v35 =	vor.u32 v1, v2  }
0x223: {  	[sflag:s17] =	ssyncset.done $0x0;
	v1 =	vor.u32 v16, v35  }
0x224: {  	s24 =	simm.s32 @!p0 $0x4;
	[sflag:s17] =	ssyncadd.s32 $0xFFFFA000  }
0x225: {  	v2 =	vadd.s32 v14, v0;
	_ =	swait.ge @!p0 [sflag:s24], $0x5400  }
0x226: {  	v3 =	vshll.u32 v2, $0x1;
	[sflag:s24] =	ssyncset.done @!p0 $0x0;
	v29 =	vld [tilespmem:$0x1FE50]  }
0x227: {  	v2 =	vand.u32 $0x7F, v2;
	v3 =	vand.u32 $0xFFFFFF00, v3;
	[sflag:s24] =	ssyncadd.s32 @!p0 $0xFFFFAC00  }
0x228: {  	v2 =	vor.u32 v2, v3;
	v1 =	vld.idx.msk [tilespmem:v1+s14+$0x0], $0xffff;
	_ =	sdelay $0x2  }
0x229: {  	v3 =	vor.u32 v29, v35;
	_ =	sdelay $0x1  }
0x22a: {  	v4 =	vadd.s32 v15, v0;
	[tilespmem:v2+s18+$0x0] =	vst.idx.msk $0xffff, v1  }
0x22b: {  	v5 =	vshll.u32 v4, $0x1;
	v34 =	vld [tilespmem:$0x1FF20]  }
0x22c: {  	v1 =	vand.u32 $0x7F, v4;
	v2 =	vand.u32 $0xFFFFFF00, v5  }
0x22d: {  	v1 =	vor.u32 v1, v2;
	v3 =	vld.idx.msk [tilespmem:v3+s14+$0x0], $0xffff;
	_ =	sdelay $0x2  }
0x22e: {  	v2 =	vor.u32 v34, v35;
	_ =	sdelay $0x1  }
0x22f: {  	v4 =	vadd.s32 v13, v0;
	[tilespmem:v1+s18+$0x0] =	vst.idx.msk $0xffff, v3  }
0x230: {  	v55 =	vmov v27;
	v27 =	vmov v22;
	v5 =	vshll.u32 v4, $0x1;
	v22 =	vld [tilespmem:$0x1FE70]  }
0x231: {  	v61 =	vmov v21;
	v1 =	vand.u32 $0x7F, v4;
	v3 =	vand.u32 $0xFFFFFF00, v5;
	v21 =	vld [tilespmem:$0x1FE80]  }
0x232: {  	v1 =	vor.u32 v1, v3;
	v2 =	vld.idx.msk [tilespmem:v2+s14+$0x0], $0xffff;
	_ =	sdelay $0x2  }
0x233: {  	v3 =	vor.u32 v22, v35  }
0x234: {  	s28 =	simm.s32 $0x1  }
0x235: {  	v4 =	vadd.s32 s28, v16;
	v5 =	vadd.s32 v21, v0;
	[tilespmem:v1+s18+$0x0] =	vst.idx.msk $0xffff, v2  }
0x236: {  	v6 =	vadd.s32 s28, v12;
	vm13 =	vgt.u32 v4, $0x2F;
	v7 =	vshll.u32 v5, $0x1;
	v56 =	vld [tilespmem:$0x1FEA0]  }
0x237: {  	v33 =	vsel vm13, v6, v4;
	v1 =	vand.u32 $0x7F, v5;
	v2 =	vand.u32 $0xFFFFFF00, v7  }
0x238: {  	v4 =	vshll.u32 v33, $0x8;
	v5 =	vshll.u32 v33, $0x9;
	v1 =	vor.u32 v1, v2;
	v3 =	vld.idx.msk [tilespmem:v3+s14+$0x0], $0xffff  }
0x239: {  	v4 =	vand.u32 $0x300, v4;
	v5 =	vand.u32 $0xFFFFF800, v5  }
0x23a: {  	v2 =	vor.u32 v25, v35;
	v31 =	vor.u32 v4, v5  }
0x23b: {  	v4 =	vor.u32 v16, v31;
	v5 =	vadd.s32 v56, v0  }
0x23c: {  	v6 =	vshll.u32 v5, $0x1  }
0x23d: {  	v7 =	vadd.s32 v14, v33;
	[tilespmem:v1+s18+$0x0] =	vst.idx.msk $0xffff, v3;
	v1 =	vand.u32 $0x7F, v5;
	v3 =	vand.u32 $0xFFFFFF00, v6  }
0x23e: {  	v1 =	vor.u32 v1, v3;
	v3 =	vshll.u32 v7, $0x1  }
0x23f: {  	v6 =	vand.u32 $0x7F, v7;
	v2 =	vld.idx.msk [tilespmem:v2+s14+$0x0], $0xffff;
	v3 =	vand.u32 $0xFFFFFF00, v3  }
0x240: {  	v4 =	vld.idx.msk [tilespmem:v4+s14+$0x0], $0xffff;
	v3 =	vor.u32 v6, v3;
	_ =	sdelay $0x2  }
0x241: {  	v5 =	vor.u32 v62, v35  }
0x242: {  	s26 =	simm.s32 $0x2;
	[tilespmem:v1+s18+$0x0] =	vst.idx.msk $0xffff, v2  }
0x243: {  	v10 =	vadd.s32 s26, v16;
	v7 =	vadd.s32 v28, v0;
	v6 =	vor.u32 v29, v31;
	[tilespmem:v3+s18+$0x0] =	vst.idx.msk $0xffff, v4  }
0x244: {  	v8 =	vadd.s32 s26, v12;
	vm14 =	vgt.u32 v10, $0x2F;
	v9 =	vshll.u32 v7, $0x1;
	v57 =	vld [tilespmem:$0x1FF00]  }
0x245: {  	v1 =	vand.u32 $0x7F, v7;
	v2 =	vand.u32 $0xFFFFFF00, v9;
	v7 =	vadd.s32 v15, v33  }
0x246: {  	v30 =	vsel vm14, v8, v10;
	v5 =	vld.idx.msk [tilespmem:v5+s14+$0x0], $0xffff;
	v1 =	vor.u32 v1, v2;
	v2 =	vshll.u32 v7, $0x1  }
0x247: {  	v3 =	vor.u32 v50, v35;
	v4 =	vand.u32 $0x7F, v7;
	v2 =	vand.u32 $0xFFFFFF00, v2  }
0x248: {  	v59 =	vmov v24;
	v41 =	vshll.u32 v30, $0x8;
	v6 =	vld.idx.msk [tilespmem:v6+s14+$0x0], $0xffff;
	v2 =	vor.u32 v4, v2  }
0x249: {  	v24 =	vmovc v12;
	v46 =	vmovc v26;
	v12 =	vand.u32 $0x300, v41;
	v4 =	vor.u32 v34, v31;
	v7 =	vadd.s32 v57, v0  }
0x24a: {  	v11 =	vadd.s32 v59, v0;
	v48 =	vor.u32 v46, v35;
	v8 =	vshll.u32 v7, $0x1  }
0x24b: {  	v9 =	vadd.s32 v13, v33;
	[tilespmem:v1+s18+$0x0] =	vst.idx.msk $0xffff, v5;
	v7 =	vand.u32 $0x7F, v7;
	v8 =	vand.u32 $0xFFFFFF00, v8  }
0x24c: {  	v52 =	vor.u32 v19, v35;
	v10 =	vshll.u32 v9, $0x1;
	v3 =	vld.idx.msk [tilespmem:v3+s14+$0x0], $0xffff;
	v1 =	vor.u32 v7, v8  }
0x24d: {  	v5 =	vand.u32 $0x7F, v9;
	[tilespmem:v2+s18+$0x0] =	vst.idx.msk $0xffff, v6;
	v7 =	vand.u32 $0xFFFFFF00, v10;
	v8 =	vor.u32 v58, v35  }
0x24e: {  	s25 =	simm.s32 $0x3;
	v38 =	vor.u32 v63, v35;
	v54 =	vor.u32 v50, v31;
	v4 =	vld.idx.msk [tilespmem:v4+s14+$0x0], $0xffff;
	v5 =	vor.u32 v5, v7  }
0x24f: {  	v15 =	vadd.s32 s25, v16;
	v2 =	vor.u32 v22, v31;
	v7 =	vadd.s32 v47, v0  }
0x250: {  	vm15 =	vgt.u32 v15, $0x2F;
	v9 =	vadd.s32 v60, v0;
	v6 =	vshll.u32 v7, $0x1  }
0x251: {  	v10 =	vadd.s32 v21, v33;
	v7 =	vand.u32 $0x7F, v7;
	v6 =	vand.u32 $0xFFFFFF00, v6;
	[tilespmem:v1+s18+$0x0] =	vst.idx.msk $0xffff, v3  }
0x252: {  	v42 =	vshll.u32 v10, $0x1;
	v6 =	vor.u32 v7, v6;
	v7 =	vand.u32 $0x7F, v10;
	v8 =	vld.idx.msk [tilespmem:v8+s14+$0x0], $0xffff  }
0x253: {  	v10 =	vand.u32 $0xFFFFFF00, v42;
	v1 =	vshll.u32 v30, $0x9;
	v3 =	vor.u32 v45, v35;
	[tilespmem:v5+s18+$0x0] =	vst.idx.msk $0xffff, v4  }
0x254: {  	v7 =	vor.u32 v7, v10;
	v10 =	vor.u32 v25, v31;
	v1 =	vand.u32 $0xFFFFF800, v1;
	v2 =	vld.idx.msk [tilespmem:v2+s14+$0x0], $0xffff  }
0x255: {  	v4 =	vshll.u32 v11, $0x1;
	v32 =	vor.u32 v12, v1;
	v1 =	vand.u32 $0x7F, v11  }
0x256: {  	v4 =	vand.u32 $0xFFFFFF00, v4;
	v11 =	vadd.s32 v56, v33;
	v5 =	vor.u32 v16, v32  }
0x257: {  	v49 =	vshll.u32 v9, $0x1;
	v1 =	vor.u32 v1, v4;
	v4 =	vadd.s32 v14, v30;
	[tilespmem:v6+s18+$0x0] =	vst.idx.msk $0xffff, v8  }
0x258: {  	v43 =	vshll.u32 v11, $0x1;
	v11 =	vand.u32 $0x7F, v11;
	v8 =	vshll.u32 v4, $0x1;
	v3 =	vld.idx.msk [tilespmem:v3+s14+$0x0], $0xffff  }
0x259: {  	v40 =	vmovc v13;
	v12 =	vand.u32 $0xFFFFFF00, v43;
	v4 =	vand.u32 $0x7F, v4;
	v8 =	vand.u32 $0xFFFFFF00, v8;
	[tilespmem:v7+s18+$0x0] =	vst.idx.msk $0xffff, v2  }
0x25a: {  	v56 =	vadd.s32 v40, v30;
	v6 =	vor.u32 v11, v12;
	v2 =	vor.u32 v4, v8;
	v8 =	vld.idx.msk [tilespmem:v10+s14+$0x0], $0xffff  }
0x25b: {  	v43 =	vor.u32 v45, v31;
	v11 =	vor.u32 v62, v31;
	v7 =	vand.u32 $0xFFFFFF00, v49;
	v5 =	vld.idx.msk [tilespmem:v5+s14+$0x0], $0xffff  }
0x25c: {  	v4 =	vand.u32 $0x7F, v9;
	v9 =	vor.u32 v29, v32;
	v10 =	vadd.s32 v28, v33  }
0x25d: {  	v29 =	vadd.s32 v61, v0;
	v4 =	vor.u32 v4, v7;
	v51 =	vshll.u32 v10, $0x1;
	[tilespmem:v1+s18+$0x0] =	vst.idx.msk $0xffff, v3  }
0x25e: {  	v10 =	vand.u32 $0x7F, v10;
	v12 =	vand.u32 $0xFFFFFF00, v51;
	v1 =	vadd.s32 v20, v30;
	v3 =	vld.idx.msk [tilespmem:v48+s14+$0x0], $0xffff  }
0x25f: {  	v7 =	vadd.s32 s25, v24;
	v10 =	vor.u32 v10, v12;
	v53 =	vshll.u32 v1, $0x1;
	[tilespmem:v6+s18+$0x0] =	vst.idx.msk $0xffff, v8  }
0x260: {  	v1 =	vand.u32 $0x7F, v1;
	v8 =	vshll.u32 v29, $0x1;
	[tilespmem:v2+s18+$0x0] =	vst.idx.msk $0xffff, v5;
	v6 =	vand.u32 $0xFFFFFF00, v53;
	v11 =	vld.idx.msk [tilespmem:v11+s14+$0x0], $0xffff  }
0x261: {  	v26 =	vmovc v23;
	v5 =	vand.u32 $0xFFFFFF00, v8;
	v8 =	vor.u32 v34, v32;
	v2 =	vor.u32 v1, v6;
	v6 =	vld.idx.msk [tilespmem:v9+s14+$0x0], $0xffff  }
0x262: {  	v18 =	vmovc v55;
	v40 =	vmovc v44;
	v34 =	vsel vm15, v7, v15;
	v1 =	vand.u32 $0x7F, v29;
	v9 =	vadd.s32 v57, v33  }
0x263: {  	v7 =	vor.u32 v55, v35;
	v5 =	vor.u32 v1, v5;
	v1 =	vshll.u32 v9, $0x1;
	[tilespmem:v4+s18+$0x0] =	vst.idx.msk $0xffff, v3  }
0x264: {  	v45 =	vmovc v46;
	v28 =	vmovc v20;
	v3 =	vand.u32 $0x7F, v9;
	v4 =	vand.u32 $0xFFFFFF00, v1;
	v1 =	vadd.s32 v26, v0;
	v9 =	vld.idx.msk [tilespmem:v52+s14+$0x0], $0xffff  }
0x265: {  	v57 =	vor.u32 v3, v4;
	v3 =	vadd.s32 v44, v0;
	[tilespmem:v10+s18+$0x0] =	vst.idx.msk $0xffff, v11;
	v4 =	vshll.u32 v56, $0x1  }
0x266: {  	v0 =	vadd.s32 v27, v0;
	v11 =	vld.idx.msk [tilespmem:v54+s14+$0x0], $0xffff;
	[tilespmem:v2+s18+$0x0] =	vst.idx.msk $0xffff, v6;
	v2 =	vand.u32 $0x7F, v56;
	v4 =	vand.u32 $0xFFFFFF00, v4  }
0x267: {  	v24 =	vmovc v39;
	v10 =	vor.u32 v58, v31;
	v6 =	vshll.u32 v0, $0x1;
	v8 =	vld.idx.msk [tilespmem:v8+s14+$0x0], $0xffff;
	v12 =	vor.u32 v2, v4  }
0x268: {  	v58 =	vmovc v60;
	v0 =	vand.u32 $0x7F, v0;
	v56 =	vmovc v27;
	v4 =	vand.u32 $0xFFFFFF00, v6;
	v6 =	vadd.s32 v47, v33  }
0x269: {  	v2 =	vor.u32 v22, v32;
	v37 =	vor.u32 v0, v4;
	v4 =	vshll.u32 v6, $0x1;
	[tilespmem:v5+s18+$0x0] =	vst.idx.msk $0xffff, v9  }
0x26a: {  	v54 =	vmovc v26;
	v0 =	vadd.s32 v60, v33;
	v6 =	vand.u32 $0x7F, v6;
	v60 =	vmovc v19;
	v9 =	vand.u32 $0xFFFFFF00, v4;
	v36 =	vld.idx.msk [tilespmem:v7+s14+$0x0], $0xffff  }
0x26b: {  	v4 =	vadd.s32 v59, v33;
	v5 =	vshll.u32 v34, $0x8;
	[tilespmem:v57+s18+$0x0] =	vst.idx.msk $0xffff, v11;
	v7 =	vadd.s32 v21, v30  }
0x26c: {  	s30 =	simm.s32 $0x4;
	s24 =	sadd.s32 s23, s11;
	v29 =	vor.u32 v6, v9;
	v6 =	vshll.u32 v34, $0x9;
	v41 =	vld.idx.msk [tilespmem:v10+s14+$0x0], $0xffff;
	[tilespmem:v12+s18+$0x0] =	vst.idx.msk $0xffff, v8;
	v8 =	vshll.u32 v7, $0x1  }
.LBB2_7:
0x26d: {  	v7 =	vand.u32 $0x7F, v7  }
0x26e: {  	v8 =	vand.u32 $0xFFFFFF00, v8;
	v9 =	vshll.u32 v3, $0x1;
	v3 =	vand.u32 $0x7F, v3  }
0x26f: {  	v2 =	vld.idx.msk [tilespmem:v2+s14+$0x0], $0xffff;
	[tilespmem:v37+s18+$0x0] =	vst.idx.msk $0xffff, v36;
	v10 =	vor.u32 v25, v32;
	v5 =	vand.u32 $0x300, v5;
	v9 =	vand.u32 $0xFFFFFF00, v9  }
0x270: {  	v6 =	vand.u32 $0xFFFFF800, v6;
	v7 =	vor.u32 v7, v8;
	v8 =	vld.idx.msk [tilespmem:v38+s14+$0x0], $0xffff;
	v3 =	vor.u32 v3, v9  }
0x271: {  	v9 =	vor.u32 v24, v35;
	v35 =	vmovc v31;
	v31 =	vmov v32;
	v32 =	vor.u32 v5, v6;
	v6 =	vld [tilespmem:$0x1FEA0];
	_ =	sdelay $0x1  }
0x272: {  	v11 =	vshll.u32 v4, $0x1;
	v5 =	vor.u32 v16, v32  }
0x273: {  	v4 =	vand.u32 $0x7F, v4;
	v11 =	vand.u32 $0xFFFFFF00, v11;
	[tilespmem:v29+s18+$0x0] =	vst.idx.msk $0xffff, v41  }
0x274: {  	v4 =	vor.u32 v4, v11;
	v11 =	vadd.s32 v17, v34;
	v12 =	vld.idx.msk [tilespmem:v43+s14+$0x0], $0xffff;
	[tilespmem:v7+s18+$0x0] =	vst.idx.msk $0xffff, v2  }
0x275: {  	v6 =	vadd.s32 v6, v30;
	v10 =	vld.idx.msk [tilespmem:v10+s14+$0x0], $0xffff;
	[tilespmem:v3+s18+$0x0] =	vst.idx.msk $0xffff, v8;
	v3 =	vshll.u32 v1, $0x1  }
0x276: {  	v1 =	vand.u32 $0x7F, v1;
	v8 =	vshll.u32 v11, $0x1;
	v3 =	vand.u32 $0xFFFFFF00, v3  }
0x277: {  	v8 =	vand.u32 $0xFFFFFF00, v8;
	v1 =	vor.u32 v1, v3;
	v3 =	vld.idx.msk [tilespmem:v5+s14+$0x0], $0xffff;
	v5 =	vand.u32 $0x7F, v11  }
0x278: {  	v2 =	vshll.u32 v6, $0x1;
	v5 =	vor.u32 v5, v8;
	v8 =	vld [tilespmem:$0x1FE50]  }
0x279: {  	v7 =	vor.u32 v45, v35;
	v6 =	vand.u32 $0x7F, v6;
	v2 =	vand.u32 $0xFFFFFF00, v2  }
0x27a: {  	v2 =	vor.u32 v6, v2  }
0x27b: {  	v6 =	vld.idx.msk [tilespmem:v9+s14+$0x0], $0xffff;
	v9 =	vor.u32 v62, v31  }
0x27c: {  	[tilespmem:v4+s18+$0x0] =	vst.idx.msk $0xffff, v12;
	v4 =	vshll.u32 v0, $0x1  }
0x27d: {  	v11 =	vld [tilespmem:$0x1FF30];
	v0 =	vand.u32 $0x7F, v0;
	v4 =	vand.u32 $0xFFFFFF00, v4;
	v8 =	vor.u32 v8, v32  }
0x27e: {  	v7 =	vld.idx.msk [tilespmem:v7+s14+$0x0], $0xffff;
	v0 =	vor.u32 v0, v4  }
0x27f: {  	[tilespmem:v2+s18+$0x0] =	vst.idx.msk $0xffff, v10  }
0x280: {  	v9 =	vld.idx.msk [tilespmem:v9+s14+$0x0], $0xffff;
	[tilespmem:v1+s18+$0x0] =	vst.idx.msk $0xffff, v6;
	v1 =	vadd.s32 v28, v34  }
0x281: {  	[tilespmem:v5+s18+$0x0] =	vst.idx.msk $0xffff, v3;
	v3 =	vshll.u32 v1, $0x1;
	v5 =	vld [tilespmem:$0x1FF10]  }
0x282: {  	v1 =	vand.u32 $0x7F, v1;
	v3 =	vand.u32 $0xFFFFFF00, v3;
	v8 =	vld.idx.msk [tilespmem:v8+s14+$0x0], $0xffff  }
0x283: {  	v11 =	vadd.s32 v11, v30;
	[tilespmem:v0+s18+$0x0] =	vst.idx.msk $0xffff, v7;
	v7 =	vor.u32 v1, v3;
	v3 =	vld [tilespmem:$0x1FF20]  }
0x284: {  	v2 =	vshll.u32 v11, $0x1  }
0x285: {  	v10 =	vor.u32 v60, v35;
	v11 =	vand.u32 $0x7F, v11;
	v2 =	vand.u32 $0xFFFFFF00, v2  }
0x286: {  	v6 =	vadd.s32 v61, v33;
	v2 =	vor.u32 v11, v2  }
0x287: {  	v4 =	vld [tilespmem:$0x1FE40];
	v0 =	vshll.u32 v6, $0x1  }
0x288: {  	v1 =	vand.u32 $0x7F, v6;
	v5 =	vor.u32 v5, v31;
	v6 =	vor.u32 v3, v32;
	v3 =	vld [tilespmem:$0x1FF00]  }
0x289: {  	v11 =	vld [tilespmem:$0x1FE60];
	v0 =	vand.u32 $0xFFFFFF00, v0  }
0x28a: {  	v10 =	vld.idx.msk [tilespmem:v10+s14+$0x0], $0xffff;
	v0 =	vor.u32 v1, v0  }
0x28b: {  	[tilespmem:v2+s18+$0x0] =	vst.idx.msk $0xffff, v9;
	v2 =	vor.u32 v18, v35;
	_ =	sdelay $0x1  }
0x28c: {  	v55 =	vadd.s32 s30, v16;
	v57 =	vadd.s32 v56, v33;
	v5 =	vld.idx.msk [tilespmem:v5+s14+$0x0], $0xffff;
	v3 =	vadd.s32 v3, v30  }
0x28d: {  	vm0 =	vgt.u32 v55, $0x2F;
	v4 =	vadd.s32 s30, v4;
	[tilespmem:v7+s18+$0x0] =	vst.idx.msk $0xffff, v8;
	v8 =	vld [tilespmem:$0x1FEF0];
	v1 =	vshll.u32 v3, $0x1  }
0x28e: {  	v11 =	vadd.s32 v11, v34;
	v13 =	vld.idx.msk [tilespmem:v6+s14+$0x0], $0xffff;
	[tilespmem:v0+s18+$0x0] =	vst.idx.msk $0xffff, v10;
	v3 =	vand.u32 $0x7F, v3;
	v9 =	vand.u32 $0xFFFFFF00, v1  }
0x28f: {  	v4 =	vsel vm0, v4, v55;
	v7 =	vshll.u32 v11, $0x1;
	v36 =	vld.idx.msk [tilespmem:v2+s14+$0x0], $0xffff;
	v9 =	vor.u32 v3, v9  }
0x290: {  	v1 =	vadd.s32 v54, v33;
	v3 =	vadd.s32 v40, v33;
	v33 =	vmovc v30;
	v30 =	vmovc v34;
	v34 =	vmov v4;
	v4 =	vld [tilespmem:$0x1FEC0]  }
0x291: {  	v7 =	vand.u32 $0xFFFFFF00, v7;
	v6 =	vand.u32 $0x7F, v11;
	v2 =	vld [tilespmem:$0x1FE70]  }
0x292: {  	v10 =	vor.u32 v6, v7;
	v7 =	vld [tilespmem:$0x1FE80];
	v8 =	vor.u32 v8, v31  }
0x293: {  	v0 =	vshll.u32 v57, $0x1  }
0x294: {  	p0 =	sne.s32 s30, $0x2F;
	v6 =	vand.u32 $0x7F, v57;
	v0 =	vand.u32 $0xFFFFFF00, v0;
	[tilespmem:v9+s18+$0x0] =	vst.idx.msk $0xffff, v5;
	v9 =	vld [tilespmem:$0x1FEB0]  }
.Ltmp4:
0x295: {  	v38 =	vor.u32 v63, v35;
	v37 =	vor.u32 v6, v0;
	v4 =	vadd.s32 v4, v33;
	(pc) =	sbr.rel @p0 .LBB2_7-.Ltmp4, $4  }
0x296: {  	v0 =	vadd.s32 v58, v33;
	v2 =	vor.u32 v2, v32;
	v5 =	vshll.u32 v4, $0x1  }
0x297: {  	v7 =	vadd.s32 v7, v30;
	v41 =	vld.idx.msk [tilespmem:v8+s14+$0x0], $0xffff;
	v6 =	vand.u32 $0x7F, v4;
	v8 =	vand.u32 $0xFFFFFF00, v5  }
0x298: {  	v4 =	vadd.s32 v59, v33;
	v5 =	vshll.u32 v34, $0x8;
	v29 =	vor.u32 v6, v8  }
0x299: {  	s30 =	sadd.s32 $0x1, s30;
	[tilespmem:v10+s18+$0x0] =	vst.idx.msk $0xffff, v13;
	v6 =	vshll.u32 v34, $0x9;
	v8 =	vshll.u32 v7, $0x1;
	v43 =	vor.u32 v9, v31  }
0x29a: {  	v7 =	vand.u32 $0x7F, v7;
	v8 =	vand.u32 $0xFFFFFF00, v8;
	v9 =	vshll.u32 v3, $0x1;
	v26 =	vld [tilespmem:$0x1FEA0]  }
0x29b: {  	v3 =	vand.u32 $0x7F, v3;
	v7 =	vor.u32 v7, v8;
	v8 =	vand.u32 $0xFFFFFF00, v9  }
0x29c: {  	v3 =	vor.u32 v3, v8  }
0x29d: {  	[tilespmem:$0x1FB40] =	vst v3;
	v3 =	vand.u32 $0x300, v5;
	v5 =	vand.u32 $0xFFFFF800, v6  }
0x29e: {  	v10 =	vshll.u32 v4, $0x1;
	v6 =	vor.u32 v24, v35;
	v42 =	vor.u32 v3, v5  }
0x29f: {  	[tilespmem:$0x1FB60] =	vst v6;
	v3 =	vand.u32 $0x7F, v4;
	v4 =	vand.u32 $0xFFFFFF00, v10;
	v6 =	vadd.s32 v26, v30  }
0x2a0: {  	v5 =	vor.u32 v16, v42;
	v52 =	vor.u32 v3, v4;
	v4 =	vshll.u32 v6, $0x1  }
0x2a1: {  	v3 =	vadd.s32 v17, v34;
	v6 =	vand.u32 $0x7F, v6;
	v4 =	vand.u32 $0xFFFFFF00, v4  }
0x2a2: {  	v4 =	vor.u32 v6, v4;
	v6 =	vshll.u32 v3, $0x1  }
0x2a3: {  	v3 =	vand.u32 $0x7F, v3;
	v6 =	vand.u32 $0xFFFFFF00, v6  }
0x2a4: {  	v3 =	vor.u32 v3, v6;
	v6 =	vld [tilespmem:$0x1FE50]  }
0x2a5: {  	v8 =	vshll.u32 v1, $0x1  }
0x2a6: {  	v1 =	vand.u32 $0x7F, v1;
	v8 =	vand.u32 $0xFFFFFF00, v8;
	v5 =	vld.idx.msk [tilespmem:v5+s14+$0x0], $0xffff  }
0x2a7: {  	v1 =	vor.u32 v1, v8  }
0x2a8: {  	[tilespmem:$0x1FB80] =	vst v1;
	v1 =	vshll.u32 v0, $0x1  }
0x2a9: {  	v27 =	vld [tilespmem:$0x1FF30];
	v0 =	vand.u32 $0x7F, v0;
	v1 =	vand.u32 $0xFFFFFF00, v1;
	v6 =	vor.u32 v6, v42  }
0x2aa: {  	v50 =	vor.u32 v0, v1;
	v1 =	vadd.s32 v28, v34  }
0x2ab: {  	v11 =	vshll.u32 v1, $0x1;
	[tilespmem:v3+s18+$0x0] =	vst.idx.msk $0xffff, v5  }
0x2ac: {  	v3 =	vand.u32 $0xFFFFFF00, v11;
	v11 =	vld [tilespmem:$0x1FF20]  }
0x2ad: {  	v1 =	vand.u32 $0x7F, v1;
	v35 =	vld [tilespmem:$0x1FF00]  }
0x2ae: {  	v8 =	vadd.s32 v27, v30;
	v1 =	vor.u32 v1, v3;
	v6 =	vld.idx.msk [tilespmem:v6+s14+$0x0], $0xffff  }
0x2af: {  	v0 =	vshll.u32 v8, $0x1;
	v47 =	vld [tilespmem:$0x1FE60]  }
0x2b0: {  	v8 =	vand.u32 $0x7F, v8;
	v0 =	vand.u32 $0xFFFFFF00, v0  }
0x2b1: {  	v13 =	vor.u32 v18, v31;
	v5 =	vor.u32 v8, v0;
	v0 =	vadd.s32 v61, v33  }
0x2b2: {  	v8 =	vshll.u32 v0, $0x1;
	[tilespmem:$0x1FB20] =	vst v13;
	v11 =	vor.u32 v11, v42  }
0x2b3: {  	v23 =	vld [tilespmem:$0x1FF10];
	v0 =	vand.u32 $0x7F, v0;
	v8 =	vand.u32 $0xFFFFFF00, v8;
	[tilespmem:v1+s18+$0x0] =	vst.idx.msk $0xffff, v6  }
0x2b4: {  	v48 =	vor.u32 v0, v8;
	v12 =	vadd.s32 v35, v30;
	v8 =	vadd.s32 v47, v34;
	v20 =	vld [tilespmem:$0x1FEC0]  }
0x2b5: {  	v0 =	vshll.u32 v12, $0x1;
	v12 =	vand.u32 $0x7F, v12;
	v57 =	vshll.u32 v8, $0x1;
	v46 =	vld [tilespmem:$0x1FE80]  }
0x2b6: {  	v0 =	vand.u32 $0xFFFFFF00, v0;
	v1 =	vand.u32 $0x7F, v8;
	v6 =	vand.u32 $0xFFFFFF00, v57  }
0x2b7: {  	v51 =	vor.u32 v45, v31;
	v12 =	vor.u32 v12, v0;
	v0 =	vld.idx.msk [tilespmem:v11+s14+$0x0], $0xffff;
	v1 =	vor.u32 v1, v6  }
0x2b8: {  	v9 =	vor.u32 v25, v32;
	v8 =	vadd.s32 v54, v33;
	v11 =	vadd.s32 v56, v33  }
0x2b9: {  	v6 =	vadd.s32 v40, v33;
	v33 =	vld [tilespmem:$0x1FE70];
	v15 =	vshll.u32 v11, $0x1;
	v11 =	vand.u32 $0x7F, v11  }
0x2ba: {  	v15 =	vand.u32 $0xFFFFFF00, v15;
	v39 =	vadd.s32 v20, v30;
	v44 =	vadd.s32 v46, v34  }
0x2bb: {  	v21 =	vmovc v25;
	v25 =	vmovc v45;
	v45 =	vor.u32 v11, v15;
	v11 =	vshll.u32 v39, $0x1;
	v15 =	vshll.u32 v44, $0x1  }
0x2bc: {  	v22 =	vld [tilespmem:$0x1FEF0];
	[tilespmem:v1+s18+$0x0] =	vst.idx.msk $0xffff, v0;
	v0 =	vand.u32 $0x7F, v44;
	v1 =	vand.u32 $0xFFFFFF00, v15;
	v15 =	vor.u32 v63, v31  }
0x2bd: {  	v2 =	vld.idx.msk [tilespmem:v2+s14+$0x0], $0xffff;
	[tilespmem:$0x1FB30] =	vst v15;
	v15 =	vand.u32 $0x7F, v39;
	v1 =	vor.u32 v0, v1;
	v0 =	vand.u32 $0xFFFFFF00, v11  }
0x2be: {  	v13 =	vor.u32 v33, v42;
	v15 =	vor.u32 v15, v0;
	v0 =	vld [tilespmem:$0x1FEB0];
	_ =	sdelay $0x3  }
0x2bf: {  	v19 =	vmov v17;
	v44 =	vor.u32 v21, v42  }
0x2c0: {  	v17 =	vmovc v18;
	v21 =	vmovc v54;
	v13 =	vld.idx.msk [tilespmem:v13+s14+$0x0], $0xffff;
	v54 =	vor.u32 v0, v32;
	v18 =	vmov v0;
	v0 =	vshll.u32 v6, $0x1  }
0x2c1: {  	[tilespmem:v7+s18+$0x0] =	vst.idx.msk $0xffff, v2;
	v2 =	vand.u32 $0x7F, v6;
	v0 =	vand.u32 $0xFFFFFF00, v0  }
0x2c2: {  	v11 =	vadd.s32 v59, v30;
	v0 =	vor.u32 v2, v0  }
0x2c3: {  	v7 =	vld.idx.msk [tilespmem:v9+s14+$0x0], $0xffff;
	v9 =	vshll.u32 v11, $0x1;
	v6 =	vadd.s32 v26, v34;
	[tilespmem:$0x1FB50] =	vst v0;
	v0 =	vor.u32 v24, v31  }
0x2c4: {  	v10 =	vor.u32 v62, v32;
	v9 =	vand.u32 $0xFFFFFF00, v9;
	v2 =	vshll.u32 v6, $0x1;
	[tilespmem:$0x1FB70] =	vst v0  }
0x2c5: {  	v2 =	vand.u32 $0xFFFFFF00, v2;
	[tilespmem:v1+s18+$0x0] =	vst.idx.msk $0xffff, v13;
	v1 =	vand.u32 $0x7F, v6;
	v6 =	vand.u32 $0x7F, v11  }
0x2c6: {  	v11 =	vld.idx.msk [tilespmem:v44+s14+$0x0], $0xffff;
	v1 =	vor.u32 v1, v2;
	v9 =	vor.u32 v6, v9;
	v2 =	vshll.u32 v8, $0x1  }
0x2c7: {  	v6 =	vor.u32 v62, v42;
	v8 =	vand.u32 $0x7F, v8;
	v2 =	vand.u32 $0xFFFFFF00, v2  }
0x2c8: {  	[tilespmem:v4+s18+$0x0] =	vst.idx.msk $0xffff, v7;
	v0 =	vor.u32 v8, v2  }
0x2c9: {  	v53 =	vadd.s32 v58, v30;
	v4 =	vadd.s32 v27, v34;
	[tilespmem:$0x1FB90] =	vst v0  }
0x2ca: {  	v2 =	vshll.u32 v53, $0x1;
	v8 =	vand.u32 $0x7F, v53;
	v7 =	vld.idx.msk [tilespmem:v10+s14+$0x0], $0xffff;
	v10 =	vshll.u32 v4, $0x1  }
0x2cb: {  	v2 =	vand.u32 $0xFFFFFF00, v2;
	[tilespmem:v1+s18+$0x0] =	vst.idx.msk $0xffff, v11;
	v1 =	vand.u32 $0x7F, v4;
	v4 =	vand.u32 $0xFFFFFF00, v10  }
0x2cc: {  	v3 =	vor.u32 v23, v32;
	v8 =	vor.u32 v8, v2;
	v2 =	vld.idx.msk [tilespmem:v6+s14+$0x0], $0xffff;
	v1 =	vor.u32 v1, v4  }
0x2cd: {  	v10 =	vadd.s32 v61, v30;
	v6 =	vor.u32 v23, v42  }
0x2ce: {  	v49 =	vor.u32 v60, v31;
	v4 =	vshll.u32 v10, $0x1  }
0x2cf: {  	v31 =	vadd.s32 v35, v34;
	v10 =	vand.u32 $0x7F, v10;
	v4 =	vand.u32 $0xFFFFFF00, v4  }
0x2d0: {  	v10 =	vor.u32 v10, v4;
	v4 =	vshll.u32 v31, $0x1;
	[tilespmem:v5+s18+$0x0] =	vst.idx.msk $0xffff, v7  }
0x2d1: {  	v5 =	vand.u32 $0x7F, v31;
	v4 =	vand.u32 $0xFFFFFF00, v4;
	v3 =	vld.idx.msk [tilespmem:v3+s14+$0x0], $0xffff;
	[tilespmem:v1+s18+$0x0] =	vst.idx.msk $0xffff, v2  }
0x2d2: {  	v57 =	vadd.s32 v56, v30;
	v14 =	vor.u32 v22, v32;
	v1 =	vor.u32 v5, v4;
	v6 =	vld.idx.msk [tilespmem:v6+s14+$0x0], $0xffff  }
0x2d3: {  	v33 =	vor.u32 v22, v42;
	v13 =	vor.u32 v25, v32;
	v11 =	vor.u32 v60, v32  }
0x2d4: {  	v31 =	vadd.s32 v21, v30;
	v4 =	vadd.s32 v40, v30;
	v30 =	vadd.s32 v20, v34  }
0x2d5: {  	v7 =	vor.u32 v17, v32;
	v2 =	vshll.u32 v57, $0x1;
	v55 =	vshll.u32 v30, $0x1  }
0x2d6: {  	v44 =	vmovc v40;
	v30 =	vand.u32 $0x7F, v30;
	v39 =	vshll.u32 v4, $0x1;
	[tilespmem:v12+s18+$0x0] =	vst.idx.msk $0xffff, v3;
	v3 =	vand.u32 $0xFFFFFF00, v55  }
0x2d7: {  	v4 =	vand.u32 $0x7F, v4;
	v14 =	vld.idx.msk [tilespmem:v14+s14+$0x0], $0xffff;
	v3 =	vor.u32 v30, v3;
	v30 =	vand.u32 $0xFFFFFF00, v39;
	[tilespmem:v1+s18+$0x0] =	vst.idx.msk $0xffff, v6  }
0x2d8: {  	v5 =	vand.u32 $0x7F, v57;
	v40 =	vmovc v56;
	v56 =	vadd.s32 v58, v34;
	v6 =	vor.u32 v4, v30;
	v30 =	vld.idx.msk [tilespmem:v33+s14+$0x0], $0xffff  }
0x2d9: {  	v57 =	vadd.s32 v59, v34;
	v2 =	vand.u32 $0xFFFFFF00, v2;
	v55 =	vor.u32 v18, v42  }
0x2da: {  	v5 =	vor.u32 v5, v2;
	v2 =	vor.u32 v63, v32;
	v1 =	vshll.u32 v57, $0x1  }
0x2db: {  	[tilespmem:v29+s18+$0x0] =	vst.idx.msk $0xffff, v41;
	v12 =	vand.u32 $0x7F, v57;
	v33 =	vor.u32 v24, v32;
	v1 =	vand.u32 $0xFFFFFF00, v1  }
0x2dc: {  	v53 =	vshll.u32 v56, $0x1;
	v32 =	vld.idx.msk [tilespmem:v43+s14+$0x0], $0xffff;
	v12 =	vor.u32 v12, v1;
	v1 =	vshll.u32 v31, $0x1;
	[tilespmem:v15+s18+$0x0] =	vst.idx.msk $0xffff, v14  }
0x2dd: {  	v57 =	vand.u32 $0x7F, v56;
	v31 =	vand.u32 $0x7F, v31;
	v1 =	vand.u32 $0xFFFFFF00, v1;
	v43 =	vld.idx.msk [tilespmem:v54+s14+$0x0], $0xffff;
	[tilespmem:v3+s18+$0x0] =	vst.idx.msk $0xffff, v30  }
0x2de: {  	v15 =	vand.u32 $0xFFFFFF00, v53;
	v53 =	vadd.s32 v61, v34;
	v1 =	vor.u32 v31, v1;
	v31 =	vld.idx.msk [tilespmem:v55+s14+$0x0], $0xffff  }
0x2df: {  	v14 =	vor.u32 v57, v15;
	v15 =	vshll.u32 v53, $0x1  }
0x2e0: {  	v30 =	vand.u32 $0x7F, v53;
	v15 =	vand.u32 $0xFFFFFF00, v15  }
0x2e1: {  	[tilespmem:v52+s18+$0x0] =	vst.idx.msk $0xffff, v32;
	v32 =	vadd.s32 v21, v34;
	v15 =	vor.u32 v30, v15  }
0x2e2: {  	v30 =	vadd.s32 v40, v34;
	v34 =	vadd.s32 v44, v34;
	[tilespmem:v9+s18+$0x0] =	vst.idx.msk $0xffff, v43  }
0x2e3: {  	v51 =	vld.idx.msk [tilespmem:v51+s14+$0x0], $0xffff;
	v57 =	vshll.u32 v34, $0x1;
	[tilespmem:v12+s18+$0x0] =	vst.idx.msk $0xffff, v31  }
0x2e4: {  	v29 =	vor.u32 v25, v42;
	v54 =	vand.u32 $0xFFFFFF00, v57;
	v57 =	vld [tilespmem:$0x1FE40]  }
0x2e5: {  	v56 =	vshll.u32 v30, $0x1  }
0x2e6: {  	v30 =	vand.u32 $0x7F, v30;
	v52 =	vand.u32 $0xFFFFFF00, v56  }
0x2e7: {  	v39 =	vor.u32 v30, v52;
	v30 =	vand.u32 $0x7F, v34  }
0x2e8: {  	v13 =	vld.idx.msk [tilespmem:v13+s14+$0x0], $0xffff;
	v34 =	vor.u32 v30, v54;
	v30 =	vadd.s32 s29, v16  }
0x2e9: {  	vm0 =	vgt.u32 v30, $0x2F;
	v29 =	vld.idx.msk [tilespmem:v29+s14+$0x0], $0xffff;
	[tilespmem:v50+s18+$0x0] =	vst.idx.msk $0xffff, v51;
	v31 =	vadd.s32 s29, v57  }
0x2ea: {  	v52 =	vsel vm0, v31, v30;
	v31 =	vld.idx.msk [tilespmem:v49+s14+$0x0], $0xffff;
	_ =	sdelay $0x2  }
0x2eb: {  	[tilespmem:v8+s18+$0x0] =	vst.idx.msk $0xffff, v13  }
0x2ec: {  	[tilespmem:v14+s18+$0x0] =	vst.idx.msk $0xffff, v29  }
0x2ed: {  	v0 =	vmov v27;
	[tilespmem:v48+s18+$0x0] =	vst.idx.msk $0xffff, v31  }
0x2ee: {  	v4 =	vmov v0;
	v14 =	vadd.s32 v0, v52;
	v0 =	vld [tilespmem:$0x1FB20]  }
0x2ef: {  	v3 =	vor.u32 v60, v42;
	_ =	sdelay $0x3  }
0x2f0: {  	v11 =	vld.idx.msk [tilespmem:v11+s14+$0x0], $0xffff  }
0x2f1: {  	v3 =	vld.idx.msk [tilespmem:v3+s14+$0x0], $0xffff;
	_ =	sdelay $0x1  }
0x2f2: {  	v18 =	vmov v47;
	v55 =	vshll.u32 v32, $0x1;
	v50 =	vadd.s32 v47, v52;
	v47 =	vld.idx.msk [tilespmem:v0+s14+$0x0], $0xffff  }
0x2f3: {  	v12 =	vand.u32 $0xFFFFFF00, v55  }
0x2f4: {  	v27 =	vmov v21;
	v21 =	vld [tilespmem:$0x1FE30];
	[tilespmem:v10+s18+$0x0] =	vst.idx.msk $0xffff, v11  }
0x2f5: {  	v41 =	vor.u32 v17, v42;
	v32 =	vand.u32 $0x7F, v32;
	[tilespmem:v15+s18+$0x0] =	vst.idx.msk $0xffff, v3  }
0x2f6: {  	v22 =	vor.u32 v32, v12;
	v12 =	vmov v20;
	v8 =	vadd.s32 v20, v52;
	v20 =	vld [tilespmem:$0x1FE50];
	[tilespmem:v37+s18+$0x0] =	vst.idx.msk $0xffff, v36  }
0x2f7: {  	v32 =	vadd.s32 v19, v52;
	[tilespmem:v45+s18+$0x0] =	vst.idx.msk $0xffff, v47  }
0x2f8: {  	v17 =	vmovc v28;
	v49 =	vadd.s32 v28, v52;
	v28 =	vmovc v46;
	v46 =	vadd.s32 v46, v52;
	v13 =	vshll.u32 v32, $0x1;
	v0 =	vld [tilespmem:$0x1FB30]  }
0x2f9: {  	v32 =	vand.u32 $0x7F, v32;
	v13 =	vand.u32 $0xFFFFFF00, v13;
	v11 =	vshll.u32 v46, $0x1  }
0x2fa: {  	v10 =	vor.u32 v13, v32;
	v13 =	vand.u32 $0x7F, v46;
	v7 =	vld.idx.msk [tilespmem:v7+s14+$0x0], $0xffff;
	v11 =	vand.u32 $0xFFFFFF00, v11  }
0x2fb: {  	v3 =	vor.u32 v11, v13;
	v11 =	vld.idx.msk [tilespmem:v41+s14+$0x0], $0xffff;
	_ =	sdelay $0x3  }
0x2fc: {  	v55 =	vshll.u32 v50, $0x1;
	[tilespmem:v5+s18+$0x0] =	vst.idx.msk $0xffff, v7  }
0x2fd: {  	v23 =	vmov v35;
	v36 =	vand.u32 $0xFFFFFF00, v55;
	v55 =	vadd.s32 v35, v52;
	[tilespmem:v39+s18+$0x0] =	vst.idx.msk $0xffff, v11;
	v35 =	vld.idx.msk [tilespmem:v0+s14+$0x0], $0xffff  }
0x2fe: {  	v0 =	vld [tilespmem:$0x1FB40];
	_ =	sdelay $0x2  }
0x2ff: {  	v43 =	vor.u32 v63, v42;
	v30 =	vshll.u32 v52, $0x9;
	v56 =	vshll.u32 v52, $0x8;
	v37 =	vld.idx.msk [tilespmem:v38+s14+$0x0], $0xffff  }
0x300: {  	v30 =	vand.u32 $0xFFFFF800, v30;
	v29 =	vand.u32 $0x300, v56;
	v54 =	vshll.u32 v49, $0x1  }
0x301: {  	v49 =	vand.u32 $0x7F, v49;
	v30 =	vor.u32 v30, v29;
	v46 =	vand.u32 $0xFFFFFF00, v54  }
0x302: {  	v29 =	vor.u32 $0x80, v30;
	v32 =	vor.u32 v46, v49;
	v49 =	vshll.u32 v55, $0x1  }
0x303: {  	v41 =	vand.u32 $0x7F, v50;
	v5 =	vand.u32 $0x7F, v55;
	v7 =	vand.u32 $0xFFFFFF00, v49;
	v50 =	vld.idx.msk [tilespmem:v2+s14+$0x0], $0xffff  }
0x304: {  	v55 =	vor.u32 v7, v5;
	v7 =	vld.idx.msk [tilespmem:v43+s14+$0x0], $0xffff;
	[tilespmem:v0+s18+$0x0] =	vst.idx.msk $0xffff, v37;
	v0 =	vor.u32 v25, v29  }
0x305: {  	[tilespmem:$0x1FC10] =	vst v0;
	v0 =	vld [tilespmem:$0x1FB50];
	_ =	sdelay $0x3  }
0x306: {  	v51 =	vshll.u32 v8, $0x1  }
0x307: {  	v2 =	vand.u32 $0x7F, v8;
	v5 =	vand.u32 $0xFFFFFF00, v51  }
0x308: {  	v53 =	vadd.s32 v26, v52;
	v5 =	vor.u32 v5, v2;
	v2 =	vadd.s32 v59, v52  }
0x309: {  	v31 =	vshll.u32 v53, $0x1;
	v13 =	vand.u32 $0x7F, v53;
	v53 =	vshll.u32 v2, $0x1  }
0x30a: {  	[tilespmem:v0+s18+$0x0] =	vst.idx.msk $0xffff, v35;
	v0 =	vand.u32 $0x7F, v2;
	v2 =	vand.u32 $0xFFFFFF00, v53  }
0x30b: {  	v0 =	vor.u32 v2, v0;
	v2 =	vld [tilespmem:$0x1FB60];
	_ =	sdelay $0x5  }
0x30c: {  	v15 =	vand.u32 $0xFFFFFF00, v31;
	v31 =	vshll.u32 v14, $0x1  }
0x30d: {  	v9 =	vmov v26;
	v14 =	vand.u32 $0x7F, v14;
	v54 =	vand.u32 $0xFFFFFF00, v31;
	v26 =	vld [tilespmem:$0x1FF20];
	[tilespmem:$0x1FBC0] =	vst v0  }
0x30e: {  	v14 =	vor.u32 v54, v14;
	[tilespmem:v6+s18+$0x0] =	vst.idx.msk $0xffff, v50;
	v54 =	vld.idx.msk [tilespmem:v2+s14+$0x0], $0xffff  }
0x30f: {  	v2 =	vld [tilespmem:$0x1FB70];
	_ =	sdelay $0x4  }
0x310: {  	v11 =	vadd.s32 v58, v52  }
0x311: {  	v6 =	vshll.u32 v11, $0x1  }
0x312: {  	v11 =	vand.u32 $0x7F, v11;
	v6 =	vand.u32 $0xFFFFFF00, v6;
	v46 =	vld.idx.msk [tilespmem:v33+s14+$0x0], $0xffff  }
0x313: {  	[tilespmem:v34+s18+$0x0] =	vst.idx.msk $0xffff, v7;
	v45 =	vld.idx.msk [tilespmem:v2+s14+$0x0], $0xffff;
	v2 =	vor.u32 v6, v11  }
0x314: {  	[tilespmem:$0x1FBD0] =	vst v2;
	v2 =	vld [tilespmem:$0x1FB80]  }
0x315: {  	v0 =	vadd.s32 v61, v52  }
0x316: {  	v43 =	vshll.u32 v0, $0x1  }
0x317: {  	v42 =	vor.u32 v24, v42;
	v0 =	vand.u32 $0x7F, v0;
	v7 =	vand.u32 $0xFFFFFF00, v43  }
0x318: {  	v0 =	vor.u32 v7, v0  }
0x319: {  	[tilespmem:$0x1FBA0] =	vst v0;
	v0 =	vadd.s32 v40, v52  }
0x31a: {  	v47 =	vshll.u32 v0, $0x1  }
0x31b: {  	v0 =	vand.u32 $0x7F, v0;
	v35 =	vand.u32 $0xFFFFFF00, v47  }
0x31c: {  	v6 =	vld.idx.msk [tilespmem:v42+s14+$0x0], $0xffff;
	v0 =	vor.u32 v35, v0;
	[tilespmem:v2+s18+$0x0] =	vst.idx.msk $0xffff, v54  }
0x31d: {  	[tilespmem:$0x1FC00] =	vst v0;
	v0 =	vld [tilespmem:$0x1FB90];
	_ =	sdelay $0x6  }
0x31e: {  	v50 =	vadd.s32 v27, v52;
	v2 =	vld [tilespmem:$0x1FE70];
	[tilespmem:v1+s18+$0x0] =	vst.idx.msk $0xffff, v46  }
0x31f: {  	v48 =	vor.u32 v21, v30;
	[tilespmem:v0+s18+$0x0] =	vst.idx.msk $0xffff, v45;
	v0 =	vand.u32 $0x7F, v50  }
0x320: {  	v10 =	vor.u32 $0x80, v10;
	v36 =	vor.u32 v36, v41;
	[tilespmem:$0x1FBB0] =	vst v0  }
0x321: {  	v36 =	vor.u32 $0x80, v36;
	v56 =	vor.u32 v20, v29;
	v8 =	vor.u32 v15, v13;
	[tilespmem:v22+s18+$0x0] =	vst.idx.msk $0xffff, v6  }
0x322: {  	v15 =	vor.u32 $0x80, v32;
	v13 =	vor.u32 v26, v29;
	v11 =	vadd.s32 v44, v52;
	v54 =	vld [tilespmem:$0x1FF10]  }
0x323: {  	v49 =	vshll.u32 v11, $0x1;
	v11 =	vand.u32 $0x7F, v11;
	v1 =	vadd.s32 s28, v16  }
0x324: {  	v32 =	vand.u32 $0xFFFFFF00, v49;
	vm14 =	vgt.u32 v1, $0x2F;
	v6 =	vadd.s32 s28, v57;
	v51 =	vld.idx.msk [tilespmem:v48+s14+$0x0], $0xffff  }
0x325: {  	v39 =	vor.u32 v32, v11;
	v11 =	vshll.u32 v50, $0x1;
	v41 =	vsel vm14, v6, v1  }
0x326: {  	v7 =	vor.u32 v2, v29;
	v45 =	vor.u32 $0x80, v8;
	v1 =	vshll.u32 v41, $0x9  }
0x327: {  	v6 =	vadd.s32 v19, v41;
	v8 =	vadd.s32 v17, v41;
	v0 =	vor.u32 v54, v29  }
0x328: {  	v35 =	vadd.s32 v12, v41;
	v42 =	vadd.s32 v18, v41;
	v53 =	vshll.u32 v41, $0x8;
	[tilespmem:$0x1FBE0] =	vst v0  }
0x329: {  	v22 =	vld [tilespmem:$0x1FE90];
	v33 =	vadd.s32 v4, v41;
	v48 =	vadd.s32 v9, v41;
	v1 =	vand.u32 $0xFFFFF800, v1;
	[tilespmem:v10+s18+$0x0] =	vst.idx.msk $0xffff, v51  }
0x32a: {  	v38 =	vmovc v57;
	v52 =	vshll.u32 v6, $0x1;
	v46 =	vshll.u32 v35, $0x1;
	v57 =	vand.u32 $0x300, v53;
	v47 =	vld.idx.msk [tilespmem:v56+s14+$0x0], $0xffff  }
0x32b: {  	v6 =	vand.u32 $0x7F, v6;
	v12 =	vshll.u32 v8, $0x1;
	v8 =	vand.u32 $0x7F, v8  }
0x32c: {  	v1 =	vor.u32 v1, v57;
	v57 =	vshll.u32 v48, $0x1;
	v49 =	vand.u32 $0xFFFFFF00, v12  }
0x32d: {  	v12 =	vadd.s32 v23, v41;
	v34 =	vor.u32 $0x80, v1;
	v56 =	vadd.s32 v28, v41  }
0x32e: {  	v50 =	vor.u32 v20, v34;
	v10 =	vand.u32 $0xFFFFFF00, v52;
	v52 =	vshll.u32 v56, $0x1  }
0x32f: {  	v6 =	vor.u32 v10, v6;
	v10 =	vand.u32 $0x7F, v56;
	[tilespmem:v15+s18+$0x0] =	vst.idx.msk $0xffff, v47;
	v15 =	vand.u32 $0xFFFFFF00, v52  }
0x330: {  	v51 =	vor.u32 v21, v1;
	v1 =	vshll.u32 v42, $0x1;
	v13 =	vld.idx.msk [tilespmem:v13+s14+$0x0], $0xffff;
	v10 =	vor.u32 v15, v10  }
0x331: {  	v53 =	vand.u32 $0xFFFFFF00, v1;
	v4 =	vor.u32 $0x80, v10;
	v10 =	vshll.u32 v33, $0x1  }
0x332: {  	v1 =	vand.u32 $0x7F, v33;
	v20 =	vor.u32 $0x80, v6;
	v10 =	vand.u32 $0xFFFFFF00, v10  }
0x333: {  	v6 =	vand.u32 $0x7F, v12;
	v10 =	vor.u32 v10, v1;
	v1 =	vshll.u32 v12, $0x1  }
0x334: {  	v56 =	vand.u32 $0xFFFFFF00, v46;
	v15 =	vand.u32 $0x7F, v48;
	[tilespmem:$0x1FBF0] =	vst v4;
	v1 =	vand.u32 $0xFFFFFF00, v1  }
0x335: {  	v48 =	vor.u32 v49, v8;
	v49 =	vand.u32 $0x7F, v35;
	[tilespmem:v36+s18+$0x0] =	vst.idx.msk $0xffff, v13;
	v1 =	vor.u32 v1, v6  }
0x336: {  	v36 =	vld.idx.msk [tilespmem:v7+s14+$0x0], $0xffff;
	[tilespmem:$0x1FC20] =	vst v1;
	v1 =	vor.u32 v56, v49  }
0x337: {  	v3 =	vor.u32 $0x80, v3;
	[tilespmem:$0x1FC30] =	vst v1;
	v1 =	vadd.s32 v59, v41  }
0x338: {  	v37 =	vor.u32 v22, v29;
	v9 =	vshll.u32 v1, $0x1  }
0x339: {  	v1 =	vand.u32 $0x7F, v1;
	v9 =	vand.u32 $0xFFFFFF00, v9  }
0x33a: {  	v1 =	vor.u32 v9, v1  }
0x33b: {  	v43 =	vor.u32 v62, v29;
	v57 =	vand.u32 $0xFFFFFF00, v57;
	[tilespmem:$0x1FC90] =	vst v1  }
0x33c: {  	v15 =	vor.u32 v57, v15;
	v57 =	vadd.s32 v58, v41;
	v7 =	vld [tilespmem:$0x1FEF0];
	[tilespmem:v3+s18+$0x0] =	vst.idx.msk $0xffff, v36  }
0x33d: {  	v13 =	vand.u32 $0x7F, v57;
	v9 =	vadd.s32 v61, v41;
	v3 =	vshll.u32 v57, $0x1;
	v37 =	vld.idx.msk [tilespmem:v37+s14+$0x0], $0xffff  }
0x33e: {  	v12 =	vshll.u32 v9, $0x1;
	v9 =	vand.u32 $0x7F, v9;
	v3 =	vand.u32 $0xFFFFFF00, v3  }
0x33f: {  	v36 =	vand.u32 $0xFFFFFF00, v12;
	v1 =	vor.u32 v3, v13;
	v3 =	vadd.s32 v40, v41  }
0x340: {  	[tilespmem:$0x1FCA0] =	vst v1;
	v1 =	vor.u32 v36, v9;
	v36 =	vand.u32 $0x7F, v3;
	v3 =	vshll.u32 v3, $0x1  }
0x341: {  	v9 =	vadd.s32 v44, v41;
	[tilespmem:$0x1FC60] =	vst v1;
	v3 =	vand.u32 $0xFFFFFF00, v3  }
0x342: {  	v28 =	vld [tilespmem:$0x1FEB0];
	v36 =	vor.u32 v3, v36;
	v3 =	vshll.u32 v9, $0x1;
	[tilespmem:v45+s18+$0x0] =	vst.idx.msk $0xffff, v37;
	v37 =	vadd.s32 v27, v41  }
0x343: {  	v51 =	vld.idx.msk [tilespmem:v51+s14+$0x0], $0xffff;
	v9 =	vand.u32 $0x7F, v9;
	v3 =	vand.u32 $0xFFFFFF00, v3;
	v1 =	vand.u32 $0x7F, v37  }
0x344: {  	v56 =	vmov v44;
	v44 =	vld.idx.msk [tilespmem:v43+s14+$0x0], $0xffff;
	[tilespmem:$0x1FC40] =	vst v1;
	v1 =	vor.u32 v3, v9  }
0x345: {  	[tilespmem:$0x1FC70] =	vst v1;
	v1 =	vld [tilespmem:$0x1FBA0];
	_ =	sdelay $0x3  }
0x346: {  	v52 =	vand.u32 $0x7F, v42  }
0x347: {  	v6 =	vor.u32 $0x80, v5;
	v5 =	vor.u32 v53, v52;
	v53 =	vor.u32 $0x80, v1;
	v1 =	vld [tilespmem:$0x1FBB0];
	_ =	sdelay $0x3  }
0x348: {  	v45 =	vand.u32 $0xFFFFFF00, v11  }
0x349: {  	v1 =	vor.u32 v45, v1  }
0x34a: {  	[tilespmem:$0x1FC50] =	vst v1  }
0x34b: {  	[tilespmem:v20+s18+$0x0] =	vst.idx.msk $0xffff, v51  }
0x34c: {  	v1 =	vld [tilespmem:$0x1FBC0];
	_ =	sdelay $0x3  }
0x34d: {  	v20 =	vld [tilespmem:$0x1FFD0]  }
0x34e: {  	v57 =	vor.u32 $0x80, v5;
	v5 =	vmovc v58;
	v58 =	vor.u32 v2, v34;
	v2 =	vor.u32 $0x80, v1;
	v1 =	vld [tilespmem:$0x1FBD0];
	_ =	sdelay $0x1  }
0x34f: {  	v14 =	vor.u32 $0x80, v14;
	_ =	sdelay $0x2  }
0x350: {  	v11 =	vor.u32 $0x80, v1;
	v1 =	vor.u32 v20, v29  }
0x351: {  	[tilespmem:$0x1FC80] =	vst v1  }
0x352: {  	[tilespmem:v14+s18+$0x0] =	vst.idx.msk $0xffff, v44  }
0x353: {  	v1 =	vld [tilespmem:$0x1FBE0];
	_ =	sdelay $0x6  }
0x354: {  	v46 =	vor.u32 $0x80, v48;
	v12 =	vld.idx.msk [tilespmem:v50+s14+$0x0], $0xffff  }
0x355: {  	v4 =	vor.u32 $0x80, v55;
	v49 =	vshll.u32 v37, $0x1;
	v37 =	vor.u32 $0x80, v39;
	v39 =	vld.idx.msk [tilespmem:v1+s14+$0x0], $0xffff;
	_ =	sdelay $0x1  }
0x356: {  	v55 =	vor.u32 v26, v34;
	v50 =	vadd.s32 s26, v16  }
0x357: {  	v51 =	vadd.s32 s26, v38;
	vm15 =	vgt.u32 v50, $0x2F  }
0x358: {  	v47 =	vor.u32 v7, v29;
	v13 =	vsel vm15, v51, v50;
	v1 =	vld [tilespmem:$0x1FEC0];
	[tilespmem:v46+s18+$0x0] =	vst.idx.msk $0xffff, v12  }
0x359: {  	v41 =	vadd.s32 v19, v13;
	v19 =	vld [tilespmem:$0x1FF30];
	[tilespmem:v4+s18+$0x0] =	vst.idx.msk $0xffff, v39  }
0x35a: {  	v30 =	vor.u32 v24, v29;
	v32 =	vor.u32 v24, v34;
	v3 =	vmov v24;
	v24 =	vld [tilespmem:$0x1FE80]  }
0x35b: {  	v50 =	vld.idx.msk [tilespmem:v55+s14+$0x0], $0xffff;
	_ =	sdelay $0x1  }
0x35c: {  	v47 =	vld.idx.msk [tilespmem:v47+s14+$0x0], $0xffff  }
0x35d: {  	v0 =	vmov v18  }
0x35e: {  	v46 =	vadd.s32 v0, v13;
	v0 =	vadd.s32 v24, v13  }
0x35f: {  	v8 =	vmovc v23;
	v52 =	vor.u32 v28, v29;
	v23 =	vld [tilespmem:$0x1FEA0];
	[tilespmem:v57+s18+$0x0] =	vst.idx.msk $0xffff, v50;
	v50 =	vand.u32 $0x7F, v0;
	v0 =	vshll.u32 v0, $0x1  }
0x360: {  	v0 =	vand.u32 $0xFFFFFF00, v0  }
0x361: {  	[tilespmem:v6+s18+$0x0] =	vst.idx.msk $0xffff, v47;
	v0 =	vor.u32 v0, v50  }
0x362: {  	v50 =	vor.u32 $0x80, v0;
	v0 =	vld [tilespmem:$0x1FBF0];
	_ =	sdelay $0x1  }
0x363: {  	v47 =	vld.idx.msk [tilespmem:v52+s14+$0x0], $0xffff  }
0x364: {  	v57 =	vld.idx.msk [tilespmem:v58+s14+$0x0], $0xffff;
	_ =	sdelay $0x3  }
0x365: {  	v42 =	vmov v25;
	v35 =	vor.u32 v25, v34;
	v25 =	vld [tilespmem:$0x1FE50];
	[tilespmem:v2+s18+$0x0] =	vst.idx.msk $0xffff, v47  }
0x366: {  	[tilespmem:v0+s18+$0x0] =	vst.idx.msk $0xffff, v57  }
0x367: {  	v0 =	vld [tilespmem:$0x1FC00]  }
0x368: {  	v31 =	vor.u32 v63, v29;
	v33 =	vor.u32 v63, v34  }
0x369: {  	v43 =	vor.u32 v22, v34;
	v22 =	vor.u32 v54, v34;
	v29 =	vor.u32 v60, v29  }
0x36a: {  	v14 =	vor.u32 v62, v34;
	v60 =	vshll.u32 v13, $0x9;
	v38 =	vshll.u32 v13, $0x8  }
0x36b: {  	v44 =	vand.u32 $0xFFFFF800, v60;
	v62 =	vshll.u32 v41, $0x1;
	v51 =	vadd.s32 v1, v13  }
0x36c: {  	v48 =	vmovc v26;
	v26 =	vshll.u32 v51, $0x1;
	v57 =	vand.u32 $0x7F, v51;
	v51 =	vor.u32 $0x80, v0;
	v0 =	vld [tilespmem:$0x1FC10]  }
0x36d: {  	v41 =	vand.u32 $0x7F, v41;
	v12 =	vand.u32 $0xFFFFFF00, v62;
	v62 =	vand.u32 $0x300, v38  }
0x36e: {  	v38 =	vor.u32 v44, v62;
	v62 =	vshll.u32 v46, $0x1;
	v12 =	vor.u32 v12, v41  }
0x36f: {  	v39 =	vor.u32 $0x80, v38;
	v4 =	vor.u32 v21, v38;
	v60 =	vadd.s32 v19, v13  }
0x370: {  	v38 =	vor.u32 v3, v39;
	v3 =	vand.u32 $0xFFFFFF00, v62;
	v62 =	vadd.s32 v8, v13  }
0x371: {  	v41 =	vor.u32 v63, v39;
	v58 =	vshll.u32 v60, $0x1;
	v55 =	vadd.s32 v23, v13  }
0x372: {  	v63 =	vshll.u32 v62, $0x1;
	v54 =	vshll.u32 v55, $0x1;
	v55 =	vand.u32 $0x7F, v55  }
0x373: {  	v1 =	vmovc v61;
	v61 =	vand.u32 $0xFFFFFF00, v54;
	v54 =	vand.u32 $0x7F, v60;
	v60 =	vand.u32 $0xFFFFFF00, v58  }
0x374: {  	v58 =	vor.u32 v60, v54;
	v54 =	vand.u32 $0x7F, v62;
	v62 =	vor.u32 v61, v55;
	v61 =	vld.idx.msk [tilespmem:v0+s14+$0x0], $0xffff  }
0x375: {  	v0 =	vld [tilespmem:$0x1FC20]  }
0x376: {  	v18 =	vmov v27;
	v15 =	vor.u32 $0x80, v15;
	v45 =	vadd.s32 v17, v13;
	v43 =	vld.idx.msk [tilespmem:v43+s14+$0x0], $0xffff  }
0x377: {  	v44 =	vshll.u32 v45, $0x1  }
0x378: {  	v45 =	vand.u32 $0x7F, v45;
	v44 =	vand.u32 $0xFFFFFF00, v44  }
0x379: {  	v9 =	vmovc v18;
	v18 =	vmovc v8;
	v8 =	vor.u32 $0x80, v12;
	v52 =	vor.u32 v44, v45;
	v44 =	vor.u32 v42, v39  }
0x37a: {  	v42 =	vadd.s32 v5, v13;
	v5 =	vor.u32 $0x80, v0;
	v0 =	vor.u32 $0x80, v52;
	v52 =	vld.idx.msk [tilespmem:v4+s14+$0x0], $0xffff  }
0x37b: {  	[tilespmem:v15+s18+$0x0] =	vst.idx.msk $0xffff, v43  }
0x37c: {  	v10 =	vor.u32 $0x80, v10;
	v21 =	vor.u32 v25, v39;
	v14 =	vld.idx.msk [tilespmem:v14+s14+$0x0], $0xffff  }
0x37d: {  	v12 =	vand.u32 $0xFFFFFF00, v63;
	v63 =	vadd.s32 v59, v13  }
0x37e: {  	v6 =	vshll.u32 v63, $0x1;
	[tilespmem:v11+s18+$0x0] =	vst.idx.msk $0xffff, v61  }
0x37f: {  	v6 =	vand.u32 $0xFFFFFF00, v6;
	v47 =	vor.u32 v12, v54;
	v15 =	vand.u32 $0x7F, v63;
	v12 =	vld.idx.msk [tilespmem:v29+s14+$0x0], $0xffff;
	[tilespmem:v8+s18+$0x0] =	vst.idx.msk $0xffff, v52  }
0x380: {  	v17 =	vand.u32 $0x7F, v46;
	v46 =	vor.u32 v6, v15;
	v15 =	vadd.s32 v1, v13;
	v1 =	vld [tilespmem:$0x1FC30]  }
0x381: {  	[tilespmem:v10+s18+$0x0] =	vst.idx.msk $0xffff, v14;
	v10 =	vld.idx.msk [tilespmem:v21+s14+$0x0], $0xffff;
	_ =	sdelay $0x3  }
0x382: {  	v21 =	vld [tilespmem:$0x1FE70];
	[tilespmem:v53+s18+$0x0] =	vst.idx.msk $0xffff, v12  }
0x383: {  	v60 =	vor.u32 $0x80, v1;
	v1 =	vld [tilespmem:$0x1FC40];
	[tilespmem:v0+s18+$0x0] =	vst.idx.msk $0xffff, v10  }
0x384: {  	v0 =	vld [tilespmem:$0x1FC50];
	_ =	sdelay $0x4  }
0x385: {  	v59 =	vor.u32 v7, v34;
	v2 =	vand.u32 $0xFFFFFF00, v26;
	v53 =	vor.u32 $0x80, v0;
	v0 =	vld [tilespmem:$0x1FC60]  }
0x386: {  	v55 =	vand.u32 $0x7F, v42;
	v45 =	vor.u32 v2, v57;
	v6 =	vshll.u32 v42, $0x1  }
0x387: {  	v2 =	vor.u32 v48, v39;
	v6 =	vand.u32 $0xFFFFFF00, v6;
	v57 =	vshll.u32 v15, $0x1  }
0x388: {  	v27 =	vmovc v40;
	v61 =	vor.u32 v6, v55;
	v6 =	vand.u32 $0x7F, v15;
	v11 =	vand.u32 $0xFFFFFF00, v57;
	v14 =	vld.idx.msk [tilespmem:v22+s14+$0x0], $0xffff  }
0x389: {  	v43 =	vor.u32 v11, v6;
	v6 =	vadd.s32 v27, v13;
	v11 =	vadd.s32 v56, v13  }
0x38a: {  	v7 =	vmovc v48;
	v8 =	vand.u32 $0x7F, v6;
	v6 =	vshll.u32 v6, $0x1;
	v48 =	vor.u32 $0x80, v0;
	v0 =	vld [tilespmem:$0x1FC70]  }
0x38b: {  	v4 =	vand.u32 $0xFFFFFF00, v6;
	v6 =	vshll.u32 v11, $0x1  }
0x38c: {  	v52 =	vor.u32 v4, v8;
	v4 =	vand.u32 $0x7F, v11;
	v6 =	vand.u32 $0xFFFFFF00, v6  }
0x38d: {  	v57 =	vor.u32 v6, v4;
	v4 =	vand.u32 $0xFFFFFF00, v49;
	[tilespmem:v5+s18+$0x0] =	vst.idx.msk $0xffff, v14  }
0x38e: {  	v40 =	vor.u32 v4, v1;
	v1 =	vld [tilespmem:$0x1FC90]  }
0x38f: {  	v54 =	vor.u32 $0x80, v0;
	v0 =	vld [tilespmem:$0x1FC80];
	_ =	sdelay $0x3  }
0x390: {  	v49 =	vor.u32 v20, v34;
	v20 =	vld [tilespmem:$0x1FE40]  }
0x391: {  	v29 =	vor.u32 $0x80, v1;
	v1 =	vld [tilespmem:$0x1FCA0]  }
0x392: {  	v3 =	vor.u32 v3, v17;
	v17 =	vld [tilespmem:$0x1FE60]  }
0x393: {  	v27 =	vld [tilespmem:$0x1FE90]  }
0x394: {  	v8 =	vor.u32 $0x80, v3;
	v3 =	vadd.s32 v9, v13;
	v0 =	vld.idx.msk [tilespmem:v0+s14+$0x0], $0xffff  }
0x395: {  	v63 =	vor.u32 v28, v34;
	v56 =	vand.u32 $0x7F, v3;
	v26 =	vld [tilespmem:$0x1FF10]  }
0x396: {  	s26 =	simm.s32 $0x4;
	v28 =	vmovc v7;
	v42 =	vshll.u32 v3, $0x1;
	v6 =	vor.u32 v21, v39;
	v22 =	vld [tilespmem:$0x1FEF0];
	v55 =	vor.u32 $0x80, v1  }
.LBB2_9:
0x397: {  	v3 =	vadd.s32 s25, v16;
	v1 =	vld [tilespmem:$0x1FF40]  }
0x398: {  	v5 =	vadd.s32 s25, v20;
	v2 =	vld.idx.msk [tilespmem:v2+s14+$0x0], $0xffff;
	vm0 =	vgt.u32 v3, $0x2F  }
0x399: {  	[tilespmem:v51+s18+$0x0] =	vst.idx.msk $0xffff, v0;
	v0 =	vsel vm0, v5, v3;
	v3 =	vld [tilespmem:$0x1FFC0];
	_ =	sdelay $0x3  }
0x39a: {  	v9 =	vor.u32 v1, v34;
	v34 =	vmov v39  }
0x39b: {  	v11 =	vor.u32 v3, v34;
	v3 =	vld [tilespmem:$0x1FFF0];
	_ =	sdelay $0x4  }
0x39c: {  	v12 =	vld.idx.msk [tilespmem:v31+s14+$0x0], $0xffff;
	v13 =	vadd.s32 v3, v0;
	v3 =	vshll.u32 v0, $0x9  }
0x39d: {  	v39 =	vand.u32 $0xFFFFF800, v3;
	v3 =	vld [tilespmem:$0x1FFE0]  }
0x39e: {  	v16 =	vld [tilespmem:$0x1FEE0]  }
0x39f: {  	v15 =	vld.idx.msk [tilespmem:v59+s14+$0x0], $0xffff;
	[tilespmem:v8+s18+$0x0] =	vst.idx.msk $0xffff, v2  }
0x3a0: {  	v6 =	vld.idx.msk [tilespmem:v6+s14+$0x0], $0xffff  }
0x3a1: {  	[tilespmem:v37+s18+$0x0] =	vst.idx.msk $0xffff, v12;
	v37 =	vld [tilespmem:$0x1FE30]  }
0x3a2: {  	v4 =	vor.u32 $0x80, v58;
	v31 =	vmovc v33;
	v33 =	vmovc v41;
	v58 =	vshll.u32 v0, $0x8;
	v41 =	vadd.s32 v3, v0;
	v3 =	vld [tilespmem:$0x1FEC0]  }
0x3a3: {  	v1 =	vmov v61;
	v61 =	vadd.s32 v19, v0;
	v58 =	vand.u32 $0x300, v58  }
0x3a4: {  	v14 =	vor.u32 $0x80, v62;
	v10 =	vor.u32 v27, v34;
	[tilespmem:v60+s18+$0x0] =	vst.idx.msk $0xffff, v15;
	v2 =	vor.u32 v39, v58  }
0x3a5: {  	v15 =	vld.idx.msk [tilespmem:v30+s14+$0x0], $0xffff;
	v62 =	vshll.u32 v13, $0x1;
	v13 =	vand.u32 $0x7F, v13;
	v39 =	vor.u32 $0x80, v2  }
0x3a6: {  	v63 =	vld.idx.msk [tilespmem:v63+s14+$0x0], $0xffff;
	v2 =	vor.u32 v37, v2;
	v37 =	vadd.s32 v24, v0;
	v60 =	vor.u32 v16, v39  }
0x3a7: {  	v51 =	vadd.s32 v3, v0;
	v3 =	vmovc v56;
	v56 =	vand.u32 $0xFFFFFF00, v62;
	v62 =	vadd.s32 v23, v0  }
0x3a8: {  	v30 =	vmovc v32;
	v13 =	vor.u32 v56, v13;
	v56 =	vand.u32 $0x7F, v37;
	v37 =	vshll.u32 v37, $0x1  }
0x3a9: {  	v32 =	vmovc v38;
	[tilespmem:v50+s18+$0x0] =	vst.idx.msk $0xffff, v6;
	v38 =	vmovc v60;
	v59 =	vshll.u32 v51, $0x1;
	v58 =	vshll.u32 v62, $0x1;
	v60 =	vand.u32 $0xFFFFFF00, v37  }
0x3aa: {  	v10 =	vld.idx.msk [tilespmem:v10+s14+$0x0], $0xffff;
	[tilespmem:v53+s18+$0x0] =	vst.idx.msk $0xffff, v15;
	v16 =	vand.u32 $0xFFFFFF00, v58;
	v58 =	vshll.u32 v61, $0x1;
	v56 =	vor.u32 v60, v56  }
0x3ab: {  	[tilespmem:v29+s18+$0x0] =	vst.idx.msk $0xffff, v63;
	v15 =	vand.u32 $0xFFFFFF00, v58;
	v50 =	vor.u32 $0x80, v56;
	v56 =	vand.u32 $0x7F, v61  }
0x3ac: {  	v58 =	vor.u32 v15, v56;
	v56 =	vand.u32 $0x7F, v51;
	v51 =	vor.u32 $0x80, v36;
	v36 =	vmovc v52;
	v52 =	vld.idx.msk [tilespmem:v2+s14+$0x0], $0xffff  }
0x3ad: {  	v2 =	vld [tilespmem:$0x1FF60];
	_ =	sdelay $0x2  }
0x3ae: {  	v60 =	vand.u32 $0x7F, v62;
	v62 =	vld [tilespmem:$0x1FED0]  }
0x3af: {  	v5 =	vmov v57;
	v57 =	vadd.s32 v17, v0;
	v15 =	vld.idx.msk [tilespmem:v35+s14+$0x0], $0xffff  }
0x3b0: {  	v12 =	vshll.u32 v57, $0x1;
	v35 =	vmov v44;
	v44 =	vor.u32 v2, v39;
	v2 =	vld [tilespmem:$0x1FFA0]  }
0x3b1: {  	v6 =	vand.u32 $0xFFFFFF00, v12;
	v8 =	vshll.u32 v41, $0x1;
	v61 =	vadd.s32 v18, v0  }
0x3b2: {  	v41 =	vand.u32 $0x7F, v41;
	v8 =	vand.u32 $0xFFFFFF00, v8;
	v63 =	vshll.u32 v61, $0x1  }
0x3b3: {  	v8 =	vor.u32 v8, v41;
	v29 =	vand.u32 $0x7F, v61;
	v12 =	vand.u32 $0xFFFFFF00, v63  }
0x3b4: {  	[tilespmem:v14+s18+$0x0] =	vst.idx.msk $0xffff, v10;
	v12 =	vor.u32 v12, v29;
	v29 =	vand.u32 $0xFFFFFF00, v59;
	v41 =	vor.u32 v62, v39  }
0x3b5: {  	v62 =	vor.u32 v16, v60;
	v16 =	vor.u32 v29, v56;
	v29 =	vadd.s32 v2, v0;
	v2 =	vld [tilespmem:$0x1FF70]  }
0x3b6: {  	v11 =	vld.idx.msk [tilespmem:v11+s14+$0x0], $0xffff  }
0x3b7: {  	[tilespmem:v55+s18+$0x0] =	vst.idx.msk $0xffff, v15;
	v15 =	vld [tilespmem:$0x1FFB0]  }
0x3b8: {  	v7 =	vor.u32 v26, v34;
	v13 =	vor.u32 $0x80, v13  }
0x3b9: {  	v37 =	vmovc v54;
	v54 =	vor.u32 v25, v39;
	v14 =	vor.u32 $0x80, v8;
	v8 =	vshll.u32 v29, $0x1  }
0x3ba: {  	v63 =	vand.u32 $0x7F, v29;
	v8 =	vand.u32 $0xFFFFFF00, v8;
	v61 =	vadd.s32 v2, v0  }
0x3bb: {  	v10 =	vor.u32 $0x80, v47;
	v47 =	vmovc v12;
	v12 =	vor.u32 v8, v63;
	v8 =	vshll.u32 v61, $0x1  }
0x3bc: {  	v9 =	vld.idx.msk [tilespmem:v9+s14+$0x0], $0xffff;
	v15 =	vadd.s32 v15, v0;
	v29 =	vand.u32 $0x7F, v61;
	v8 =	vand.u32 $0xFFFFFF00, v8  }
0x3bd: {  	[tilespmem:v13+s18+$0x0] =	vst.idx.msk $0xffff, v52;
	v56 =	vshll.u32 v15, $0x1;
	v61 =	vor.u32 v8, v29;
	v8 =	vand.u32 $0x7F, v15;
	v15 =	vld [tilespmem:$0x1FF50]  }
0x3be: {  	v57 =	vand.u32 $0x7F, v57;
	v29 =	vld.idx.msk [tilespmem:v54+s14+$0x0], $0xffff  }
0x3bf: {  	v55 =	vand.u32 $0xFFFFFF00, v56;
	[tilespmem:v4+s18+$0x0] =	vst.idx.msk $0xffff, v11;
	v4 =	vor.u32 v6, v57;
	v6 =	vld [tilespmem:$0x1FEB0]  }
0x3c0: {  	v13 =	vor.u32 v55, v8;
	v8 =	vld [tilespmem:$0x1FF90]  }
0x3c1: {  	v7 =	vld.idx.msk [tilespmem:v7+s14+$0x0], $0xffff  }
0x3c2: {  	[tilespmem:v48+s18+$0x0] =	vst.idx.msk $0xffff, v9;
	v9 =	vld [tilespmem:$0x1FF80]  }
0x3c3: {  	v53 =	vor.u32 $0x80, v40  }
0x3c4: {  	v59 =	vor.u32 v22, v34;
	v60 =	vor.u32 $0x80, v45;
	v55 =	vor.u32 $0x80, v1;
	v1 =	vld [tilespmem:$0x1FFD0]  }
0x3c5: {  	v45 =	vmovc v16;
	v16 =	vlaneseq.u32;
	v2 =	vor.u32 v28, v39;
	v54 =	vor.u32 $0x80, v5  }
0x3c6: {  	v48 =	vor.u32 $0x80, v43;
	v15 =	vadd.s32 v15, v0;
	v63 =	vor.u32 v6, v34  }
0x3c7: {  	p0 =	sne.s32 s26, $0x2F;
	v6 =	vor.u32 v21, v39;
	v8 =	vadd.s32 v8, v0;
	v9 =	vadd.s32 v9, v0  }
.Ltmp5:
0x3c8: {  	v0 =	vld.idx.msk [tilespmem:v49+s14+$0x0], $0xffff;
	[tilespmem:v14+s18+$0x0] =	vst.idx.msk $0xffff, v29;
	v29 =	vor.u32 $0x80, v46;
	v56 =	vand.u32 $0x7F, v8;
	v8 =	vshll.u32 v8, $0x1;
	(pc) =	sbr.rel @p0 .LBB2_9-.Ltmp5, $4  }
0x3c9: {  	v49 =	vor.u32 v1, v34;
	v11 =	vand.u32 $0xFFFFFF00, v8;
	v8 =	vor.u32 $0x80, v4  }
0x3ca: {  	v4 =	vshll.u32 v15, $0x1;
	v15 =	vand.u32 $0x7F, v15;
	v52 =	vor.u32 v11, v56  }
0x3cb: {  	s28 =	smov.u32 s26;
	v43 =	vmovc v13;
	v46 =	vmovc v12;
	v11 =	vand.u32 $0xFFFFFF00, v42;
	v4 =	vand.u32 $0xFFFFFF00, v4;
	v56 =	vand.u32 $0x7F, v9  }
0x3cc: {  	s26 =	sadd.s32 $0x1, s26;
	s25 =	smov.u32 s28;
	[tilespmem:v10+s18+$0x0] =	vst.idx.msk $0xffff, v7;
	v42 =	vshll.u32 v9, $0x1;
	v57 =	vor.u32 v4, v15;
	v40 =	vor.u32 v11, v3  }
0x3cd: {  	v1 =	vadd.s32 s25, v16  }
0x3ce: {  	v3 =	vadd.s32 s25, v20;
	vm0 =	vgt.u32 v1, $0x2F  }
0x3cf: {  	v1 =	vsel vm0, v3, v1  }
0x3d0: {  	v3 =	vshll.u32 v1, $0x9;
	v4 =	vshll.u32 v1, $0x8  }
0x3d1: {  	v3 =	vand.u32 $0xFFFFF800, v3;
	v4 =	vand.u32 $0x300, v4  }
0x3d2: {  	v3 =	vor.u32 v3, v4;
	v4 =	vld [tilespmem:$0x1FE30]  }
0x3d3: {  	v14 =	vld [tilespmem:$0x1FFF0];
	_ =	sdelay $0x3  }
0x3d4: {  	v4 =	vor.u32 v4, v3  }
0x3d5: {  	v5 =	vadd.s32 v14, v1  }
0x3d6: {  	v15 =	vld [tilespmem:$0x1FFE0];
	v7 =	vshll.u32 v5, $0x1  }
0x3d7: {  	v5 =	vand.u32 $0x7F, v5;
	v7 =	vand.u32 $0xFFFFFF00, v7  }
0x3d8: {  	v5 =	vor.u32 v7, v5  }
0x3d9: {  	v20 =	vor.u32 $0x80, v3;
	v3 =	vor.u32 $0x80, v5;
	v4 =	vld.idx.msk [tilespmem:v4+s14+$0x0], $0xffff  }
0x3da: {  	v5 =	vor.u32 v25, v20  }
0x3db: {  	v7 =	vadd.s32 v15, v1  }
0x3dc: {  	v9 =	vshll.u32 v7, $0x1  }
0x3dd: {  	v7 =	vand.u32 $0x7F, v7;
	v9 =	vand.u32 $0xFFFFFF00, v9  }
0x3de: {  	v7 =	vor.u32 v9, v7;
	[tilespmem:v3+s18+$0x0] =	vst.idx.msk $0xffff, v4  }
0x3df: {  	v3 =	vor.u32 $0x80, v7;
	v4 =	vld.idx.msk [tilespmem:v5+s14+$0x0], $0xffff  }
0x3e0: {  	v5 =	vor.u32 v28, v20  }
0x3e1: {  	v7 =	vadd.s32 v17, v1  }
0x3e2: {  	v9 =	vshll.u32 v7, $0x1  }
0x3e3: {  	v7 =	vand.u32 $0x7F, v7;
	v9 =	vand.u32 $0xFFFFFF00, v9  }
0x3e4: {  	v2 =	vld.idx.msk [tilespmem:v2+s14+$0x0], $0xffff;
	v7 =	vor.u32 v9, v7;
	[tilespmem:v3+s18+$0x0] =	vst.idx.msk $0xffff, v4  }
0x3e5: {  	v3 =	vor.u32 $0x80, v7;
	v4 =	vld.idx.msk [tilespmem:v5+s14+$0x0], $0xffff  }
0x3e6: {  	v5 =	vor.u32 v21, v20  }
0x3e7: {  	v7 =	vadd.s32 v24, v1  }
0x3e8: {  	v9 =	vshll.u32 v7, $0x1  }
0x3e9: {  	[tilespmem:v8+s18+$0x0] =	vst.idx.msk $0xffff, v2;
	v2 =	vand.u32 $0x7F, v7;
	v7 =	vand.u32 $0xFFFFFF00, v9  }
0x3ea: {  	v6 =	vld.idx.msk [tilespmem:v6+s14+$0x0], $0xffff;
	v2 =	vor.u32 v7, v2;
	[tilespmem:v3+s18+$0x0] =	vst.idx.msk $0xffff, v4  }
0x3eb: {  	v2 =	vor.u32 $0x80, v2;
	v4 =	vld.idx.msk [tilespmem:v5+s14+$0x0], $0xffff;
	_ =	sdelay $0x3  }
0x3ec: {  	[tilespmem:v50+s18+$0x0] =	vst.idx.msk $0xffff, v6  }
0x3ed: {  	v3 =	vor.u32 v27, v39;
	[tilespmem:v2+s18+$0x0] =	vst.idx.msk $0xffff, v4  }
0x3ee: {  	v5 =	vor.u32 v27, v20;
	v24 =	vld [tilespmem:$0x1FFC0]  }
0x3ef: {  	v7 =	vadd.s32 v23, v1  }
0x3f0: {  	v8 =	vshll.u32 v7, $0x1  }
0x3f1: {  	v7 =	vand.u32 $0x7F, v7;
	v50 =	vand.u32 $0xFFFFFF00, v8  }
0x3f2: {  	v8 =	vor.u32 $0x80, v62;
	v6 =	vor.u32 v50, v7;
	v3 =	vld.idx.msk [tilespmem:v3+s14+$0x0], $0xffff  }
0x3f3: {  	v4 =	vor.u32 $0x80, v6;
	v5 =	vld.idx.msk [tilespmem:v5+s14+$0x0], $0xffff;
	v2 =	vor.u32 v24, v39  }
0x3f4: {  	v6 =	vor.u32 v24, v20  }
0x3f5: {  	v50 =	vadd.s32 v19, v1  }
0x3f6: {  	v9 =	vshll.u32 v50, $0x1  }
0x3f7: {  	v62 =	vand.u32 $0x7F, v50;
	v50 =	vand.u32 $0xFFFFFF00, v9;
	[tilespmem:v8+s18+$0x0] =	vst.idx.msk $0xffff, v3  }
0x3f8: {  	v8 =	vor.u32 $0x80, v58;
	v3 =	vor.u32 v50, v62;
	[tilespmem:v4+s18+$0x0] =	vst.idx.msk $0xffff, v5;
	v2 =	vld.idx.msk [tilespmem:v2+s14+$0x0], $0xffff  }
0x3f9: {  	v3 =	vor.u32 $0x80, v3;
	v4 =	vor.u32 v26, v39;
	v5 =	vld.idx.msk [tilespmem:v6+s14+$0x0], $0xffff;
	_ =	sdelay $0x1  }
0x3fa: {  	v6 =	vor.u32 v26, v20  }
0x3fb: {  	v58 =	vadd.s32 v18, v1  }
0x3fc: {  	v9 =	vshll.u32 v58, $0x1;
	[tilespmem:v8+s18+$0x0] =	vst.idx.msk $0xffff, v2  }
0x3fd: {  	v50 =	vand.u32 $0x7F, v58;
	v58 =	vand.u32 $0xFFFFFF00, v9;
	[tilespmem:v3+s18+$0x0] =	vst.idx.msk $0xffff, v5;
	v4 =	vld.idx.msk [tilespmem:v4+s14+$0x0], $0xffff  }
0x3fe: {  	v62 =	vmov v18;
	v2 =	vor.u32 v58, v50;
	v50 =	vor.u32 $0x80, v47;
	v18 =	vld [tilespmem:$0x1FEC0]  }
0x3ff: {  	v58 =	vor.u32 v22, v39;
	v2 =	vor.u32 $0x80, v2;
	v5 =	vld.idx.msk [tilespmem:v6+s14+$0x0], $0xffff;
	_ =	sdelay $0x1  }
0x400: {  	v6 =	vor.u32 v22, v20;
	_ =	sdelay $0x1  }
0x401: {  	v8 =	vadd.s32 v18, v1;
	[tilespmem:v50+s18+$0x0] =	vst.idx.msk $0xffff, v4;
	v4 =	vld.idx.msk [tilespmem:v59+s14+$0x0], $0xffff  }
0x402: {  	[tilespmem:v2+s18+$0x0] =	vst.idx.msk $0xffff, v5;
	v9 =	vshll.u32 v8, $0x1;
	v3 =	vld.idx.msk [tilespmem:v58+s14+$0x0], $0xffff  }
0x403: {  	v17 =	vmov v19;
	v47 =	vand.u32 $0x7F, v8;
	v19 =	vld [tilespmem:$0x1FEB0];
	v8 =	vand.u32 $0xFFFFFF00, v9  }
0x404: {  	v6 =	vld.idx.msk [tilespmem:v6+s14+$0x0], $0xffff;
	v7 =	vor.u32 v8, v47;
	v8 =	vor.u32 $0x80, v45  }
0x405: {  	v11 =	vld [tilespmem:$0x1FFA0];
	v58 =	vor.u32 $0x80, v7;
	_ =	sdelay $0x2  }
0x406: {  	[tilespmem:v60+s18+$0x0] =	vst.idx.msk $0xffff, v4;
	v50 =	vor.u32 v19, v39  }
0x407: {  	[tilespmem:v8+s18+$0x0] =	vst.idx.msk $0xffff, v3  }
0x408: {  	v59 =	vor.u32 v19, v20;
	v9 =	vadd.s32 v11, v1;
	v47 =	vld.idx.msk [tilespmem:v63+s14+$0x0], $0xffff;
	[tilespmem:v58+s18+$0x0] =	vst.idx.msk $0xffff, v6  }
0x409: {  	v45 =	vshll.u32 v9, $0x1;
	v12 =	vld [tilespmem:$0x1FF60]  }
0x40a: {  	v8 =	vand.u32 $0x7F, v9;
	v4 =	vand.u32 $0xFFFFFF00, v45;
	v58 =	vld [tilespmem:$0x1FF70]  }
0x40b: {  	v4 =	vor.u32 v4, v8;
	v8 =	vor.u32 $0x80, v46;
	v2 =	vld.idx.msk [tilespmem:v50+s14+$0x0], $0xffff;
	_ =	sdelay $0x1  }
0x40c: {  	v4 =	vor.u32 $0x80, v4;
	v5 =	vld.idx.msk [tilespmem:v59+s14+$0x0], $0xffff  }
0x40d: {  	v50 =	vor.u32 v12, v20  }
0x40e: {  	[tilespmem:v29+s18+$0x0] =	vst.idx.msk $0xffff, v47;
	v60 =	vadd.s32 v58, v1  }
0x40f: {  	v63 =	vshll.u32 v60, $0x1;
	[tilespmem:v8+s18+$0x0] =	vst.idx.msk $0xffff, v2;
	v8 =	vld.idx.msk [tilespmem:v35+s14+$0x0], $0xffff  }
0x410: {  	v7 =	vand.u32 $0x7F, v60;
	v13 =	vld [tilespmem:$0x1FF40];
	v3 =	vand.u32 $0xFFFFFF00, v63  }
0x411: {  	v46 =	vor.u32 $0x80, v61;
	v9 =	vld.idx.msk [tilespmem:v44+s14+$0x0], $0xffff;
	[tilespmem:v4+s18+$0x0] =	vst.idx.msk $0xffff, v5;
	v3 =	vor.u32 v3, v7  }
0x412: {  	v3 =	vor.u32 $0x80, v3;
	v5 =	vld.idx.msk [tilespmem:v50+s14+$0x0], $0xffff  }
0x413: {  	v10 =	vld [tilespmem:$0x1FFB0];
	_ =	sdelay $0x1  }
0x414: {  	[tilespmem:v55+s18+$0x0] =	vst.idx.msk $0xffff, v8;
	v45 =	vor.u32 v13, v34  }
0x415: {  	v47 =	vor.u32 v13, v39;
	[tilespmem:v46+s18+$0x0] =	vst.idx.msk $0xffff, v9  }
0x416: {  	v50 =	vor.u32 v13, v20;
	[tilespmem:v3+s18+$0x0] =	vst.idx.msk $0xffff, v5  }
0x417: {  	v29 =	vmov v10;
	v10 =	vadd.s32 v10, v1;
	v9 =	vld [tilespmem:$0x1FFD0]  }
0x418: {  	v8 =	vshll.u32 v10, $0x1  }
0x419: {  	v59 =	vand.u32 $0x7F, v10;
	v8 =	vand.u32 $0xFFFFFF00, v8;
	v2 =	vld.idx.msk [tilespmem:v45+s14+$0x0], $0xffff  }
0x41a: {  	v7 =	vor.u32 v8, v59;
	v8 =	vor.u32 $0x80, v43;
	v4 =	vld.idx.msk [tilespmem:v47+s14+$0x0], $0xffff  }
0x41b: {  	v61 =	vor.u32 $0x80, v7;
	v6 =	vld.idx.msk [tilespmem:v50+s14+$0x0], $0xffff  }
0x41c: {  	v60 =	vor.u32 v9, v39;
	v34 =	vmov v9;
	v63 =	vor.u32 v9, v20;
	v9 =	vld [tilespmem:$0x1FF90];
	_ =	sdelay $0x1  }
0x41d: {  	[tilespmem:v48+s18+$0x0] =	vst.idx.msk $0xffff, v2  }
0x41e: {  	[tilespmem:v8+s18+$0x0] =	vst.idx.msk $0xffff, v4  }
0x41f: {  	[tilespmem:v61+s18+$0x0] =	vst.idx.msk $0xffff, v6  }
0x420: {  	v45 =	vld [tilespmem:$0x1FED0];
	[tilespmem:v51+s18+$0x0] =	vst.idx.msk $0xffff, v0;
	v35 =	vmov v9;
	v9 =	vadd.s32 v9, v1  }
0x421: {  	v0 =	vld [tilespmem:$0x1FF50];
	v39 =	vshll.u32 v9, $0x1  }
0x422: {  	v44 =	vor.u32 $0x80, v52;
	v3 =	vld.idx.msk [tilespmem:v60+s14+$0x0], $0xffff;
	v8 =	vand.u32 $0x7F, v9;
	v2 =	vand.u32 $0xFFFFFF00, v39  }
0x423: {  	v43 =	vor.u32 $0x80, v36;
	v9 =	vld.idx.msk [tilespmem:v49+s14+$0x0], $0xffff;
	v2 =	vor.u32 v2, v8  }
0x424: {  	v6 =	vld.idx.msk [tilespmem:v63+s14+$0x0], $0xffff;
	v2 =	vor.u32 $0x80, v2  }
0x425: {  	v46 =	vld.idx.msk [tilespmem:v31+s14+$0x0], $0xffff;
	_ =	sdelay $0x1  }
0x426: {  	[tilespmem:v44+s18+$0x0] =	vst.idx.msk $0xffff, v3  }
0x427: {  	[tilespmem:v43+s18+$0x0] =	vst.idx.msk $0xffff, v9  }
0x428: {  	v7 =	vor.u32 v45, v20;
	v50 =	vld.idx.msk [tilespmem:v41+s14+$0x0], $0xffff;
	[tilespmem:v2+s18+$0x0] =	vst.idx.msk $0xffff, v6  }
0x429: {  	v39 =	vmov v0;
	v0 =	vadd.s32 v0, v1;
	v51 =	vld [tilespmem:$0x1FEE0];
	[tilespmem:v37+s18+$0x0] =	vst.idx.msk $0xffff, v46  }
0x42a: {  	v49 =	vor.u32 $0x80, v57;
	v8 =	vshll.u32 v0, $0x1;
	v4 =	vld [tilespmem:$0x1FF80]  }
0x42b: {  	v0 =	vand.u32 $0x7F, v0;
	v47 =	vand.u32 $0xFFFFFF00, v8;
	v48 =	vld.idx.msk [tilespmem:v33+s14+$0x0], $0xffff  }
0x42c: {  	v0 =	vor.u32 v47, v0  }
0x42d: {  	v0 =	vor.u32 $0x80, v0;
	v6 =	vld.idx.msk [tilespmem:v7+s14+$0x0], $0xffff  }
0x42e: {  	v7 =	vor.u32 v51, v20  }
0x42f: {  	[tilespmem:v49+s18+$0x0] =	vst.idx.msk $0xffff, v50;
	v1 =	vadd.s32 v4, v1  }
0x430: {  	v52 =	vand.u32 $0xFFFFFF00, v42;
	v57 =	vor.u32 $0x80, v40;
	v55 =	vld.idx.msk [tilespmem:v30+s14+$0x0], $0xffff;
	[tilespmem:v54+s18+$0x0] =	vst.idx.msk $0xffff, v48;
	v8 =	vshll.u32 v1, $0x1  }
0x431: {  	v59 =	vld.idx.msk [tilespmem:v32+s14+$0x0], $0xffff;
	v21 =	vmovc v4;
	v4 =	vor.u32 v52, v56;
	v1 =	vand.u32 $0x7F, v1;
	v8 =	vand.u32 $0xFFFFFF00, v8  }
0x432: {  	v63 =	vld.idx.msk [tilespmem:v38+s14+$0x0], $0xffff;
	[tilespmem:v0+s18+$0x0] =	vst.idx.msk $0xffff, v6;
	v61 =	vor.u32 $0x80, v4;
	v60 =	vor.u32 v8, v1  }
0x433: {  	v0 =	vor.u32 $0x80, v60;
	v6 =	vld.idx.msk [tilespmem:v7+s14+$0x0], $0xffff  }
0x434: {  	s24 =	smul.u32 $0x5400, s24  }
.Ltmp6:
0x435: {  	[tilespmem:v53+s18+$0x0] =	vst.idx.msk $0xffff, v55;
	(pc) =	sbr.rel @p1 .LBB2_12-.Ltmp6, $4  }
0x436: {  	s24 =	sadd.s32 s9, s24;
	[tilespmem:v57+s18+$0x0] =	vst.idx.msk $0xffff, v59  }
0x437: {  	s24 =	sshrl.u32 s24, $0x3;
	[tilespmem:v61+s18+$0x0] =	vst.idx.msk $0xffff, v63  }
0x438: {  	s24 =	sadd.s32 s4, s24;
	v25 =	vmovc v28;
	v10 =	vmov v24;
	v36 =	vmov v45;
	v45 =	vmov v17;
	[tilespmem:v0+s18+$0x0] =	vst.idx.msk $0xffff, v6  }
0x439: {  	v47 =	vmovc v22;
	v46 =	vmovc v26;
	v49 =	vmov v19;
	v48 =	vmov v18;
	v27 =	vmov v51;
	[hbm4b:s24+s5] =	stream.linear.scatter [tilespmem:s18], [sflag:$0x4], $0x5400, $0x38;
	[tilespmem:$0x16800] =	vst v63  }
0x43a: {  	s23 =	sadd.s32 s23, s12;
	v17 =	vld [tilespmem:$0x1FE40]  }
0x43b: {  	v20 =	vld [tilespmem:$0x1FE50];
	s23 =	smul.u32 $0x6000, s23  }
.Ltmp7:
0x43c: {  	v24 =	vld [tilespmem:$0x1FE60];
	(pc) =	sbr.rel .LBB2_2-.Ltmp7, $4  }
0x43d: {  	v55 =	vld [tilespmem:$0x1FE70];
	s23 =	sadd.s32 s3, s23  }
0x43e: {  	v42 =	vld [tilespmem:$0x1FE90];
	s23 =	sshrl.u32 s23, $0x3  }
0x43f: {  	s22 =	sadd.s32 $0x1, s22;
	v57 =	vld [tilespmem:$0x1FE80];
	s23 =	sadd.s32 s1, s23  }
0x440: {  	v18 =	vmovc v29;
	v22 =	vmovc v34;
	v19 =	vmov v35;
	v23 =	vmov v36;
	v26 =	vmov v39;
	v44 =	vld [tilespmem:$0x1FEA0];
	[tilespmem:s14], [sflag:$0x2] =	stream.linear.gather [hbm4b:s23+s5], $0x6000, $0x38  }
.LBB2_13:
0x441: {  	_ =	sfence.sel $0x180000  }
0x442: {  	[bflag:$0x0] =	sbarrier.arrive $0xFFFF  }
0x443: {  	p0 =	sne.s32 s0, $0x0;
	_ =	strace $0x90000047  }
0x444: {  	s0 =	sadd.s32 @!p0 $0x100000, s2;
	[bflag:$0x2] =	sbarrier.arrive $0xFFFF  }
0x445: {  	[sflag:s0] =	ssyncadd.tile.s32 @!p0 $0x1;
	_ =	shalt  }
.Lfunc_end2:
_tile_overlayer_lowered:
.L_overlay_start_2:
0x446: {  	(tag) =	ssettag $0x2  }
0x447: {  	s0 =	rddreg [dreg:$0x0];
	s2 =	stileid.u32  }
0x448: {  	s1 =	rddreg [dreg:$0x1];
	p0 =	sne.s32 s2, $0x0  }
0x449: {  	s3 =	rddreg [dreg:$0x2];
	[bflag:$0x3] =	sbarrier.arrive $0xFFFF;
	s2 =	simm.s32 @!p0 $0x1C05  }
0x44a: {  	[timem:s3], [sflag:s2] =	dma.local @!p0 [hbm:s0], s1  }
0x44b: {  	s0 =	simm.s32 @!p0 $0x5  }
0x44c: {  	_ =	swait.ge @!p0 [sflag:s0], s1  }
0x44d: {  	s1 =	ssub.s32 @!p0 $0x0, s1;
	[sflag:s0] =	ssyncset.done @!p0 $0x0  }
0x44e: {  	[sflag:s0] =	ssyncadd.s32 @!p0 s1  }
0x44f: {  	[bflag:$0x3] =	sbarrier.arrive $0xFFFF  }
0x450: {  	_ =	shalt  }

</sc_bundles>
